<compile_context>
chip_gen: v7x
topology: tpu7x:2x2x1
jax: 0.10.2.dev20260603
libtpu: 0.0.44.dev20260713+nightly
codegen_flags: <defaults>
</compile_context>

<pallas_src>
import functools

import jax
import jax.numpy as jnp
from jax import lax
from jax.experimental import pallas as pl
from jax.experimental.pallas import tpu as pltpu
from jax.experimental.pallas import tpu_sc as plsc

NUM_CORES = 2
NUM_SUBCORES = 16
NUM_WORKERS = NUM_CORES * NUM_SUBCORES
LANES = 16
NBUF = 4


def kernel(query_index, knowledge, knowledge_len):
    B, S = query_index.shape
    K, T, L = knowledge.shape
    NP = L * T

    kt = jnp.transpose(knowledge, (2, 1, 0))
    klt = lax.bitcast_convert_type(
        jnp.transpose(knowledge_len, (1, 0)), jnp.float32)
    qit = jnp.transpose(query_index.astype(jnp.int32), (1, 0))

    mesh = plsc.VectorSubcoreMesh(core_axis_name="c", subcore_axis_name="s")

    @functools.partial(
        pl.kernel,
        mesh=mesh,
        compiler_params=pltpu.CompilerParams(needs_layout_passes=False),
        out_type=[
            jax.ShapeDtypeStruct((L, S * T, B), jnp.float32),
            jax.ShapeDtypeStruct((S * T, B), jnp.float32),
        ],
        scratch_types=[
            pltpu.VMEM((K,), jnp.float32),
            pltpu.VMEM((S, B), jnp.int32),
            pltpu.VMEM((NBUF * B,), jnp.float32),
            pltpu.SemaphoreType.DMA,
            pltpu.SemaphoreType.DMA,
        ],
    )
    def gather_kernel(qit_hbm, kt_hbm, klt_hbm, ot_hbm, olt_hbm,
                      plane_v, qi_v, ob_v, sem_in, sem_out):
        w = lax.axis_index("s") * NUM_CORES + lax.axis_index("c")
        pltpu.sync_copy(qit_hbm, qi_v)

        def load_plane(src_row):
            pltpu.async_copy(src_row, plane_v, sem_in).wait()

        def gather_row_into(s, buf):
            G = 8
            for k0 in range(0, B // LANES, G):
                qvs = [qi_v[s, pl.ds((k0 + j) * LANES, LANES)]
                       for j in range(G)]
                gs = [plsc.load_gather(plane_v, [qv]) for qv in qvs]
                for j in range(G):
                    ob_v[pl.ds(buf * B + (k0 + j) * LANES, LANES)] = gs[j]

        def row_out(buf, dst_row):
            pltpu.async_copy(ob_v.at[pl.ds(buf * B, B)], dst_row, sem_out)

        def drain_one():
            pltpu.make_async_copy(ob_v.at[pl.ds(0, B)], ot_hbm.at[0, 0],
                                  sem_out).wait()

        n_f = (NP - 1 - w) // NUM_WORKERS + 1

        def f32_body(i, carry):
            p = w + i * NUM_WORKERS
            l = p // T
            t = p - l * T
            load_plane(kt_hbm.at[l, t])

            def s_body(s, r):
                buf = lax.rem(r, NBUF)

                @pl.when(r >= NBUF)
                def _():
                    drain_one()

                gather_row_into(s, buf)
                row_out(buf, ot_hbm.at[l, s * T + t])
                return r + 1

            return lax.fori_loop(0, S, s_body, carry)

        r = lax.fori_loop(0, n_f, f32_body, 0)

        @pl.when(jnp.logical_and(w >= 8, w < 8 + T))
        def _():
            t = w - 8
            load_plane(klt_hbm.at[t])

            def s_body(s, r):
                buf = lax.rem(r, NBUF)
                drain_one()
                gather_row_into(s, buf)
                row_out(buf, olt_hbm.at[s * T + t])
                return r + 1

            lax.fori_loop(0, S, s_body, r)

        for _ in range(NBUF):
            drain_one()

    ot, olt = gather_kernel(qit, kt, klt)
    batch_tensors = jnp.transpose(ot, (2, 1, 0))
    batch_len_tensors = lax.bitcast_convert_type(
        jnp.transpose(olt, (1, 0)), jnp.int32)
    return batch_tensors, batch_len_tensors

# --- scband reference (transcript-rebuilt; emitter-appended) ---
"""Pipeline reference for scband-dbquerier-20212116095185 (READ-ONLY COPY).

The authoritative reference and input builder live on the scoring server;
editing this copy changes nothing except your own understanding.
"""

import jax, jax.numpy as jnp
import numpy as np

TRIPLE_NUM_PER_GRAPH = 20
TRIPLE_LEN = 10
NUM_KNOWLEDGE = 100000
BATCH = 1024
SEQ = 20


def setup_inputs(seed: int = 0) -> dict:
    key = jax.random.key(seed)
    k1, k2, k3 = jax.random.split(key, 3)
    query_index = jax.random.randint(k1, (BATCH, SEQ), 0, NUM_KNOWLEDGE)
    # knowledge table: [K, triple_num_per_graph, triple_len]. Original stores int token ids;
    # we materialize as float32 so the fwdbwd variant is differentiable w.r.t. the table.
    knowledge = jax.random.normal(k2, (NUM_KNOWLEDGE, TRIPLE_NUM_PER_GRAPH, TRIPLE_LEN), dtype=jnp.float32)
    knowledge_len = jax.random.randint(k3, (NUM_KNOWLEDGE, TRIPLE_NUM_PER_GRAPH), 0, TRIPLE_LEN)
    return {"query_index": query_index, "knowledge": knowledge, "knowledge_len": knowledge_len}


def reference(query_index, knowledge, knowledge_len):
    # Faithful translation of DBQuerier.forward assuming each knowledge entry holds exactly
    # triple_num_per_graph triples (so the truncate-to-S*T / pad branch is a no-op, which is
    # the steady-state production path).
    B, S = query_index.shape
    flat_idx = query_index.reshape(-1)  # [B*S]
    gathered = jnp.take(knowledge, flat_idx, axis=0)  # [B*S, T, L]
    batch_tensors = gathered.reshape(B, S * TRIPLE_NUM_PER_GRAPH, TRIPLE_LEN)
    gathered_len = jnp.take(knowledge_len, flat_idx, axis=0)  # [B*S, T]
    batch_len_tensors = gathered_len.reshape(B, S * TRIPLE_NUM_PER_GRAPH)
    return batch_tensors, batch_len_tensors

if __name__ == "__main__":
    import jax
    _d = setup_inputs()
    print(jax.jit(kernel)(*tuple(_d.values())))

</pallas_src>

<mosaic_0001>
#map = affine_map<(d0, d1) -> (0, 0)>
#map1 = affine_map<(d0, d1) -> (0, 0, 0)>
module attributes {stable_mosaic.version = 14 : i64} {
  func.func @gather_kernel(%arg0: i32, %arg1: i32, %arg2: memref<20x1024xi32, #tpu.memory_space<hbm>>, %arg3: memref<10x20x100000xf32, #tpu.memory_space<hbm>>, %arg4: memref<20x100000xf32, #tpu.memory_space<hbm>>, %arg5: memref<10x400x1024xf32, #tpu.memory_space<hbm>>, %arg6: memref<400x1024xf32, #tpu.memory_space<hbm>>, %arg7: memref<100000xf32, #tpu.memory_space<vmem>>, %arg8: memref<20x1024xi32, #tpu.memory_space<vmem>>, %arg9: memref<4096xf32, #tpu.memory_space<vmem>>, %arg10: memref<!tpu.dma_semaphore, #tpu.memory_space<semaphore_mem>>, %arg11: memref<!tpu.dma_semaphore, #tpu.memory_space<semaphore_mem>>) attributes {dimension_semantics = [#tpu.dimension_semantics<core_parallel>, #tpu.dimension_semantics<subcore_parallel>], iteration_bounds = array<i64: 2, 16>, scalar_prefetch = 0 : i64, scratch_operands = 5 : i64, tpu.core_type = #tpu.core_type<sc_vector_subcore>, window_params = [{transform_indices = #map}, {transform_indices = #map1}, {transform_indices = #map}, {transform_indices = #map1}, {transform_indices = #map}]} {
    %mul3A = arith.constant 2 : i32
    %mul3A_0 = arith.muli %arg1, %mul3A : i32
    %add3A = arith.addi %mul3A_0, %arg0 : i32
    "tpu.region"() ({
      %run_scoped3A = tpu.sem_alloc : memref<!tpu.dma_semaphore, #tpu.memory_space<semaphore_mem>>
      tpu.enqueue_dma source(%arg2 : memref<20x1024xi32, #tpu.memory_space<hbm>>) target(%arg8 : memref<20x1024xi32, #tpu.memory_space<vmem>>) target_semaphore(%run_scoped3A : memref<!tpu.dma_semaphore, #tpu.memory_space<semaphore_mem>>)
      tpu.wait_dma2 semaphore(%run_scoped3A : memref<!tpu.dma_semaphore, #tpu.memory_space<semaphore_mem>>) src(%arg2 : memref<20x1024xi32, #tpu.memory_space<hbm>>) dst(%arg8 : memref<20x1024xi32, #tpu.memory_space<vmem>>)
      tpu.yield
    }) : () -> ()
    %sub3A = arith.constant 199 : i32
    %sub3A_1 = arith.subi %sub3A, %add3A : i32
    %jit3A = arith.constant 32 : i32
    %div3A = arith.divsi %sub3A_1, %jit3A : i32
    %sign3A = arith.constant 0 : i32
    %sign3A_2 = arith.cmpi sgt, %sub3A_1, %sign3A : i32
    %sign3A_3 = arith.extui %sign3A_2 : i1 to i32
    %sign3A_4 = arith.constant 0 : i32
    %sign3A_5 = arith.cmpi slt, %sub3A_1, %sign3A_4 : i32
    %sign3A_6 = arith.extui %sign3A_5 : i1 to i32
    %sign3A_7 = arith.subi %sign3A_3, %sign3A_6 : i32
    %sign3A_8 = arith.constant 0 : i32
    %sign3A_9 = arith.cmpi sgt, %jit3A, %sign3A_8 : i32
    %sign3A_10 = arith.extui %sign3A_9 : i1 to i32
    %sign3A_11 = arith.constant 0 : i32
    %sign3A_12 = arith.cmpi slt, %jit3A, %sign3A_11 : i32
    %sign3A_13 = arith.extui %sign3A_12 : i1 to i32
    %sign3A_14 = arith.subi %sign3A_10, %sign3A_13 : i32
    %ne3A = arith.cmpi ne, %sign3A_7, %sign3A_14 : i32
    %rem3A = arith.remsi %sub3A_1, %jit3A : i32
    %ne3A_15 = arith.constant 0 : i32
    %ne3A_16 = arith.cmpi ne, %rem3A, %ne3A_15 : i32
    %and3A = arith.andi %ne3A, %ne3A_16 : i1
    %sub3A_17 = arith.constant 1 : i32
    %sub3A_18 = arith.subi %div3A, %sub3A_17 : i32
    %select_n3A = arith.select %and3A, %sub3A_18, %div3A : i32
    %add3A_19 = arith.constant 1 : i32
    %add3A_20 = arith.addi %select_n3A, %add3A_19 : i32
    %while3A = arith.constant 0 : i32
    %while3A_21 = arith.constant 0 : i32
    %while3A_22 = arith.subi %add3A_20, %while3A : i32
    %while3A_23 = arith.addi %while3A, %while3A_22 : i32
    %while3A_24 = arith.constant 1 : i32
    %while3A_25 = arith.divsi %while3A_22, %while3A_24 : i32
    %while3A_26 = arith.muli %while3A_25, %while3A_24 : i32
    %while3A_27 = arith.addi %while3A, %while3A_26 : i32
    %while3A_28 = arith.constant 1 : i32
    %while3A_29 = scf.for %while3A_83 = %while3A to %while3A_27 step %while3A_28 iter_args(%while3A_84 = %while3A_21) -> (i32)  : i32 {
      %mul3A_85 = arith.constant 32 : i32
      %mul3A_86 = arith.muli %while3A_83, %mul3A_85 : i32
      %add3A_87 = arith.addi %add3A, %mul3A_86 : i32
      %jit3A_88 = arith.constant 20 : i32
      %div3A_89 = arith.divsi %add3A_87, %jit3A_88 : i32
      %sign3A_90 = arith.constant 0 : i32
      %sign3A_91 = arith.cmpi sgt, %add3A_87, %sign3A_90 : i32
      %sign3A_92 = arith.extui %sign3A_91 : i1 to i32
      %sign3A_93 = arith.constant 0 : i32
      %sign3A_94 = arith.cmpi slt, %add3A_87, %sign3A_93 : i32
      %sign3A_95 = arith.extui %sign3A_94 : i1 to i32
      %sign3A_96 = arith.subi %sign3A_92, %sign3A_95 : i32
      %sign3A_97 = arith.constant 0 : i32
      %sign3A_98 = arith.cmpi sgt, %jit3A_88, %sign3A_97 : i32
      %sign3A_99 = arith.extui %sign3A_98 : i1 to i32
      %sign3A_100 = arith.constant 0 : i32
      %sign3A_101 = arith.cmpi slt, %jit3A_88, %sign3A_100 : i32
      %sign3A_102 = arith.extui %sign3A_101 : i1 to i32
      %sign3A_103 = arith.subi %sign3A_99, %sign3A_102 : i32
      %ne3A_104 = arith.cmpi ne, %sign3A_96, %sign3A_103 : i32
      %rem3A_105 = arith.remsi %add3A_87, %jit3A_88 : i32
      %ne3A_106 = arith.constant 0 : i32
      %ne3A_107 = arith.cmpi ne, %rem3A_105, %ne3A_106 : i32
      %and3A_108 = arith.andi %ne3A_104, %ne3A_107 : i1
      %sub3A_109 = arith.constant 1 : i32
      %sub3A_110 = arith.subi %div3A_89, %sub3A_109 : i32
      %select_n3A_111 = arith.select %and3A_108, %sub3A_110, %div3A_89 : i32
      %mul3A_112 = arith.constant 20 : i32
      %mul3A_113 = arith.muli %select_n3A_111, %mul3A_112 : i32
      %sub3A_114 = arith.subi %add3A_87, %mul3A_113 : i32
      %dma_start3A = arith.constant 0 : i32
      %dma_start3A_115 = tpu.memref_slice %arg3[%select_n3A_111, %sub3A_114, %dma_start3A] : memref<10x20x100000xf32, #tpu.memory_space<hbm>> -> memref<1x1x100000xf32, #tpu.memory_space<hbm>>
      %dma_start3A_116 = tpu.memref_squeeze %dma_start3A_115 : memref<1x1x100000xf32, #tpu.memory_space<hbm>> -> memref<100000xf32, #tpu.memory_space<hbm>>
      %dma_start3A_117 = arith.constant 0 : i32
      %dma_start3A_118 = tpu.memref_slice %arg3[%select_n3A_111, %sub3A_114, %dma_start3A_117] : memref<10x20x100000xf32, #tpu.memory_space<hbm>> -> memref<1x1x100000xf32, #tpu.memory_space<hbm>>
      %dma_start3A_119 = tpu.memref_squeeze %dma_start3A_118 : memref<1x1x100000xf32, #tpu.memory_space<hbm>> -> memref<100000xf32, #tpu.memory_space<hbm>>
      tpu.enqueue_dma source(%dma_start3A_119 : memref<100000xf32, #tpu.memory_space<hbm>>) target(%arg7 : memref<100000xf32, #tpu.memory_space<vmem>>) target_semaphore(%arg10 : memref<!tpu.dma_semaphore, #tpu.memory_space<semaphore_mem>>)
      %dma_wait3A_120 = arith.constant 0 : i32
      %dma_wait3A_121 = tpu.memref_slice %arg3[%select_n3A_111, %sub3A_114, %dma_wait3A_120] : memref<10x20x100000xf32, #tpu.memory_space<hbm>> -> memref<1x1x100000xf32, #tpu.memory_space<hbm>>
      %dma_wait3A_122 = tpu.memref_squeeze %dma_wait3A_121 : memref<1x1x100000xf32, #tpu.memory_space<hbm>> -> memref<100000xf32, #tpu.memory_space<hbm>>
      %dma_wait3A_123 = arith.constant 0 : i32
      %dma_wait3A_124 = tpu.memref_slice %arg3[%select_n3A_111, %sub3A_114, %dma_wait3A_123] : memref<10x20x100000xf32, #tpu.memory_space<hbm>> -> memref<1x1x100000xf32, #tpu.memory_space<hbm>>
      %dma_wait3A_125 = tpu.memref_squeeze %dma_wait3A_124 : memref<1x1x100000xf32, #tpu.memory_space<hbm>> -> memref<100000xf32, #tpu.memory_space<hbm>>
      tpu.wait_dma2 semaphore(%arg10 : memref<!tpu.dma_semaphore, #tpu.memory_space<semaphore_mem>>) src(%dma_wait3A_125 : memref<100000xf32, #tpu.memory_space<hbm>>) dst(%arg7 : memref<100000xf32, #tpu.memory_space<vmem>>)
      %scan3A = arith.constant 0 : i32
      %scan3A_126 = arith.constant 20 : i32
      %scan3A_127 = arith.addi %scan3A, %scan3A_126 : i32
      %scan3A_128 = arith.constant 1 : i32
      %scan3A_129 = scf.for %scan3A_131 = %scan3A to %scan3A_127 step %scan3A_128 iter_args(%scan3A_132 = %while3A_84) -> (i32)  : i32 {
        %rem3A_133 = arith.constant 4 : i32
        %rem3A_134 = arith.remsi %scan3A_132, %rem3A_133 : i32
        %ge3A_135 = arith.constant 4 : i32
        %ge3A_136 = arith.cmpi sge, %scan3A_132, %ge3A_135 : i32
        %convert_element_type3A_137 = arith.extui %ge3A_136 : i1 to i32
        %cond3A_138 = arith.constant 0 : i32
        %cond3A_139 = arith.cmpi ne, %convert_element_type3A_137, %cond3A_138 : i32
        scf.if %cond3A_139 {
          %dma_wait3A_792 = arith.constant 0 : i32
          %dma_wait3A_793 = arith.constant 0 : i32
          %dma_wait3A_794 = arith.constant 0 : i32
          %dma_wait3A_795 = tpu.memref_slice %arg9[%dma_wait3A_794] : memref<4096xf32, #tpu.memory_space<vmem>> -> memref<1024xf32, #tpu.memory_space<vmem>>
          %dma_wait3A_796 = arith.constant 0 : i32
          %dma_wait3A_797 = tpu.memref_slice %arg5[%dma_wait3A_792, %dma_wait3A_793, %dma_wait3A_796] : memref<10x400x1024xf32, #tpu.memory_space<hbm>> -> memref<1x1x1024xf32, #tpu.memory_space<hbm>>
          %dma_wait3A_798 = tpu.memref_squeeze %dma_wait3A_797 : memref<1x1x1024xf32, #tpu.memory_space<hbm>> -> memref<1024xf32, #tpu.memory_space<hbm>>
          %dma_wait3A_799 = arith.constant 0 : i32
          %dma_wait3A_800 = tpu.memref_slice %arg5[%dma_wait3A_792, %dma_wait3A_793, %dma_wait3A_799] : memref<10x400x1024xf32, #tpu.memory_space<hbm>> -> memref<1x1x1024xf32, #tpu.memory_space<hbm>>
          %dma_wait3A_801 = tpu.memref_squeeze %dma_wait3A_800 : memref<1x1x1024xf32, #tpu.memory_space<hbm>> -> memref<1024xf32, #tpu.memory_space<hbm>>
          %dma_wait3A_802 = arith.constant 0 : i32
          %dma_wait3A_803 = tpu.memref_slice %arg9[%dma_wait3A_802] : memref<4096xf32, #tpu.memory_space<vmem>> -> memref<1024xf32, #tpu.memory_space<vmem>>
          tpu.wait_dma2 semaphore(%arg11 : memref<!tpu.dma_semaphore, #tpu.memory_space<semaphore_mem>>) src(%dma_wait3A_803 : memref<1024xf32, #tpu.memory_space<vmem>>) dst(%dma_wait3A_801 : memref<1024xf32, #tpu.memory_space<hbm>>)
        } else {
        }
        %get3A = arith.index_cast %scan3A_131 : i32 to index
        %get3A_140 = arith.constant 0 : index
        %get3A_141 = tpu.vector_load %arg8[%get3A, %get3A_140] {strides = array<i32>} : memref<20x1024xi32, #tpu.memory_space<vmem>>, vector<16xi32>,
        %get3A_142 = arith.index_cast %scan3A_131 : i32 to index
        %get3A_143 = arith.constant 16 : index
        %get3A_144 = tpu.vector_load %arg8[%get3A_142, %get3A_143] {strides = array<i32>} : memref<20x1024xi32, #tpu.memory_space<vmem>>, vector<16xi32>,
        %get3A_145 = arith.index_cast %scan3A_131 : i32 to index
        %get3A_146 = arith.constant 32 : index
        %get3A_147 = tpu.vector_load %arg8[%get3A_145, %get3A_146] {strides = array<i32>} : memref<20x1024xi32, #tpu.memory_space<vmem>>, vector<16xi32>,
        %get3A_148 = arith.index_cast %scan3A_131 : i32 to index
        %get3A_149 = arith.constant 48 : index
        %get3A_150 = tpu.vector_load %arg8[%get3A_148, %get3A_149] {strides = array<i32>} : memref<20x1024xi32, #tpu.memory_space<vmem>>, vector<16xi32>,
        %get3A_151 = arith.index_cast %scan3A_131 : i32 to index
        %get3A_152 = arith.constant 64 : index
        %get3A_153 = tpu.vector_load %arg8[%get3A_151, %get3A_152] {strides = array<i32>} : memref<20x1024xi32, #tpu.memory_space<vmem>>, vector<16xi32>,
        %get3A_154 = arith.index_cast %scan3A_131 : i32 to index
        %get3A_155 = arith.constant 80 : index
        %get3A_156 = tpu.vector_load %arg8[%get3A_154, %get3A_155] {strides = array<i32>} : memref<20x1024xi32, #tpu.memory_space<vmem>>, vector<16xi32>,
        %get3A_157 = arith.index_cast %scan3A_131 : i32 to index
        %get3A_158 = arith.constant 96 : index
        %get3A_159 = tpu.vector_load %arg8[%get3A_157, %get3A_158] {strides = array<i32>} : memref<20x1024xi32, #tpu.memory_space<vmem>>, vector<16xi32>,
        %get3A_160 = arith.index_cast %scan3A_131 : i32 to index
        %get3A_161 = arith.constant 112 : index
        %get3A_162 = tpu.vector_load %arg8[%get3A_160, %get3A_161] {strides = array<i32>} : memref<20x1024xi32, #tpu.memory_space<vmem>>, vector<16xi32>,
        %gather3A = tpu.vector_load_idx %arg7[%get3A_141] : memref<100000xf32, #tpu.memory_space<vmem>>[vector<16xi32>], vector<16xf32>,
        %gather3A_163 = tpu.vector_load_idx %arg7[%get3A_144] : memref<100000xf32, #tpu.memory_space<vmem>>[vector<16xi32>], vector<16xf32>,
        %gather3A_164 = tpu.vector_load_idx %arg7[%get3A_147] : memref<100000xf32, #tpu.memory_space<vmem>>[vector<16xi32>], vector<16xf32>,
        %gather3A_165 = tpu.vector_load_idx %arg7[%get3A_150] : memref<100000xf32, #tpu.memory_space<vmem>>[vector<16xi32>], vector<16xf32>,
        %gather3A_166 = tpu.vector_load_idx %arg7[%get3A_153] : memref<100000xf32, #tpu.memory_space<vmem>>[vector<16xi32>], vector<16xf32>,
        %gather3A_167 = tpu.vector_load_idx %arg7[%get3A_156] : memref<100000xf32, #tpu.memory_space<vmem>>[vector<16xi32>], vector<16xf32>,
        %gather3A_168 = tpu.vector_load_idx %arg7[%get3A_159] : memref<100000xf32, #tpu.memory_space<vmem>>[vector<16xi32>], vector<16xf32>,
        %gather3A_169 = tpu.vector_load_idx %arg7[%get3A_162] : memref<100000xf32, #tpu.memory_space<vmem>>[vector<16xi32>], vector<16xf32>,
        %mul3A_170 = arith.constant 1024 : i32
        %mul3A_171 = arith.muli %rem3A_134, %mul3A_170 : i32
        %add3A_172 = arith.constant 0 : i32
        %add3A_173 = arith.addi %mul3A_171, %add3A_172 : i32
        %swap3A = arith.index_cast %add3A_173 : i32 to index
        %swap3A_174 = tpu.vector_load %arg9[%swap3A] {strides = array<i32>} : memref<4096xf32, #tpu.memory_space<vmem>>, vector<16xf32>,
        tpu.vector_store %arg9[%swap3A], %gather3A {strides = array<i32>} : memref<4096xf32, #tpu.memory_space<vmem>>, vector<16xf32>,
        %mul3A_175 = arith.constant 1024 : i32
        %mul3A_176 = arith.muli %rem3A_134, %mul3A_175 : i32
        %add3A_177 = arith.constant 16 : i32
        %add3A_178 = arith.addi %mul3A_176, %add3A_177 : i32
        %swap3A_179 = arith.index_cast %add3A_178 : i32 to index
        %swap3A_180 = tpu.vector_load %arg9[%swap3A_179] {strides = array<i32>} : memref<4096xf32, #tpu.memory_space<vmem>>, vector<16xf32>,
        tpu.vector_store %arg9[%swap3A_179], %gather3A_163 {strides = array<i32>} : memref<4096xf32, #tpu.memory_space<vmem>>, vector<16xf32>,
        %mul3A_181 = arith.constant 1024 : i32
        %mul3A_182 = arith.muli %rem3A_134, %mul3A_181 : i32
        %add3A_183 = arith.constant 32 : i32
        %add3A_184 = arith.addi %mul3A_182, %add3A_183 : i32
        %swap3A_185 = arith.index_cast %add3A_184 : i32 to index
        %swap3A_186 = tpu.vector_load %arg9[%swap3A_185] {strides = array<i32>} : memref<4096xf32, #tpu.memory_space<vmem>>, vector<16xf32>,
        tpu.vector_store %arg9[%swap3A_185], %gather3A_164 {strides = array<i32>} : memref<4096xf32, #tpu.memory_space<vmem>>, vector<16xf32>,
        %mul3A_187 = arith.constant 1024 : i32
        %mul3A_188 = arith.muli %rem3A_134, %mul3A_187 : i32
        %add3A_189 = arith.constant 48 : i32
        %add3A_190 = arith.addi %mul3A_188, %add3A_189 : i32
        %swap3A_191 = arith.index_cast %add3A_190 : i32 to index
        %swap3A_192 = tpu.vector_load %arg9[%swap3A_191] {strides = array<i32>} : memref<4096xf32, #tpu.memory_space<vmem>>, vector<16xf32>,
        tpu.vector_store %arg9[%swap3A_191], %gather3A_165 {strides = array<i32>} : memref<4096xf32, #tpu.memory_space<vmem>>, vector<16xf32>,
        %mul3A_193 = arith.constant 1024 : i32
        %mul3A_194 = arith.muli %rem3A_134, %mul3A_193 : i32
        %add3A_195 = arith.constant 64 : i32
        %add3A_196 = arith.addi %mul3A_194, %add3A_195 : i32
        %swap3A_197 = arith.index_cast %add3A_196 : i32 to index
        %swap3A_198 = tpu.vector_load %arg9[%swap3A_197] {strides = array<i32>} : memref<4096xf32, #tpu.memory_space<vmem>>, vector<16xf32>,
        tpu.vector_store %arg9[%swap3A_197], %gather3A_166 {strides = array<i32>} : memref<4096xf32, #tpu.memory_space<vmem>>, vector<16xf32>,
        %mul3A_199 = arith.constant 1024 : i32
        %mul3A_200 = arith.muli %rem3A_134, %mul3A_199 : i32
        %add3A_201 = arith.constant 80 : i32
        %add3A_202 = arith.addi %mul3A_200, %add3A_201 : i32
        %swap3A_203 = arith.index_cast %add3A_202 : i32 to index
        %swap3A_204 = tpu.vector_load %arg9[%swap3A_203] {strides = array<i32>} : memref<4096xf32, #tpu.memory_space<vmem>>, vector<16xf32>,
        tpu.vector_store %arg9[%swap3A_203], %gather3A_167 {strides = array<i32>} : memref<4096xf32, #tpu.memory_space<vmem>>, vector<16xf32>,
        %mul3A_205 = arith.constant 1024 : i32
        %mul3A_206 = arith.muli %rem3A_134, %mul3A_205 : i32
        %add3A_207 = arith.constant 96 : i32
        %add3A_208 = arith.addi %mul3A_206, %add3A_207 : i32
        %swap3A_209 = arith.index_cast %add3A_208 : i32 to index
        %swap3A_210 = tpu.vector_load %arg9[%swap3A_209] {strides = array<i32>} : memref<4096xf32, #tpu.memory_space<vmem>>, vector<16xf32>,
        tpu.vector_store %arg9[%swap3A_209], %gather3A_168 {strides = array<i32>} : memref<4096xf32, #tpu.memory_space<vmem>>, vector<16xf32>,
        %mul3A_211 = arith.constant 1024 : i32
        %mul3A_212 = arith.muli %rem3A_134, %mul3A_211 : i32
        %add3A_213 = arith.constant 112 : i32
        %add3A_214 = arith.addi %mul3A_212, %add3A_213 : i32
        %swap3A_215 = arith.index_cast %add3A_214 : i32 to index
        %swap3A_216 = tpu.vector_load %arg9[%swap3A_215] {strides = array<i32>} : memref<4096xf32, #tpu.memory_space<vmem>>, vector<16xf32>,
        tpu.vector_store %arg9[%swap3A_215], %gather3A_169 {strides = array<i32>} : memref<4096xf32, #tpu.memory_space<vmem>>, vector<16xf32>,
        %get3A_217 = arith.index_cast %scan3A_131 : i32 to index
        %get3A_218 = arith.constant 128 : index
        %get3A_219 = tpu.vector_load %arg8[%get3A_217, %get3A_218] {strides = array<i32>} : memref<20x1024xi32, #tpu.memory_space<vmem>>, vector<16xi32>,
        %get3A_220 = arith.index_cast %scan3A_131 : i32 to index
        %get3A_221 = arith.constant 144 : index
        %get3A_222 = tpu.vector_load %arg8[%get3A_220, %get3A_221] {strides = array<i32>} : memref<20x1024xi32, #tpu.memory_space<vmem>>, vector<16xi32>,
        %get3A_223 = arith.index_cast %scan3A_131 : i32 to index
        %get3A_224 = arith.constant 160 : index
        %get3A_225 = tpu.vector_load %arg8[%get3A_223, %get3A_224] {strides = array<i32>} : memref<20x1024xi32, #tpu.memory_space<vmem>>, vector<16xi32>,
        %get3A_226 = arith.index_cast %scan3A_131 : i32 to index
        %get3A_227 = arith.constant 176 : index
        %get3A_228 = tpu.vector_load %arg8[%get3A_226, %get3A_227] {strides = array<i32>} : memref<20x1024xi32, #tpu.memory_space<vmem>>, vector<16xi32>,
        %get3A_229 = arith.index_cast %scan3A_131 : i32 to index
        %get3A_230 = arith.constant 192 : index
        %get3A_231 = tpu.vector_load %arg8[%get3A_229, %get3A_230] {strides = array<i32>} : memref<20x1024xi32, #tpu.memory_space<vmem>>, vector<16xi32>,
        %get3A_232 = arith.index_cast %scan3A_131 : i32 to index
        %get3A_233 = arith.constant 208 : index
        %get3A_234 = tpu.vector_load %arg8[%get3A_232, %get3A_233] {strides = array<i32>} : memref<20x1024xi32, #tpu.memory_space<vmem>>, vector<16xi32>,
        %get3A_235 = arith.index_cast %scan3A_131 : i32 to index
        %get3A_236 = arith.constant 224 : index
        %get3A_237 = tpu.vector_load %arg8[%get3A_235, %get3A_236] {strides = array<i32>} : memref<20x1024xi32, #tpu.memory_space<vmem>>, vector<16xi32>,
        %get3A_238 = arith.index_cast %scan3A_131 : i32 to index
        %get3A_239 = arith.constant 240 : index
        %get3A_240 = tpu.vector_load %arg8[%get3A_238, %get3A_239] {strides = array<i32>} : memref<20x1024xi32, #tpu.memory_space<vmem>>, vector<16xi32>,
        %gather3A_241 = tpu.vector_load_idx %arg7[%get3A_219] : memref<100000xf32, #tpu.memory_space<vmem>>[vector<16xi32>], vector<16xf32>,
        %gather3A_242 = tpu.vector_load_idx %arg7[%get3A_222] : memref<100000xf32, #tpu.memory_space<vmem>>[vector<16xi32>], vector<16xf32>,
        %gather3A_243 = tpu.vector_load_idx %arg7[%get3A_225] : memref<100000xf32, #tpu.memory_space<vmem>>[vector<16xi32>], vector<16xf32>,
        %gather3A_244 = tpu.vector_load_idx %arg7[%get3A_228] : memref<100000xf32, #tpu.memory_space<vmem>>[vector<16xi32>], vector<16xf32>,
        %gather3A_245 = tpu.vector_load_idx %arg7[%get3A_231] : memref<100000xf32, #tpu.memory_space<vmem>>[vector<16xi32>], vector<16xf32>,
        %gather3A_246 = tpu.vector_load_idx %arg7[%get3A_234] : memref<100000xf32, #tpu.memory_space<vmem>>[vector<16xi32>], vector<16xf32>,
        %gather3A_247 = tpu.vector_load_idx %arg7[%get3A_237] : memref<100000xf32, #tpu.memory_space<vmem>>[vector<16xi32>], vector<16xf32>,
        %gather3A_248 = tpu.vector_load_idx %arg7[%get3A_240] : memref<100000xf32, #tpu.memory_space<vmem>>[vector<16xi32>], vector<16xf32>,
        %mul3A_249 = arith.constant 1024 : i32
        %mul3A_250 = arith.muli %rem3A_134, %mul3A_249 : i32
        %add3A_251 = arith.constant 128 : i32
        %add3A_252 = arith.addi %mul3A_250, %add3A_251 : i32
        %swap3A_253 = arith.index_cast %add3A_252 : i32 to index
        %swap3A_254 = tpu.vector_load %arg9[%swap3A_253] {strides = array<i32>} : memref<4096xf32, #tpu.memory_space<vmem>>, vector<16xf32>,
        tpu.vector_store %arg9[%swap3A_253], %gather3A_241 {strides = array<i32>} : memref<4096xf32, #tpu.memory_space<vmem>>, vector<16xf32>,
        %mul3A_255 = arith.constant 1024 : i32
        %mul3A_256 = arith.muli %rem3A_134, %mul3A_255 : i32
        %add3A_257 = arith.constant 144 : i32
        %add3A_258 = arith.addi %mul3A_256, %add3A_257 : i32
        %swap3A_259 = arith.index_cast %add3A_258 : i32 to index
        %swap3A_260 = tpu.vector_load %arg9[%swap3A_259] {strides = array<i32>} : memref<4096xf32, #tpu.memory_space<vmem>>, vector<16xf32>,
        tpu.vector_store %arg9[%swap3A_259], %gather3A_242 {strides = array<i32>} : memref<4096xf32, #tpu.memory_space<vmem>>, vector<16xf32>,
        %mul3A_261 = arith.constant 1024 : i32
        %mul3A_262 = arith.muli %rem3A_134, %mul3A_261 : i32
        %add3A_263 = arith.constant 160 : i32
        %add3A_264 = arith.addi %mul3A_262, %add3A_263 : i32
        %swap3A_265 = arith.index_cast %add3A_264 : i32 to index
        %swap3A_266 = tpu.vector_load %arg9[%swap3A_265] {strides = array<i32>} : memref<4096xf32, #tpu.memory_space<vmem>>, vector<16xf32>,
        tpu.vector_store %arg9[%swap3A_265], %gather3A_243 {strides = array<i32>} : memref<4096xf32, #tpu.memory_space<vmem>>, vector<16xf32>,
        %mul3A_267 = arith.constant 1024 : i32
        %mul3A_268 = arith.muli %rem3A_134, %mul3A_267 : i32
        %add3A_269 = arith.constant 176 : i32
        %add3A_270 = arith.addi %mul3A_268, %add3A_269 : i32
        %swap3A_271 = arith.index_cast %add3A_270 : i32 to index
        %swap3A_272 = tpu.vector_load %arg9[%swap3A_271] {strides = array<i32>} : memref<4096xf32, #tpu.memory_space<vmem>>, vector<16xf32>,
        tpu.vector_store %arg9[%swap3A_271], %gather3A_244 {strides = array<i32>} : memref<4096xf32, #tpu.memory_space<vmem>>, vector<16xf32>,
        %mul3A_273 = arith.constant 1024 : i32
        %mul3A_274 = arith.muli %rem3A_134, %mul3A_273 : i32
        %add3A_275 = arith.constant 192 : i32
        %add3A_276 = arith.addi %mul3A_274, %add3A_275 : i32
        %swap3A_277 = arith.index_cast %add3A_276 : i32 to index
        %swap3A_278 = tpu.vector_load %arg9[%swap3A_277] {strides = array<i32>} : memref<4096xf32, #tpu.memory_space<vmem>>, vector<16xf32>,
        tpu.vector_store %arg9[%swap3A_277], %gather3A_245 {strides = array<i32>} : memref<4096xf32, #tpu.memory_space<vmem>>, vector<16xf32>,
        %mul3A_279 = arith.constant 1024 : i32
        %mul3A_280 = arith.muli %rem3A_134, %mul3A_279 : i32
        %add3A_281 = arith.constant 208 : i32
        %add3A_282 = arith.addi %mul3A_280, %add3A_281 : i32
        %swap3A_283 = arith.index_cast %add3A_282 : i32 to index
        %swap3A_284 = tpu.vector_load %arg9[%swap3A_283] {strides = array<i32>} : memref<4096xf32, #tpu.memory_space<vmem>>, vector<16xf32>,
        tpu.vector_store %arg9[%swap3A_283], %gather3A_246 {strides = array<i32>} : memref<4096xf32, #tpu.memory_space<vmem>>, vector<16xf32>,
        %mul3A_285 = arith.constant 1024 : i32
        %mul3A_286 = arith.muli %rem3A_134, %mul3A_285 : i32
        %add3A_287 = arith.constant 224 : i32
        %add3A_288 = arith.addi %mul3A_286, %add3A_287 : i32
        %swap3A_289 = arith.index_cast %add3A_288 : i32 to index
        %swap3A_290 = tpu.vector_load %arg9[%swap3A_289] {strides = array<i32>} : memref<4096xf32, #tpu.memory_space<vmem>>, vector<16xf32>,
        tpu.vector_store %arg9[%swap3A_289], %gather3A_247 {strides = array<i32>} : memref<4096xf32, #tpu.memory_space<vmem>>, vector<16xf32>,
        %mul3A_291 = arith.constant 1024 : i32
        %mul3A_292 = arith.muli %rem3A_134, %mul3A_291 : i32
        %add3A_293 = arith.constant 240 : i32
        %add3A_294 = arith.addi %mul3A_292, %add3A_293 : i32
        %swap3A_295 = arith.index_cast %add3A_294 : i32 to index
        %swap3A_296 = tpu.vector_load %arg9[%swap3A_295] {strides = array<i32>} : memref<4096xf32, #tpu.memory_space<vmem>>, vector<16xf32>,
        tpu.vector_store %arg9[%swap3A_295], %gather3A_248 {strides = array<i32>} : memref<4096xf32, #tpu.memory_space<vmem>>, vector<16xf32>,
        %get3A_297 = arith.index_cast %scan3A_131 : i32 to index
        %get3A_298 = arith.constant 256 : index
        %get3A_299 = tpu.vector_load %arg8[%get3A_297, %get3A_298] {strides = array<i32>} : memref<20x1024xi32, #tpu.memory_space<vmem>>, vector<16xi32>,
        %get3A_300 = arith.index_cast %scan3A_131 : i32 to index
        %get3A_301 = arith.constant 272 : index
        %get3A_302 = tpu.vector_load %arg8[%get3A_300, %get3A_301] {strides = array<i32>} : memref<20x1024xi32, #tpu.memory_space<vmem>>, vector<16xi32>,
        %get3A_303 = arith.index_cast %scan3A_131 : i32 to index
        %get3A_304 = arith.constant 288 : index
        %get3A_305 = tpu.vector_load %arg8[%get3A_303, %get3A_304] {strides = array<i32>} : memref<20x1024xi32, #tpu.memory_space<vmem>>, vector<16xi32>,
        %get3A_306 = arith.index_cast %scan3A_131 : i32 to index
        %get3A_307 = arith.constant 304 : index
        %get3A_308 = tpu.vector_load %arg8[%get3A_306, %get3A_307] {strides = array<i32>} : memref<20x1024xi32, #tpu.memory_space<vmem>>, vector<16xi32>,
        %get3A_309 = arith.index_cast %scan3A_131 : i32 to index
        %get3A_310 = arith.constant 320 : index
        %get3A_311 = tpu.vector_load %arg8[%get3A_309, %get3A_310] {strides = array<i32>} : memref<20x1024xi32, #tpu.memory_space<vmem>>, vector<16xi32>,
        %get3A_312 = arith.index_cast %scan3A_131 : i32 to index
        %get3A_313 = arith.constant 336 : index
        %get3A_314 = tpu.vector_load %arg8[%get3A_312, %get3A_313] {strides = array<i32>} : memref<20x1024xi32, #tpu.memory_space<vmem>>, vector<16xi32>,
        %get3A_315 = arith.index_cast %scan3A_131 : i32 to index
        %get3A_316 = arith.constant 352 : index
        %get3A_317 = tpu.vector_load %arg8[%get3A_315, %get3A_316] {strides = array<i32>} : memref<20x1024xi32, #tpu.memory_space<vmem>>, vector<16xi32>,
        %get3A_318 = arith.index_cast %scan3A_131 : i32 to index
        %get3A_319 = arith.constant 368 : index
        %get3A_320 = tpu.vector_load %arg8[%get3A_318, %get3A_319] {strides = array<i32>} : memref<20x1024xi32, #tpu.memory_space<vmem>>, vector<16xi32>,
        %gather3A_321 = tpu.vector_load_idx %arg7[%get3A_299] : memref<100000xf32, #tpu.memory_space<vmem>>[vector<16xi32>], vector<16xf32>,
        %gather3A_322 = tpu.vector_load_idx %arg7[%get3A_302] : memref<100000xf32, #tpu.memory_space<vmem>>[vector<16xi32>], vector<16xf32>,
        %gather3A_323 = tpu.vector_load_idx %arg7[%get3A_305] : memref<100000xf32, #tpu.memory_space<vmem>>[vector<16xi32>], vector<16xf32>,
        %gather3A_324 = tpu.vector_load_idx %arg7[%get3A_308] : memref<100000xf32, #tpu.memory_space<vmem>>[vector<16xi32>], vector<16xf32>,
        %gather3A_325 = tpu.vector_load_idx %arg7[%get3A_311] : memref<100000xf32, #tpu.memory_space<vmem>>[vector<16xi32>], vector<16xf32>,
        %gather3A_326 = tpu.vector_load_idx %arg7[%get3A_314] : memref<100000xf32, #tpu.memory_space<vmem>>[vector<16xi32>], vector<16xf32>,
        %gather3A_327 = tpu.vector_load_idx %arg7[%get3A_317] : memref<100000xf32, #tpu.memory_space<vmem>>[vector<16xi32>], vector<16xf32>,
        %gather3A_328 = tpu.vector_load_idx %arg7[%get3A_320] : memref<100000xf32, #tpu.memory_space<vmem>>[vector<16xi32>], vector<16xf32>,
        %mul3A_329 = arith.constant 1024 : i32
        %mul3A_330 = arith.muli %rem3A_134, %mul3A_329 : i32
        %add3A_331 = arith.constant 256 : i32
        %add3A_332 = arith.addi %mul3A_330, %add3A_331 : i32
        %swap3A_333 = arith.index_cast %add3A_332 : i32 to index
        %swap3A_334 = tpu.vector_load %arg9[%swap3A_333] {strides = array<i32>} : memref<4096xf32, #tpu.memory_space<vmem>>, vector<16xf32>,
        tpu.vector_store %arg9[%swap3A_333], %gather3A_321 {strides = array<i32>} : memref<4096xf32, #tpu.memory_space<vmem>>, vector<16xf32>,
        %mul3A_335 = arith.constant 1024 : i32
        %mul3A_336 = arith.muli %rem3A_134, %mul3A_335 : i32
        %add3A_337 = arith.constant 272 : i32
        %add3A_338 = arith.addi %mul3A_336, %add3A_337 : i32
        %swap3A_339 = arith.index_cast %add3A_338 : i32 to index
        %swap3A_340 = tpu.vector_load %arg9[%swap3A_339] {strides = array<i32>} : memref<4096xf32, #tpu.memory_space<vmem>>, vector<16xf32>,
        tpu.vector_store %arg9[%swap3A_339], %gather3A_322 {strides = array<i32>} : memref<4096xf32, #tpu.memory_space<vmem>>, vector<16xf32>,
        %mul3A_341 = arith.constant 1024 : i32
        %mul3A_342 = arith.muli %rem3A_134, %mul3A_341 : i32
        %add3A_343 = arith.constant 288 : i32
        %add3A_344 = arith.addi %mul3A_342, %add3A_343 : i32
        %swap3A_345 = arith.index_cast %add3A_344 : i32 to index
        %swap3A_346 = tpu.vector_load %arg9[%swap3A_345] {strides = array<i32>} : memref<4096xf32, #tpu.memory_space<vmem>>, vector<16xf32>,
        tpu.vector_store %arg9[%swap3A_345], %gather3A_323 {strides = array<i32>} : memref<4096xf32, #tpu.memory_space<vmem>>, vector<16xf32>,
        %mul3A_347 = arith.constant 1024 : i32
        %mul3A_348 = arith.muli %rem3A_134, %mul3A_347 : i32
        %add3A_349 = arith.constant 304 : i32
        %add3A_350 = arith.addi %mul3A_348, %add3A_349 : i32
        %swap3A_351 = arith.index_cast %add3A_350 : i32 to index
        %swap3A_352 = tpu.vector_load %arg9[%swap3A_351] {strides = array<i32>} : memref<4096xf32, #tpu.memory_space<vmem>>, vector<16xf32>,
        tpu.vector_store %arg9[%swap3A_351], %gather3A_324 {strides = array<i32>} : memref<4096xf32, #tpu.memory_space<vmem>>, vector<16xf32>,
        %mul3A_353 = arith.constant 1024 : i32
        %mul3A_354 = arith.muli %rem3A_134, %mul3A_353 : i32
        %add3A_355 = arith.constant 320 : i32
        %add3A_356 = arith.addi %mul3A_354, %add3A_355 : i32
        %swap3A_357 = arith.index_cast %add3A_356 : i32 to index
        %swap3A_358 = tpu.vector_load %arg9[%swap3A_357] {strides = array<i32>} : memref<4096xf32, #tpu.memory_space<vmem>>, vector<16xf32>,
        tpu.vector_store %arg9[%swap3A_357], %gather3A_325 {strides = array<i32>} : memref<4096xf32, #tpu.memory_space<vmem>>, vector<16xf32>,
        %mul3A_359 = arith.constant 1024 : i32
        %mul3A_360 = arith.muli %rem3A_134, %mul3A_359 : i32
        %add3A_361 = arith.constant 336 : i32
        %add3A_362 = arith.addi %mul3A_360, %add3A_361 : i32
        %swap3A_363 = arith.index_cast %add3A_362 : i32 to index
        %swap3A_364 = tpu.vector_load %arg9[%swap3A_363] {strides = array<i32>} : memref<4096xf32, #tpu.memory_space<vmem>>, vector<16xf32>,
        tpu.vector_store %arg9[%swap3A_363], %gather3A_326 {strides = array<i32>} : memref<4096xf32, #tpu.memory_space<vmem>>, vector<16xf32>,
        %mul3A_365 = arith.constant 1024 : i32
        %mul3A_366 = arith.muli %rem3A_134, %mul3A_365 : i32
        %add3A_367 = arith.constant 352 : i32
        %add3A_368 = arith.addi %mul3A_366, %add3A_367 : i32
        %swap3A_369 = arith.index_cast %add3A_368 : i32 to index
        %swap3A_370 = tpu.vector_load %arg9[%swap3A_369] {strides = array<i32>} : memref<4096xf32, #tpu.memory_space<vmem>>, vector<16xf32>,
        tpu.vector_store %arg9[%swap3A_369], %gather3A_327 {strides = array<i32>} : memref<4096xf32, #tpu.memory_space<vmem>>, vector<16xf32>,
        %mul3A_371 = arith.constant 1024 : i32
        %mul3A_372 = arith.muli %rem3A_134, %mul3A_371 : i32
        %add3A_373 = arith.constant 368 : i32
        %add3A_374 = arith.addi %mul3A_372, %add3A_373 : i32
        %swap3A_375 = arith.index_cast %add3A_374 : i32 to index
        %swap3A_376 = tpu.vector_load %arg9[%swap3A_375] {strides = array<i32>} : memref<4096xf32, #tpu.memory_space<vmem>>, vector<16xf32>,
        tpu.vector_store %arg9[%swap3A_375], %gather3A_328 {strides = array<i32>} : memref<4096xf32, #tpu.memory_space<vmem>>, vector<16xf32>,
        %get3A_377 = arith.index_cast %scan3A_131 : i32 to index
        %get3A_378 = arith.constant 384 : index
        %get3A_379 = tpu.vector_load %arg8[%get3A_377, %get3A_378] {strides = array<i32>} : memref<20x1024xi32, #tpu.memory_space<vmem>>, vector<16xi32>,
        %get3A_380 = arith.index_cast %scan3A_131 : i32 to index
        %get3A_381 = arith.constant 400 : index
        %get3A_382 = tpu.vector_load %arg8[%get3A_380, %get3A_381] {strides = array<i32>} : memref<20x1024xi32, #tpu.memory_space<vmem>>, vector<16xi32>,
        %get3A_383 = arith.index_cast %scan3A_131 : i32 to index
        %get3A_384 = arith.constant 416 : index
        %get3A_385 = tpu.vector_load %arg8[%get3A_383, %get3A_384] {strides = array<i32>} : memref<20x1024xi32, #tpu.memory_space<vmem>>, vector<16xi32>,
        %get3A_386 = arith.index_cast %scan3A_131 : i32 to index
        %get3A_387 = arith.constant 432 : index
        %get3A_388 = tpu.vector_load %arg8[%get3A_386, %get3A_387] {strides = array<i32>} : memref<20x1024xi32, #tpu.memory_space<vmem>>, vector<16xi32>,
        %get3A_389 = arith.index_cast %scan3A_131 : i32 to index
        %get3A_390 = arith.constant 448 : index
        %get3A_391 = tpu.vector_load %arg8[%get3A_389, %get3A_390] {strides = array<i32>} : memref<20x1024xi32, #tpu.memory_space<vmem>>, vector<16xi32>,
        %get3A_392 = arith.index_cast %scan3A_131 : i32 to index
        %get3A_393 = arith.constant 464 : index
        %get3A_394 = tpu.vector_load %arg8[%get3A_392, %get3A_393] {strides = array<i32>} : memref<20x1024xi32, #tpu.memory_space<vmem>>, vector<16xi32>,
        %get3A_395 = arith.index_cast %scan3A_131 : i32 to index
        %get3A_396 = arith.constant 480 : index
        %get3A_397 = tpu.vector_load %arg8[%get3A_395, %get3A_396] {strides = array<i32>} : memref<20x1024xi32, #tpu.memory_space<vmem>>, vector<16xi32>,
        %get3A_398 = arith.index_cast %scan3A_131 : i32 to index
        %get3A_399 = arith.constant 496 : index
        %get3A_400 = tpu.vector_load %arg8[%get3A_398, %get3A_399] {strides = array<i32>} : memref<20x1024xi32, #tpu.memory_space<vmem>>, vector<16xi32>,
        %gather3A_401 = tpu.vector_load_idx %arg7[%get3A_379] : memref<100000xf32, #tpu.memory_space<vmem>>[vector<16xi32>], vector<16xf32>,
        %gather3A_402 = tpu.vector_load_idx %arg7[%get3A_382] : memref<100000xf32, #tpu.memory_space<vmem>>[vector<16xi32>], vector<16xf32>,
        %gather3A_403 = tpu.vector_load_idx %arg7[%get3A_385] : memref<100000xf32, #tpu.memory_space<vmem>>[vector<16xi32>], vector<16xf32>,
        %gather3A_404 = tpu.vector_load_idx %arg7[%get3A_388] : memref<100000xf32, #tpu.memory_space<vmem>>[vector<16xi32>], vector<16xf32>,
        %gather3A_405 = tpu.vector_load_idx %arg7[%get3A_391] : memref<100000xf32, #tpu.memory_space<vmem>>[vector<16xi32>], vector<16xf32>,
        %gather3A_406 = tpu.vector_load_idx %arg7[%get3A_394] : memref<100000xf32, #tpu.memory_space<vmem>>[vector<16xi32>], vector<16xf32>,
        %gather3A_407 = tpu.vector_load_idx %arg7[%get3A_397] : memref<100000xf32, #tpu.memory_space<vmem>>[vector<16xi32>], vector<16xf32>,
        %gather3A_408 = tpu.vector_load_idx %arg7[%get3A_400] : memref<100000xf32, #tpu.memory_space<vmem>>[vector<16xi32>], vector<16xf32>,
        %mul3A_409 = arith.constant 1024 : i32
        %mul3A_410 = arith.muli %rem3A_134, %mul3A_409 : i32
        %add3A_411 = arith.constant 384 : i32
        %add3A_412 = arith.addi %mul3A_410, %add3A_411 : i32
        %swap3A_413 = arith.index_cast %add3A_412 : i32 to index
        %swap3A_414 = tpu.vector_load %arg9[%swap3A_413] {strides = array<i32>} : memref<4096xf32, #tpu.memory_space<vmem>>, vector<16xf32>,
        tpu.vector_store %arg9[%swap3A_413], %gather3A_401 {strides = array<i32>} : memref<4096xf32, #tpu.memory_space<vmem>>, vector<16xf32>,
        %mul3A_415 = arith.constant 1024 : i32
        %mul3A_416 = arith.muli %rem3A_134, %mul3A_415 : i32
        %add3A_417 = arith.constant 400 : i32
        %add3A_418 = arith.addi %mul3A_416, %add3A_417 : i32
        %swap3A_419 = arith.index_cast %add3A_418 : i32 to index
        %swap3A_420 = tpu.vector_load %arg9[%swap3A_419] {strides = array<i32>} : memref<4096xf32, #tpu.memory_space<vmem>>, vector<16xf32>,
        tpu.vector_store %arg9[%swap3A_419], %gather3A_402 {strides = array<i32>} : memref<4096xf32, #tpu.memory_space<vmem>>, vector<16xf32>,
        %mul3A_421 = arith.constant 1024 : i32
        %mul3A_422 = arith.muli %rem3A_134, %mul3A_421 : i32
        %add3A_423 = arith.constant 416 : i32
        %add3A_424 = arith.addi %mul3A_422, %add3A_423 : i32
        %swap3A_425 = arith.index_cast %add3A_424 : i32 to index
        %swap3A_426 = tpu.vector_load %arg9[%swap3A_425] {strides = array<i32>} : memref<4096xf32, #tpu.memory_space<vmem>>, vector<16xf32>,
        tpu.vector_store %arg9[%swap3A_425], %gather3A_403 {strides = array<i32>} : memref<4096xf32, #tpu.memory_space<vmem>>, vector<16xf32>,
        %mul3A_427 = arith.constant 1024 : i32
        %mul3A_428 = arith.muli %rem3A_134, %mul3A_427 : i32
        %add3A_429 = arith.constant 432 : i32
        %add3A_430 = arith.addi %mul3A_428, %add3A_429 : i32
        %swap3A_431 = arith.index_cast %add3A_430 : i32 to index
        %swap3A_432 = tpu.vector_load %arg9[%swap3A_431] {strides = array<i32>} : memref<4096xf32, #tpu.memory_space<vmem>>, vector<16xf32>,
        tpu.vector_store %arg9[%swap3A_431], %gather3A_404 {strides = array<i32>} : memref<4096xf32, #tpu.memory_space<vmem>>, vector<16xf32>,
        %mul3A_433 = arith.constant 1024 : i32
        %mul3A_434 = arith.muli %rem3A_134, %mul3A_433 : i32
        %add3A_435 = arith.constant 448 : i32
        %add3A_436 = arith.addi %mul3A_434, %add3A_435 : i32
        %swap3A_437 = arith.index_cast %add3A_436 : i32 to index
        %swap3A_438 = tpu.vector_load %arg9[%swap3A_437] {strides = array<i32>} : memref<4096xf32, #tpu.memory_space<vmem>>, vector<16xf32>,
        tpu.vector_store %arg9[%swap3A_437], %gather3A_405 {strides = array<i32>} : memref<4096xf32, #tpu.memory_space<vmem>>, vector<16xf32>,
        %mul3A_439 = arith.constant 1024 : i32
        %mul3A_440 = arith.muli %rem3A_134, %mul3A_439 : i32
        %add3A_441 = arith.constant 464 : i32
        %add3A_442 = arith.addi %mul3A_440, %add3A_441 : i32
        %swap3A_443 = arith.index_cast %add3A_442 : i32 to index
        %swap3A_444 = tpu.vector_load %arg9[%swap3A_443] {strides = array<i32>} : memref<4096xf32, #tpu.memory_space<vmem>>, vector<16xf32>,
        tpu.vector_store %arg9[%swap3A_443], %gather3A_406 {strides = array<i32>} : memref<4096xf32, #tpu.memory_space<vmem>>, vector<16xf32>,
        %mul3A_445 = arith.constant 1024 : i32
        %mul3A_446 = arith.muli %rem3A_134, %mul3A_445 : i32
        %add3A_447 = arith.constant 480 : i32
        %add3A_448 = arith.addi %mul3A_446, %add3A_447 : i32
        %swap3A_449 = arith.index_cast %add3A_448 : i32 to index
        %swap3A_450 = tpu.vector_load %arg9[%swap3A_449] {strides = array<i32>} : memref<4096xf32, #tpu.memory_space<vmem>>, vector<16xf32>,
        tpu.vector_store %arg9[%swap3A_449], %gather3A_407 {strides = array<i32>} : memref<4096xf32, #tpu.memory_space<vmem>>, vector<16xf32>,
        %mul3A_451 = arith.constant 1024 : i32
        %mul3A_452 = arith.muli %rem3A_134, %mul3A_451 : i32
        %add3A_453 = arith.constant 496 : i32
        %add3A_454 = arith.addi %mul3A_452, %add3A_453 : i32
        %swap3A_455 = arith.index_cast %add3A_454 : i32 to index
        %swap3A_456 = tpu.vector_load %arg9[%swap3A_455] {strides = array<i32>} : memref<4096xf32, #tpu.memory_space<vmem>>, vector<16xf32>,
        tpu.vector_store %arg9[%swap3A_455], %gather3A_408 {strides = array<i32>} : memref<4096xf32, #tpu.memory_space<vmem>>, vector<16xf32>,
        %get3A_457 = arith.index_cast %scan3A_131 : i32 to index
        %get3A_458 = arith.constant 512 : index
        %get3A_459 = tpu.vector_load %arg8[%get3A_457, %get3A_458] {strides = array<i32>} : memref<20x1024xi32, #tpu.memory_space<vmem>>, vector<16xi32>,
        %get3A_460 = arith.index_cast %scan3A_131 : i32 to index
        %get3A_461 = arith.constant 528 : index
        %get3A_462 = tpu.vector_load %arg8[%get3A_460, %get3A_461] {strides = array<i32>} : memref<20x1024xi32, #tpu.memory_space<vmem>>, vector<16xi32>,
        %get3A_463 = arith.index_cast %scan3A_131 : i32 to index
        %get3A_464 = arith.constant 544 : index
        %get3A_465 = tpu.vector_load %arg8[%get3A_463, %get3A_464] {strides = array<i32>} : memref<20x1024xi32, #tpu.memory_space<vmem>>, vector<16xi32>,
        %get3A_466 = arith.index_cast %scan3A_131 : i32 to index
        %get3A_467 = arith.constant 560 : index
        %get3A_468 = tpu.vector_load %arg8[%get3A_466, %get3A_467] {strides = array<i32>} : memref<20x1024xi32, #tpu.memory_space<vmem>>, vector<16xi32>,
        %get3A_469 = arith.index_cast %scan3A_131 : i32 to index
        %get3A_470 = arith.constant 576 : index
        %get3A_471 = tpu.vector_load %arg8[%get3A_469, %get3A_470] {strides = array<i32>} : memref<20x1024xi32, #tpu.memory_space<vmem>>, vector<16xi32>,
        %get3A_472 = arith.index_cast %scan3A_131 : i32 to index
        %get3A_473 = arith.constant 592 : index
        %get3A_474 = tpu.vector_load %arg8[%get3A_472, %get3A_473] {strides = array<i32>} : memref<20x1024xi32, #tpu.memory_space<vmem>>, vector<16xi32>,
        %get3A_475 = arith.index_cast %scan3A_131 : i32 to index
        %get3A_476 = arith.constant 608 : index
        %get3A_477 = tpu.vector_load %arg8[%get3A_475, %get3A_476] {strides = array<i32>} : memref<20x1024xi32, #tpu.memory_space<vmem>>, vector<16xi32>,
        %get3A_478 = arith.index_cast %scan3A_131 : i32 to index
        %get3A_479 = arith.constant 624 : index
        %get3A_480 = tpu.vector_load %arg8[%get3A_478, %get3A_479] {strides = array<i32>} : memref<20x1024xi32, #tpu.memory_space<vmem>>, vector<16xi32>,
        %gather3A_481 = tpu.vector_load_idx %arg7[%get3A_459] : memref<100000xf32, #tpu.memory_space<vmem>>[vector<16xi32>], vector<16xf32>,
        %gather3A_482 = tpu.vector_load_idx %arg7[%get3A_462] : memref<100000xf32, #tpu.memory_space<vmem>>[vector<16xi32>], vector<16xf32>,
        %gather3A_483 = tpu.vector_load_idx %arg7[%get3A_465] : memref<100000xf32, #tpu.memory_space<vmem>>[vector<16xi32>], vector<16xf32>,
        %gather3A_484 = tpu.vector_load_idx %arg7[%get3A_468] : memref<100000xf32, #tpu.memory_space<vmem>>[vector<16xi32>], vector<16xf32>,
        %gather3A_485 = tpu.vector_load_idx %arg7[%get3A_471] : memref<100000xf32, #tpu.memory_space<vmem>>[vector<16xi32>], vector<16xf32>,
        %gather3A_486 = tpu.vector_load_idx %arg7[%get3A_474] : memref<100000xf32, #tpu.memory_space<vmem>>[vector<16xi32>], vector<16xf32>,
        %gather3A_487 = tpu.vector_load_idx %arg7[%get3A_477] : memref<100000xf32, #tpu.memory_space<vmem>>[vector<16xi32>], vector<16xf32>,
        %gather3A_488 = tpu.vector_load_idx %arg7[%get3A_480] : memref<100000xf32, #tpu.memory_space<vmem>>[vector<16xi32>], vector<16xf32>,
        %mul3A_489 = arith.constant 1024 : i32
        %mul3A_490 = arith.muli %rem3A_134, %mul3A_489 : i32
        %add3A_491 = arith.constant 512 : i32
        %add3A_492 = arith.addi %mul3A_490, %add3A_491 : i32
        %swap3A_493 = arith.index_cast %add3A_492 : i32 to index
        %swap3A_494 = tpu.vector_load %arg9[%swap3A_493] {strides = array<i32>} : memref<4096xf32, #tpu.memory_space<vmem>>, vector<16xf32>,
        tpu.vector_store %arg9[%swap3A_493], %gather3A_481 {strides = array<i32>} : memref<4096xf32, #tpu.memory_space<vmem>>, vector<16xf32>,
        %mul3A_495 = arith.constant 1024 : i32
        %mul3A_496 = arith.muli %rem3A_134, %mul3A_495 : i32
        %add3A_497 = arith.constant 528 : i32
        %add3A_498 = arith.addi %mul3A_496, %add3A_497 : i32
        %swap3A_499 = arith.index_cast %add3A_498 : i32 to index
        %swap3A_500 = tpu.vector_load %arg9[%swap3A_499] {strides = array<i32>} : memref<4096xf32, #tpu.memory_space<vmem>>, vector<16xf32>,
        tpu.vector_store %arg9[%swap3A_499], %gather3A_482 {strides = array<i32>} : memref<4096xf32, #tpu.memory_space<vmem>>, vector<16xf32>,
        %mul3A_501 = arith.constant 1024 : i32
        %mul3A_502 = arith.muli %rem3A_134, %mul3A_501 : i32
        %add3A_503 = arith.constant 544 : i32
        %add3A_504 = arith.addi %mul3A_502, %add3A_503 : i32
        %swap3A_505 = arith.index_cast %add3A_504 : i32 to index
        %swap3A_506 = tpu.vector_load %arg9[%swap3A_505] {strides = array<i32>} : memref<4096xf32, #tpu.memory_space<vmem>>, vector<16xf32>,
        tpu.vector_store %arg9[%swap3A_505], %gather3A_483 {strides = array<i32>} : memref<4096xf32, #tpu.memory_space<vmem>>, vector<16xf32>,
        %mul3A_507 = arith.constant 1024 : i32
        %mul3A_508 = arith.muli %rem3A_134, %mul3A_507 : i32
        %add3A_509 = arith.constant 560 : i32
        %add3A_510 = arith.addi %mul3A_508, %add3A_509 : i32
        %swap3A_511 = arith.index_cast %add3A_510 : i32 to index
        %swap3A_512 = tpu.vector_load %arg9[%swap3A_511] {strides = array<i32>} : memref<4096xf32, #tpu.memory_space<vmem>>, vector<16xf32>,
        tpu.vector_store %arg9[%swap3A_511], %gather3A_484 {strides = array<i32>} : memref<4096xf32, #tpu.memory_space<vmem>>, vector<16xf32>,
        %mul3A_513 = arith.constant 1024 : i32
        %mul3A_514 = arith.muli %rem3A_134, %mul3A_513 : i32
        %add3A_515 = arith.constant 576 : i32
        %add3A_516 = arith.addi %mul3A_514, %add3A_515 : i32
        %swap3A_517 = arith.index_cast %add3A_516 : i32 to index
        %swap3A_518 = tpu.vector_load %arg9[%swap3A_517] {strides = array<i32>} : memref<4096xf32, #tpu.memory_space<vmem>>, vector<16xf32>,
        tpu.vector_store %arg9[%swap3A_517], %gather3A_485 {strides = array<i32>} : memref<4096xf32, #tpu.memory_space<vmem>>, vector<16xf32>,
        %mul3A_519 = arith.constant 1024 : i32
        %mul3A_520 = arith.muli %rem3A_134, %mul3A_519 : i32
        %add3A_521 = arith.constant 592 : i32
        %add3A_522 = arith.addi %mul3A_520, %add3A_521 : i32
        %swap3A_523 = arith.index_cast %add3A_522 : i32 to index
        %swap3A_524 = tpu.vector_load %arg9[%swap3A_523] {strides = array<i32>} : memref<4096xf32, #tpu.memory_space<vmem>>, vector<16xf32>,
        tpu.vector_store %arg9[%swap3A_523], %gather3A_486 {strides = array<i32>} : memref<4096xf32, #tpu.memory_space<vmem>>, vector<16xf32>,
        %mul3A_525 = arith.constant 1024 : i32
        %mul3A_526 = arith.muli %rem3A_134, %mul3A_525 : i32
        %add3A_527 = arith.constant 608 : i32
        %add3A_528 = arith.addi %mul3A_526, %add3A_527 : i32
        %swap3A_529 = arith.index_cast %add3A_528 : i32 to index
        %swap3A_530 = tpu.vector_load %arg9[%swap3A_529] {strides = array<i32>} : memref<4096xf32, #tpu.memory_space<vmem>>, vector<16xf32>,
        tpu.vector_store %arg9[%swap3A_529], %gather3A_487 {strides = array<i32>} : memref<4096xf32, #tpu.memory_space<vmem>>, vector<16xf32>,
        %mul3A_531 = arith.constant 1024 : i32
        %mul3A_532 = arith.muli %rem3A_134, %mul3A_531 : i32
        %add3A_533 = arith.constant 624 : i32
        %add3A_534 = arith.addi %mul3A_532, %add3A_533 : i32
        %swap3A_535 = arith.index_cast %add3A_534 : i32 to index
        %swap3A_536 = tpu.vector_load %arg9[%swap3A_535] {strides = array<i32>} : memref<4096xf32, #tpu.memory_space<vmem>>, vector<16xf32>,
        tpu.vector_store %arg9[%swap3A_535], %gather3A_488 {strides = array<i32>} : memref<4096xf32, #tpu.memory_space<vmem>>, vector<16xf32>,
        %get3A_537 = arith.index_cast %scan3A_131 : i32 to index
        %get3A_538 = arith.constant 640 : index
        %get3A_539 = tpu.vector_load %arg8[%get3A_537, %get3A_538] {strides = array<i32>} : memref<20x1024xi32, #tpu.memory_space<vmem>>, vector<16xi32>,
        %get3A_540 = arith.index_cast %scan3A_131 : i32 to index
        %get3A_541 = arith.constant 656 : index
        %get3A_542 = tpu.vector_load %arg8[%get3A_540, %get3A_541] {strides = array<i32>} : memref<20x1024xi32, #tpu.memory_space<vmem>>, vector<16xi32>,
        %get3A_543 = arith.index_cast %scan3A_131 : i32 to index
        %get3A_544 = arith.constant 672 : index
        %get3A_545 = tpu.vector_load %arg8[%get3A_543, %get3A_544] {strides = array<i32>} : memref<20x1024xi32, #tpu.memory_space<vmem>>, vector<16xi32>,
        %get3A_546 = arith.index_cast %scan3A_131 : i32 to index
        %get3A_547 = arith.constant 688 : index
        %get3A_548 = tpu.vector_load %arg8[%get3A_546, %get3A_547] {strides = array<i32>} : memref<20x1024xi32, #tpu.memory_space<vmem>>, vector<16xi32>,
        %get3A_549 = arith.index_cast %scan3A_131 : i32 to index
        %get3A_550 = arith.constant 704 : index
        %get3A_551 = tpu.vector_load %arg8[%get3A_549, %get3A_550] {strides = array<i32>} : memref<20x1024xi32, #tpu.memory_space<vmem>>, vector<16xi32>,
        %get3A_552 = arith.index_cast %scan3A_131 : i32 to index
        %get3A_553 = arith.constant 720 : index
        %get3A_554 = tpu.vector_load %arg8[%get3A_552, %get3A_553] {strides = array<i32>} : memref<20x1024xi32, #tpu.memory_space<vmem>>, vector<16xi32>,
        %get3A_555 = arith.index_cast %scan3A_131 : i32 to index
        %get3A_556 = arith.constant 736 : index
        %get3A_557 = tpu.vector_load %arg8[%get3A_555, %get3A_556] {strides = array<i32>} : memref<20x1024xi32, #tpu.memory_space<vmem>>, vector<16xi32>,
        %get3A_558 = arith.index_cast %scan3A_131 : i32 to index
        %get3A_559 = arith.constant 752 : index
        %get3A_560 = tpu.vector_load %arg8[%get3A_558, %get3A_559] {strides = array<i32>} : memref<20x1024xi32, #tpu.memory_space<vmem>>, vector<16xi32>,
        %gather3A_561 = tpu.vector_load_idx %arg7[%get3A_539] : memref<100000xf32, #tpu.memory_space<vmem>>[vector<16xi32>], vector<16xf32>,
        %gather3A_562 = tpu.vector_load_idx %arg7[%get3A_542] : memref<100000xf32, #tpu.memory_space<vmem>>[vector<16xi32>], vector<16xf32>,
        %gather3A_563 = tpu.vector_load_idx %arg7[%get3A_545] : memref<100000xf32, #tpu.memory_space<vmem>>[vector<16xi32>], vector<16xf32>,
        %gather3A_564 = tpu.vector_load_idx %arg7[%get3A_548] : memref<100000xf32, #tpu.memory_space<vmem>>[vector<16xi32>], vector<16xf32>,
        %gather3A_565 = tpu.vector_load_idx %arg7[%get3A_551] : memref<100000xf32, #tpu.memory_space<vmem>>[vector<16xi32>], vector<16xf32>,
        %gather3A_566 = tpu.vector_load_idx %arg7[%get3A_554] : memref<100000xf32, #tpu.memory_space<vmem>>[vector<16xi32>], vector<16xf32>,
        %gather3A_567 = tpu.vector_load_idx %arg7[%get3A_557] : memref<100000xf32, #tpu.memory_space<vmem>>[vector<16xi32>], vector<16xf32>,
        %gather3A_568 = tpu.vector_load_idx %arg7[%get3A_560] : memref<100000xf32, #tpu.memory_space<vmem>>[vector<16xi32>], vector<16xf32>,
        %mul3A_569 = arith.constant 1024 : i32
        %mul3A_570 = arith.muli %rem3A_134, %mul3A_569 : i32
        %add3A_571 = arith.constant 640 : i32
        %add3A_572 = arith.addi %mul3A_570, %add3A_571 : i32
        %swap3A_573 = arith.index_cast %add3A_572 : i32 to index
        %swap3A_574 = tpu.vector_load %arg9[%swap3A_573] {strides = array<i32>} : memref<4096xf32, #tpu.memory_space<vmem>>, vector<16xf32>,
        tpu.vector_store %arg9[%swap3A_573], %gather3A_561 {strides = array<i32>} : memref<4096xf32, #tpu.memory_space<vmem>>, vector<16xf32>,
        %mul3A_575 = arith.constant 1024 : i32
        %mul3A_576 = arith.muli %rem3A_134, %mul3A_575 : i32
        %add3A_577 = arith.constant 656 : i32
        %add3A_578 = arith.addi %mul3A_576, %add3A_577 : i32
        %swap3A_579 = arith.index_cast %add3A_578 : i32 to index
        %swap3A_580 = tpu.vector_load %arg9[%swap3A_579] {strides = array<i32>} : memref<4096xf32, #tpu.memory_space<vmem>>, vector<16xf32>,
        tpu.vector_store %arg9[%swap3A_579], %gather3A_562 {strides = array<i32>} : memref<4096xf32, #tpu.memory_space<vmem>>, vector<16xf32>,
        %mul3A_581 = arith.constant 1024 : i32
        %mul3A_582 = arith.muli %rem3A_134, %mul3A_581 : i32
        %add3A_583 = arith.constant 672 : i32
        %add3A_584 = arith.addi %mul3A_582, %add3A_583 : i32
        %swap3A_585 = arith.index_cast %add3A_584 : i32 to index
        %swap3A_586 = tpu.vector_load %arg9[%swap3A_585] {strides = array<i32>} : memref<4096xf32, #tpu.memory_space<vmem>>, vector<16xf32>,
        tpu.vector_store %arg9[%swap3A_585], %gather3A_563 {strides = array<i32>} : memref<4096xf32, #tpu.memory_space<vmem>>, vector<16xf32>,
        %mul3A_587 = arith.constant 1024 : i32
        %mul3A_588 = arith.muli %rem3A_134, %mul3A_587 : i32
        %add3A_589 = arith.constant 688 : i32
        %add3A_590 = arith.addi %mul3A_588, %add3A_589 : i32
        %swap3A_591 = arith.index_cast %add3A_590 : i32 to index
        %swap3A_592 = tpu.vector_load %arg9[%swap3A_591] {strides = array<i32>} : memref<4096xf32, #tpu.memory_space<vmem>>, vector<16xf32>,
        tpu.vector_store %arg9[%swap3A_591], %gather3A_564 {strides = array<i32>} : memref<4096xf32, #tpu.memory_space<vmem>>, vector<16xf32>,
        %mul3A_593 = arith.constant 1024 : i32
        %mul3A_594 = arith.muli %rem3A_134, %mul3A_593 : i32
        %add3A_595 = arith.constant 704 : i32
        %add3A_596 = arith.addi %mul3A_594, %add3A_595 : i32
        %swap3A_597 = arith.index_cast %add3A_596 : i32 to index
        %swap3A_598 = tpu.vector_load %arg9[%swap3A_597] {strides = array<i32>} : memref<4096xf32, #tpu.memory_space<vmem>>, vector<16xf32>,
        tpu.vector_store %arg9[%swap3A_597], %gather3A_565 {strides = array<i32>} : memref<4096xf32, #tpu.memory_space<vmem>>, vector<16xf32>,
        %mul3A_599 = arith.constant 1024 : i32
        %mul3A_600 = arith.muli %rem3A_134, %mul3A_599 : i32
        %add3A_601 = arith.constant 720 : i32
        %add3A_602 = arith.addi %mul3A_600, %add3A_601 : i32
        %swap3A_603 = arith.index_cast %add3A_602 : i32 to index
        %swap3A_604 = tpu.vector_load %arg9[%swap3A_603] {strides = array<i32>} : memref<4096xf32, #tpu.memory_space<vmem>>, vector<16xf32>,
        tpu.vector_store %arg9[%swap3A_603], %gather3A_566 {strides = array<i32>} : memref<4096xf32, #tpu.memory_space<vmem>>, vector<16xf32>,
        %mul3A_605 = arith.constant 1024 : i32
        %mul3A_606 = arith.muli %rem3A_134, %mul3A_605 : i32
        %add3A_607 = arith.constant 736 : i32
        %add3A_608 = arith.addi %mul3A_606, %add3A_607 : i32
        %swap3A_609 = arith.index_cast %add3A_608 : i32 to index
        %swap3A_610 = tpu.vector_load %arg9[%swap3A_609] {strides = array<i32>} : memref<4096xf32, #tpu.memory_space<vmem>>, vector<16xf32>,
        tpu.vector_store %arg9[%swap3A_609], %gather3A_567 {strides = array<i32>} : memref<4096xf32, #tpu.memory_space<vmem>>, vector<16xf32>,
        %mul3A_611 = arith.constant 1024 : i32
        %mul3A_612 = arith.muli %rem3A_134, %mul3A_611 : i32
        %add3A_613 = arith.constant 752 : i32
        %add3A_614 = arith.addi %mul3A_612, %add3A_613 : i32
        %swap3A_615 = arith.index_cast %add3A_614 : i32 to index
        %swap3A_616 = tpu.vector_load %arg9[%swap3A_615] {strides = array<i32>} : memref<4096xf32, #tpu.memory_space<vmem>>, vector<16xf32>,
        tpu.vector_store %arg9[%swap3A_615], %gather3A_568 {strides = array<i32>} : memref<4096xf32, #tpu.memory_space<vmem>>, vector<16xf32>,
        %get3A_617 = arith.index_cast %scan3A_131 : i32 to index
        %get3A_618 = arith.constant 768 : index
        %get3A_619 = tpu.vector_load %arg8[%get3A_617, %get3A_618] {strides = array<i32>} : memref<20x1024xi32, #tpu.memory_space<vmem>>, vector<16xi32>,
        %get3A_620 = arith.index_cast %scan3A_131 : i32 to index
        %get3A_621 = arith.constant 784 : index
        %get3A_622 = tpu.vector_load %arg8[%get3A_620, %get3A_621] {strides = array<i32>} : memref<20x1024xi32, #tpu.memory_space<vmem>>, vector<16xi32>,
        %get3A_623 = arith.index_cast %scan3A_131 : i32 to index
        %get3A_624 = arith.constant 800 : index
        %get3A_625 = tpu.vector_load %arg8[%get3A_623, %get3A_624] {strides = array<i32>} : memref<20x1024xi32, #tpu.memory_space<vmem>>, vector<16xi32>,
        %get3A_626 = arith.index_cast %scan3A_131 : i32 to index
        %get3A_627 = arith.constant 816 : index
        %get3A_628 = tpu.vector_load %arg8[%get3A_626, %get3A_627] {strides = array<i32>} : memref<20x1024xi32, #tpu.memory_space<vmem>>, vector<16xi32>,
        %get3A_629 = arith.index_cast %scan3A_131 : i32 to index
        %get3A_630 = arith.constant 832 : index
        %get3A_631 = tpu.vector_load %arg8[%get3A_629, %get3A_630] {strides = array<i32>} : memref<20x1024xi32, #tpu.memory_space<vmem>>, vector<16xi32>,
        %get3A_632 = arith.index_cast %scan3A_131 : i32 to index
        %get3A_633 = arith.constant 848 : index
        %get3A_634 = tpu.vector_load %arg8[%get3A_632, %get3A_633] {strides = array<i32>} : memref<20x1024xi32, #tpu.memory_space<vmem>>, vector<16xi32>,
        %get3A_635 = arith.index_cast %scan3A_131 : i32 to index
        %get3A_636 = arith.constant 864 : index
        %get3A_637 = tpu.vector_load %arg8[%get3A_635, %get3A_636] {strides = array<i32>} : memref<20x1024xi32, #tpu.memory_space<vmem>>, vector<16xi32>,
        %get3A_638 = arith.index_cast %scan3A_131 : i32 to index
        %get3A_639 = arith.constant 880 : index
        %get3A_640 = tpu.vector_load %arg8[%get3A_638, %get3A_639] {strides = array<i32>} : memref<20x1024xi32, #tpu.memory_space<vmem>>, vector<16xi32>,
        %gather3A_641 = tpu.vector_load_idx %arg7[%get3A_619] : memref<100000xf32, #tpu.memory_space<vmem>>[vector<16xi32>], vector<16xf32>,
        %gather3A_642 = tpu.vector_load_idx %arg7[%get3A_622] : memref<100000xf32, #tpu.memory_space<vmem>>[vector<16xi32>], vector<16xf32>,
        %gather3A_643 = tpu.vector_load_idx %arg7[%get3A_625] : memref<100000xf32, #tpu.memory_space<vmem>>[vector<16xi32>], vector<16xf32>,
        %gather3A_644 = tpu.vector_load_idx %arg7[%get3A_628] : memref<100000xf32, #tpu.memory_space<vmem>>[vector<16xi32>], vector<16xf32>,
        %gather3A_645 = tpu.vector_load_idx %arg7[%get3A_631] : memref<100000xf32, #tpu.memory_space<vmem>>[vector<16xi32>], vector<16xf32>,
        %gather3A_646 = tpu.vector_load_idx %arg7[%get3A_634] : memref<100000xf32, #tpu.memory_space<vmem>>[vector<16xi32>], vector<16xf32>,
        %gather3A_647 = tpu.vector_load_idx %arg7[%get3A_637] : memref<100000xf32, #tpu.memory_space<vmem>>[vector<16xi32>], vector<16xf32>,
        %gather3A_648 = tpu.vector_load_idx %arg7[%get3A_640] : memref<100000xf32, #tpu.memory_space<vmem>>[vector<16xi32>], vector<16xf32>,
        %mul3A_649 = arith.constant 1024 : i32
        %mul3A_650 = arith.muli %rem3A_134, %mul3A_649 : i32
        %add3A_651 = arith.constant 768 : i32
        %add3A_652 = arith.addi %mul3A_650, %add3A_651 : i32
        %swap3A_653 = arith.index_cast %add3A_652 : i32 to index
        %swap3A_654 = tpu.vector_load %arg9[%swap3A_653] {strides = array<i32>} : memref<4096xf32, #tpu.memory_space<vmem>>, vector<16xf32>,
        tpu.vector_store %arg9[%swap3A_653], %gather3A_641 {strides = array<i32>} : memref<4096xf32, #tpu.memory_space<vmem>>, vector<16xf32>,
        %mul3A_655 = arith.constant 1024 : i32
        %mul3A_656 = arith.muli %rem3A_134, %mul3A_655 : i32
        %add3A_657 = arith.constant 784 : i32
        %add3A_658 = arith.addi %mul3A_656, %add3A_657 : i32
        %swap3A_659 = arith.index_cast %add3A_658 : i32 to index
        %swap3A_660 = tpu.vector_load %arg9[%swap3A_659] {strides = array<i32>} : memref<4096xf32, #tpu.memory_space<vmem>>, vector<16xf32>,
        tpu.vector_store %arg9[%swap3A_659], %gather3A_642 {strides = array<i32>} : memref<4096xf32, #tpu.memory_space<vmem>>, vector<16xf32>,
        %mul3A_661 = arith.constant 1024 : i32
        %mul3A_662 = arith.muli %rem3A_134, %mul3A_661 : i32
        %add3A_663 = arith.constant 800 : i32
        %add3A_664 = arith.addi %mul3A_662, %add3A_663 : i32
        %swap3A_665 = arith.index_cast %add3A_664 : i32 to index
        %swap3A_666 = tpu.vector_load %arg9[%swap3A_665] {strides = array<i32>} : memref<4096xf32, #tpu.memory_space<vmem>>, vector<16xf32>,
        tpu.vector_store %arg9[%swap3A_665], %gather3A_643 {strides = array<i32>} : memref<4096xf32, #tpu.memory_space<vmem>>, vector<16xf32>,
        %mul3A_667 = arith.constant 1024 : i32
        %mul3A_668 = arith.muli %rem3A_134, %mul3A_667 : i32
        %add3A_669 = arith.constant 816 : i32
        %add3A_670 = arith.addi %mul3A_668, %add3A_669 : i32
        %swap3A_671 = arith.index_cast %add3A_670 : i32 to index
        %swap3A_672 = tpu.vector_load %arg9[%swap3A_671] {strides = array<i32>} : memref<4096xf32, #tpu.memory_space<vmem>>, vector<16xf32>,
        tpu.vector_store %arg9[%swap3A_671], %gather3A_644 {strides = array<i32>} : memref<4096xf32, #tpu.memory_space<vmem>>, vector<16xf32>,
        %mul3A_673 = arith.constant 1024 : i32
        %mul3A_674 = arith.muli %rem3A_134, %mul3A_673 : i32
        %add3A_675 = arith.constant 832 : i32
        %add3A_676 = arith.addi %mul3A_674, %add3A_675 : i32
        %swap3A_677 = arith.index_cast %add3A_676 : i32 to index
        %swap3A_678 = tpu.vector_load %arg9[%swap3A_677] {strides = array<i32>} : memref<4096xf32, #tpu.memory_space<vmem>>, vector<16xf32>,
        tpu.vector_store %arg9[%swap3A_677], %gather3A_645 {strides = array<i32>} : memref<4096xf32, #tpu.memory_space<vmem>>, vector<16xf32>,
        %mul3A_679 = arith.constant 1024 : i32
        %mul3A_680 = arith.muli %rem3A_134, %mul3A_679 : i32
        %add3A_681 = arith.constant 848 : i32
        %add3A_682 = arith.addi %mul3A_680, %add3A_681 : i32
        %swap3A_683 = arith.index_cast %add3A_682 : i32 to index
        %swap3A_684 = tpu.vector_load %arg9[%swap3A_683] {strides = array<i32>} : memref<4096xf32, #tpu.memory_space<vmem>>, vector<16xf32>,
        tpu.vector_store %arg9[%swap3A_683], %gather3A_646 {strides = array<i32>} : memref<4096xf32, #tpu.memory_space<vmem>>, vector<16xf32>,
        %mul3A_685 = arith.constant 1024 : i32
        %mul3A_686 = arith.muli %rem3A_134, %mul3A_685 : i32
        %add3A_687 = arith.constant 864 : i32
        %add3A_688 = arith.addi %mul3A_686, %add3A_687 : i32
        %swap3A_689 = arith.index_cast %add3A_688 : i32 to index
        %swap3A_690 = tpu.vector_load %arg9[%swap3A_689] {strides = array<i32>} : memref<4096xf32, #tpu.memory_space<vmem>>, vector<16xf32>,
        tpu.vector_store %arg9[%swap3A_689], %gather3A_647 {strides = array<i32>} : memref<4096xf32, #tpu.memory_space<vmem>>, vector<16xf32>,
        %mul3A_691 = arith.constant 1024 : i32
        %mul3A_692 = arith.muli %rem3A_134, %mul3A_691 : i32
        %add3A_693 = arith.constant 880 : i32
        %add3A_694 = arith.addi %mul3A_692, %add3A_693 : i32
        %swap3A_695 = arith.index_cast %add3A_694 : i32 to index
        %swap3A_696 = tpu.vector_load %arg9[%swap3A_695] {strides = array<i32>} : memref<4096xf32, #tpu.memory_space<vmem>>, vector<16xf32>,
        tpu.vector_store %arg9[%swap3A_695], %gather3A_648 {strides = array<i32>} : memref<4096xf32, #tpu.memory_space<vmem>>, vector<16xf32>,
        %get3A_697 = arith.index_cast %scan3A_131 : i32 to index
        %get3A_698 = arith.constant 896 : index
        %get3A_699 = tpu.vector_load %arg8[%get3A_697, %get3A_698] {strides = array<i32>} : memref<20x1024xi32, #tpu.memory_space<vmem>>, vector<16xi32>,
        %get3A_700 = arith.index_cast %scan3A_131 : i32 to index
        %get3A_701 = arith.constant 912 : index
        %get3A_702 = tpu.vector_load %arg8[%get3A_700, %get3A_701] {strides = array<i32>} : memref<20x1024xi32, #tpu.memory_space<vmem>>, vector<16xi32>,
        %get3A_703 = arith.index_cast %scan3A_131 : i32 to index
        %get3A_704 = arith.constant 928 : index
        %get3A_705 = tpu.vector_load %arg8[%get3A_703, %get3A_704] {strides = array<i32>} : memref<20x1024xi32, #tpu.memory_space<vmem>>, vector<16xi32>,
        %get3A_706 = arith.index_cast %scan3A_131 : i32 to index
        %get3A_707 = arith.constant 944 : index
        %get3A_708 = tpu.vector_load %arg8[%get3A_706, %get3A_707] {strides = array<i32>} : memref<20x1024xi32, #tpu.memory_space<vmem>>, vector<16xi32>,
        %get3A_709 = arith.index_cast %scan3A_131 : i32 to index
        %get3A_710 = arith.constant 960 : index
        %get3A_711 = tpu.vector_load %arg8[%get3A_709, %get3A_710] {strides = array<i32>} : memref<20x1024xi32, #tpu.memory_space<vmem>>, vector<16xi32>,
        %get3A_712 = arith.index_cast %scan3A_131 : i32 to index
        %get3A_713 = arith.constant 976 : index
        %get3A_714 = tpu.vector_load %arg8[%get3A_712, %get3A_713] {strides = array<i32>} : memref<20x1024xi32, #tpu.memory_space<vmem>>, vector<16xi32>,
        %get3A_715 = arith.index_cast %scan3A_131 : i32 to index
        %get3A_716 = arith.constant 992 : index
        %get3A_717 = tpu.vector_load %arg8[%get3A_715, %get3A_716] {strides = array<i32>} : memref<20x1024xi32, #tpu.memory_space<vmem>>, vector<16xi32>,
        %get3A_718 = arith.index_cast %scan3A_131 : i32 to index
        %get3A_719 = arith.constant 1008 : index
        %get3A_720 = tpu.vector_load %arg8[%get3A_718, %get3A_719] {strides = array<i32>} : memref<20x1024xi32, #tpu.memory_space<vmem>>, vector<16xi32>,
        %gather3A_721 = tpu.vector_load_idx %arg7[%get3A_699] : memref<100000xf32, #tpu.memory_space<vmem>>[vector<16xi32>], vector<16xf32>,
        %gather3A_722 = tpu.vector_load_idx %arg7[%get3A_702] : memref<100000xf32, #tpu.memory_space<vmem>>[vector<16xi32>], vector<16xf32>,
        %gather3A_723 = tpu.vector_load_idx %arg7[%get3A_705] : memref<100000xf32, #tpu.memory_space<vmem>>[vector<16xi32>], vector<16xf32>,
        %gather3A_724 = tpu.vector_load_idx %arg7[%get3A_708] : memref<100000xf32, #tpu.memory_space<vmem>>[vector<16xi32>], vector<16xf32>,
        %gather3A_725 = tpu.vector_load_idx %arg7[%get3A_711] : memref<100000xf32, #tpu.memory_space<vmem>>[vector<16xi32>], vector<16xf32>,
        %gather3A_726 = tpu.vector_load_idx %arg7[%get3A_714] : memref<100000xf32, #tpu.memory_space<vmem>>[vector<16xi32>], vector<16xf32>,
        %gather3A_727 = tpu.vector_load_idx %arg7[%get3A_717] : memref<100000xf32, #tpu.memory_space<vmem>>[vector<16xi32>], vector<16xf32>,
        %gather3A_728 = tpu.vector_load_idx %arg7[%get3A_720] : memref<100000xf32, #tpu.memory_space<vmem>>[vector<16xi32>], vector<16xf32>,
        %mul3A_729 = arith.constant 1024 : i32
        %mul3A_730 = arith.muli %rem3A_134, %mul3A_729 : i32
        %add3A_731 = arith.constant 896 : i32
        %add3A_732 = arith.addi %mul3A_730, %add3A_731 : i32
        %swap3A_733 = arith.index_cast %add3A_732 : i32 to index
        %swap3A_734 = tpu.vector_load %arg9[%swap3A_733] {strides = array<i32>} : memref<4096xf32, #tpu.memory_space<vmem>>, vector<16xf32>,
        tpu.vector_store %arg9[%swap3A_733], %gather3A_721 {strides = array<i32>} : memref<4096xf32, #tpu.memory_space<vmem>>, vector<16xf32>,
        %mul3A_735 = arith.constant 1024 : i32
        %mul3A_736 = arith.muli %rem3A_134, %mul3A_735 : i32
        %add3A_737 = arith.constant 912 : i32
        %add3A_738 = arith.addi %mul3A_736, %add3A_737 : i32
        %swap3A_739 = arith.index_cast %add3A_738 : i32 to index
        %swap3A_740 = tpu.vector_load %arg9[%swap3A_739] {strides = array<i32>} : memref<4096xf32, #tpu.memory_space<vmem>>, vector<16xf32>,
        tpu.vector_store %arg9[%swap3A_739], %gather3A_722 {strides = array<i32>} : memref<4096xf32, #tpu.memory_space<vmem>>, vector<16xf32>,
        %mul3A_741 = arith.constant 1024 : i32
        %mul3A_742 = arith.muli %rem3A_134, %mul3A_741 : i32
        %add3A_743 = arith.constant 928 : i32
        %add3A_744 = arith.addi %mul3A_742, %add3A_743 : i32
        %swap3A_745 = arith.index_cast %add3A_744 : i32 to index
        %swap3A_746 = tpu.vector_load %arg9[%swap3A_745] {strides = array<i32>} : memref<4096xf32, #tpu.memory_space<vmem>>, vector<16xf32>,
        tpu.vector_store %arg9[%swap3A_745], %gather3A_723 {strides = array<i32>} : memref<4096xf32, #tpu.memory_space<vmem>>, vector<16xf32>,
        %mul3A_747 = arith.constant 1024 : i32
        %mul3A_748 = arith.muli %rem3A_134, %mul3A_747 : i32
        %add3A_749 = arith.constant 944 : i32
        %add3A_750 = arith.addi %mul3A_748, %add3A_749 : i32
        %swap3A_751 = arith.index_cast %add3A_750 : i32 to index
        %swap3A_752 = tpu.vector_load %arg9[%swap3A_751] {strides = array<i32>} : memref<4096xf32, #tpu.memory_space<vmem>>, vector<16xf32>,
        tpu.vector_store %arg9[%swap3A_751], %gather3A_724 {strides = array<i32>} : memref<4096xf32, #tpu.memory_space<vmem>>, vector<16xf32>,
        %mul3A_753 = arith.constant 1024 : i32
        %mul3A_754 = arith.muli %rem3A_134, %mul3A_753 : i32
        %add3A_755 = arith.constant 960 : i32
        %add3A_756 = arith.addi %mul3A_754, %add3A_755 : i32
        %swap3A_757 = arith.index_cast %add3A_756 : i32 to index
        %swap3A_758 = tpu.vector_load %arg9[%swap3A_757] {strides = array<i32>} : memref<4096xf32, #tpu.memory_space<vmem>>, vector<16xf32>,
        tpu.vector_store %arg9[%swap3A_757], %gather3A_725 {strides = array<i32>} : memref<4096xf32, #tpu.memory_space<vmem>>, vector<16xf32>,
        %mul3A_759 = arith.constant 1024 : i32
        %mul3A_760 = arith.muli %rem3A_134, %mul3A_759 : i32
        %add3A_761 = arith.constant 976 : i32
        %add3A_762 = arith.addi %mul3A_760, %add3A_761 : i32
        %swap3A_763 = arith.index_cast %add3A_762 : i32 to index
        %swap3A_764 = tpu.vector_load %arg9[%swap3A_763] {strides = array<i32>} : memref<4096xf32, #tpu.memory_space<vmem>>, vector<16xf32>,
        tpu.vector_store %arg9[%swap3A_763], %gather3A_726 {strides = array<i32>} : memref<4096xf32, #tpu.memory_space<vmem>>, vector<16xf32>,
        %mul3A_765 = arith.constant 1024 : i32
        %mul3A_766 = arith.muli %rem3A_134, %mul3A_765 : i32
        %add3A_767 = arith.constant 992 : i32
        %add3A_768 = arith.addi %mul3A_766, %add3A_767 : i32
        %swap3A_769 = arith.index_cast %add3A_768 : i32 to index
        %swap3A_770 = tpu.vector_load %arg9[%swap3A_769] {strides = array<i32>} : memref<4096xf32, #tpu.memory_space<vmem>>, vector<16xf32>,
        tpu.vector_store %arg9[%swap3A_769], %gather3A_727 {strides = array<i32>} : memref<4096xf32, #tpu.memory_space<vmem>>, vector<16xf32>,
        %mul3A_771 = arith.constant 1024 : i32
        %mul3A_772 = arith.muli %rem3A_134, %mul3A_771 : i32
        %add3A_773 = arith.constant 1008 : i32
        %add3A_774 = arith.addi %mul3A_772, %add3A_773 : i32
        %swap3A_775 = arith.index_cast %add3A_774 : i32 to index
        %swap3A_776 = tpu.vector_load %arg9[%swap3A_775] {strides = array<i32>} : memref<4096xf32, #tpu.memory_space<vmem>>, vector<16xf32>,
        tpu.vector_store %arg9[%swap3A_775], %gather3A_728 {strides = array<i32>} : memref<4096xf32, #tpu.memory_space<vmem>>, vector<16xf32>,
        %mul3A_777 = arith.constant 20 : i32
        %mul3A_778 = arith.muli %scan3A_131, %mul3A_777 : i32
        %add3A_779 = arith.addi %mul3A_778, %sub3A_114 : i32
        %mul3A_780 = arith.constant 1024 : i32
        %mul3A_781 = arith.muli %rem3A_134, %mul3A_780 : i32
        %dma_start3A_782 = tpu.memref_slice %arg9[%mul3A_781] : memref<4096xf32, #tpu.memory_space<vmem>> -> memref<1024xf32, #tpu.memory_space<vmem>>
        %dma_start3A_783 = arith.constant 0 : i32
        %dma_start3A_784 = tpu.memref_slice %arg5[%select_n3A_111, %add3A_779, %dma_start3A_783] : memref<10x400x1024xf32, #tpu.memory_space<hbm>> -> memref<1x1x1024xf32, #tpu.memory_space<hbm>>
        %dma_start3A_785 = tpu.memref_squeeze %dma_start3A_784 : memref<1x1x1024xf32, #tpu.memory_space<hbm>> -> memref<1024xf32, #tpu.memory_space<hbm>>
        %dma_start3A_786 = arith.constant 0 : i32
        %dma_start3A_787 = tpu.memref_slice %arg5[%select_n3A_111, %add3A_779, %dma_start3A_786] : memref<10x400x1024xf32, #tpu.memory_space<hbm>> -> memref<1x1x1024xf32, #tpu.memory_space<hbm>>
        %dma_start3A_788 = tpu.memref_squeeze %dma_start3A_787 : memref<1x1x1024xf32, #tpu.memory_space<hbm>> -> memref<1024xf32, #tpu.memory_space<hbm>>
        %dma_start3A_789 = tpu.memref_slice %arg9[%mul3A_781] : memref<4096xf32, #tpu.memory_space<vmem>> -> memref<1024xf32, #tpu.memory_space<vmem>>
        tpu.enqueue_dma source(%dma_start3A_789 : memref<1024xf32, #tpu.memory_space<vmem>>) target(%dma_start3A_788 : memref<1024xf32, #tpu.memory_space<hbm>>) target_semaphore(%arg11 : memref<!tpu.dma_semaphore, #tpu.memory_space<semaphore_mem>>)
        %add3A_790 = arith.constant 1 : i32
        %add3A_791 = arith.addi %scan3A_132, %add3A_790 : i32
        scf.yield %add3A_791 : i32
      }
      %scan3A_130 = arith.constant 20 : i32
      scf.yield %scan3A_129 : i32
    }
    %while3A_30 = arith.constant 1 : i32
    %while3A_31 = scf.for %while3A_83 = %while3A_27 to %while3A_23 step %while3A_30 iter_args(%while3A_84 = %while3A_29) -> (i32)  : i32 {
      %mul3A_85 = arith.constant 32 : i32
      %mul3A_86 = arith.muli %while3A_83, %mul3A_85 : i32
      %add3A_87 = arith.addi %add3A, %mul3A_86 : i32
      %jit3A_88 = arith.constant 20 : i32
      %div3A_89 = arith.divsi %add3A_87, %jit3A_88 : i32
      %sign3A_90 = arith.constant 0 : i32
      %sign3A_91 = arith.cmpi sgt, %add3A_87, %sign3A_90 : i32
      %sign3A_92 = arith.extui %sign3A_91 : i1 to i32
      %sign3A_93 = arith.constant 0 : i32
      %sign3A_94 = arith.cmpi slt, %add3A_87, %sign3A_93 : i32
      %sign3A_95 = arith.extui %sign3A_94 : i1 to i32
      %sign3A_96 = arith.subi %sign3A_92, %sign3A_95 : i32
      %sign3A_97 = arith.constant 0 : i32
      %sign3A_98 = arith.cmpi sgt, %jit3A_88, %sign3A_97 : i32
      %sign3A_99 = arith.extui %sign3A_98 : i1 to i32
      %sign3A_100 = arith.constant 0 : i32
      %sign3A_101 = arith.cmpi slt, %jit3A_88, %sign3A_100 : i32
      %sign3A_102 = arith.extui %sign3A_101 : i1 to i32
      %sign3A_103 = arith.subi %sign3A_99, %sign3A_102 : i32
      %ne3A_104 = arith.cmpi ne, %sign3A_96, %sign3A_103 : i32
      %rem3A_105 = arith.remsi %add3A_87, %jit3A_88 : i32
      %ne3A_106 = arith.constant 0 : i32
      %ne3A_107 = arith.cmpi ne, %rem3A_105, %ne3A_106 : i32
      %and3A_108 = arith.andi %ne3A_104, %ne3A_107 : i1
      %sub3A_109 = arith.constant 1 : i32
      %sub3A_110 = arith.subi %div3A_89, %sub3A_109 : i32
      %select_n3A_111 = arith.select %and3A_108, %sub3A_110, %div3A_89 : i32
      %mul3A_112 = arith.constant 20 : i32
      %mul3A_113 = arith.muli %select_n3A_111, %mul3A_112 : i32
      %sub3A_114 = arith.subi %add3A_87, %mul3A_113 : i32
      %dma_start3A = arith.constant 0 : i32
      %dma_start3A_115 = tpu.memref_slice %arg3[%select_n3A_111, %sub3A_114, %dma_start3A] : memref<10x20x100000xf32, #tpu.memory_space<hbm>> -> memref<1x1x100000xf32, #tpu.memory_space<hbm>>
      %dma_start3A_116 = tpu.memref_squeeze %dma_start3A_115 : memref<1x1x100000xf32, #tpu.memory_space<hbm>> -> memref<100000xf32, #tpu.memory_space<hbm>>
      %dma_start3A_117 = arith.constant 0 : i32
      %dma_start3A_118 = tpu.memref_slice %arg3[%select_n3A_111, %sub3A_114, %dma_start3A_117] : memref<10x20x100000xf32, #tpu.memory_space<hbm>> -> memref<1x1x100000xf32, #tpu.memory_space<hbm>>
      %dma_start3A_119 = tpu.memref_squeeze %dma_start3A_118 : memref<1x1x100000xf32, #tpu.memory_space<hbm>> -> memref<100000xf32, #tpu.memory_space<hbm>>
      tpu.enqueue_dma source(%dma_start3A_119 : memref<100000xf32, #tpu.memory_space<hbm>>) target(%arg7 : memref<100000xf32, #tpu.memory_space<vmem>>) target_semaphore(%arg10 : memref<!tpu.dma_semaphore, #tpu.memory_space<semaphore_mem>>)
      %dma_wait3A_120 = arith.constant 0 : i32
      %dma_wait3A_121 = tpu.memref_slice %arg3[%select_n3A_111, %sub3A_114, %dma_wait3A_120] : memref<10x20x100000xf32, #tpu.memory_space<hbm>> -> memref<1x1x100000xf32, #tpu.memory_space<hbm>>
      %dma_wait3A_122 = tpu.memref_squeeze %dma_wait3A_121 : memref<1x1x100000xf32, #tpu.memory_space<hbm>> -> memref<100000xf32, #tpu.memory_space<hbm>>
      %dma_wait3A_123 = arith.constant 0 : i32
      %dma_wait3A_124 = tpu.memref_slice %arg3[%select_n3A_111, %sub3A_114, %dma_wait3A_123] : memref<10x20x100000xf32, #tpu.memory_space<hbm>> -> memref<1x1x100000xf32, #tpu.memory_space<hbm>>
      %dma_wait3A_125 = tpu.memref_squeeze %dma_wait3A_124 : memref<1x1x100000xf32, #tpu.memory_space<hbm>> -> memref<100000xf32, #tpu.memory_space<hbm>>
      tpu.wait_dma2 semaphore(%arg10 : memref<!tpu.dma_semaphore, #tpu.memory_space<semaphore_mem>>) src(%dma_wait3A_125 : memref<100000xf32, #tpu.memory_space<hbm>>) dst(%arg7 : memref<100000xf32, #tpu.memory_space<vmem>>)
      %scan3A = arith.constant 0 : i32
      %scan3A_126 = arith.constant 20 : i32
      %scan3A_127 = arith.addi %scan3A, %scan3A_126 : i32
      %scan3A_128 = arith.constant 1 : i32
      %scan3A_129 = scf.for %scan3A_131 = %scan3A to %scan3A_127 step %scan3A_128 iter_args(%scan3A_132 = %while3A_84) -> (i32)  : i32 {
        %rem3A_133 = arith.constant 4 : i32
        %rem3A_134 = arith.remsi %scan3A_132, %rem3A_133 : i32
        %ge3A_135 = arith.constant 4 : i32
        %ge3A_136 = arith.cmpi sge, %scan3A_132, %ge3A_135 : i32
        %convert_element_type3A_137 = arith.extui %ge3A_136 : i1 to i32
        %cond3A_138 = arith.constant 0 : i32
        %cond3A_139 = arith.cmpi ne, %convert_element_type3A_137, %cond3A_138 : i32
        scf.if %cond3A_139 {
          %dma_wait3A_792 = arith.constant 0 : i32
          %dma_wait3A_793 = arith.constant 0 : i32
          %dma_wait3A_794 = arith.constant 0 : i32
          %dma_wait3A_795 = tpu.memref_slice %arg9[%dma_wait3A_794] : memref<4096xf32, #tpu.memory_space<vmem>> -> memref<1024xf32, #tpu.memory_space<vmem>>
          %dma_wait3A_796 = arith.constant 0 : i32
          %dma_wait3A_797 = tpu.memref_slice %arg5[%dma_wait3A_792, %dma_wait3A_793, %dma_wait3A_796] : memref<10x400x1024xf32, #tpu.memory_space<hbm>> -> memref<1x1x1024xf32, #tpu.memory_space<hbm>>
          %dma_wait3A_798 = tpu.memref_squeeze %dma_wait3A_797 : memref<1x1x1024xf32, #tpu.memory_space<hbm>> -> memref<1024xf32, #tpu.memory_space<hbm>>
          %dma_wait3A_799 = arith.constant 0 : i32
          %dma_wait3A_800 = tpu.memref_slice %arg5[%dma_wait3A_792, %dma_wait3A_793, %dma_wait3A_799] : memref<10x400x1024xf32, #tpu.memory_space<hbm>> -> memref<1x1x1024xf32, #tpu.memory_space<hbm>>
          %dma_wait3A_801 = tpu.memref_squeeze %dma_wait3A_800 : memref<1x1x1024xf32, #tpu.memory_space<hbm>> -> memref<1024xf32, #tpu.memory_space<hbm>>
          %dma_wait3A_802 = arith.constant 0 : i32
          %dma_wait3A_803 = tpu.memref_slice %arg9[%dma_wait3A_802] : memref<4096xf32, #tpu.memory_space<vmem>> -> memref<1024xf32, #tpu.memory_space<vmem>>
          tpu.wait_dma2 semaphore(%arg11 : memref<!tpu.dma_semaphore, #tpu.memory_space<semaphore_mem>>) src(%dma_wait3A_803 : memref<1024xf32, #tpu.memory_space<vmem>>) dst(%dma_wait3A_801 : memref<1024xf32, #tpu.memory_space<hbm>>)
        } else {
        }
        %get3A = arith.index_cast %scan3A_131 : i32 to index
        %get3A_140 = arith.constant 0 : index
        %get3A_141 = tpu.vector_load %arg8[%get3A, %get3A_140] {strides = array<i32>} : memref<20x1024xi32, #tpu.memory_space<vmem>>, vector<16xi32>,
        %get3A_142 = arith.index_cast %scan3A_131 : i32 to index
        %get3A_143 = arith.constant 16 : index
        %get3A_144 = tpu.vector_load %arg8[%get3A_142, %get3A_143] {strides = array<i32>} : memref<20x1024xi32, #tpu.memory_space<vmem>>, vector<16xi32>,
        %get3A_145 = arith.index_cast %scan3A_131 : i32 to index
        %get3A_146 = arith.constant 32 : index
        %get3A_147 = tpu.vector_load %arg8[%get3A_145, %get3A_146] {strides = array<i32>} : memref<20x1024xi32, #tpu.memory_space<vmem>>, vector<16xi32>,
        %get3A_148 = arith.index_cast %scan3A_131 : i32 to index
        %get3A_149 = arith.constant 48 : index
        %get3A_150 = tpu.vector_load %arg8[%get3A_148, %get3A_149] {strides = array<i32>} : memref<20x1024xi32, #tpu.memory_space<vmem>>, vector<16xi32>,
        %get3A_151 = arith.index_cast %scan3A_131 : i32 to index
        %get3A_152 = arith.constant 64 : index
        %get3A_153 = tpu.vector_load %arg8[%get3A_151, %get3A_152] {strides = array<i32>} : memref<20x1024xi32, #tpu.memory_space<vmem>>, vector<16xi32>,
        %get3A_154 = arith.index_cast %scan3A_131 : i32 to index
        %get3A_155 = arith.constant 80 : index
        %get3A_156 = tpu.vector_load %arg8[%get3A_154, %get3A_155] {strides = array<i32>} : memref<20x1024xi32, #tpu.memory_space<vmem>>, vector<16xi32>,
        %get3A_157 = arith.index_cast %scan3A_131 : i32 to index
        %get3A_158 = arith.constant 96 : index
        %get3A_159 = tpu.vector_load %arg8[%get3A_157, %get3A_158] {strides = array<i32>} : memref<20x1024xi32, #tpu.memory_space<vmem>>, vector<16xi32>,
        %get3A_160 = arith.index_cast %scan3A_131 : i32 to index
        %get3A_161 = arith.constant 112 : index
        %get3A_162 = tpu.vector_load %arg8[%get3A_160, %get3A_161] {strides = array<i32>} : memref<20x1024xi32, #tpu.memory_space<vmem>>, vector<16xi32>,
        %gather3A = tpu.vector_load_idx %arg7[%get3A_141] : memref<100000xf32, #tpu.memory_space<vmem>>[vector<16xi32>], vector<16xf32>,
        %gather3A_163 = tpu.vector_load_idx %arg7[%get3A_144] : memref<100000xf32, #tpu.memory_space<vmem>>[vector<16xi32>], vector<16xf32>,
        %gather3A_164 = tpu.vector_load_idx %arg7[%get3A_147] : memref<100000xf32, #tpu.memory_space<vmem>>[vector<16xi32>], vector<16xf32>,
        %gather3A_165 = tpu.vector_load_idx %arg7[%get3A_150] : memref<100000xf32, #tpu.memory_space<vmem>>[vector<16xi32>], vector<16xf32>,
        %gather3A_166 = tpu.vector_load_idx %arg7[%get3A_153] : memref<100000xf32, #tpu.memory_space<vmem>>[vector<16xi32>], vector<16xf32>,
        %gather3A_167 = tpu.vector_load_idx %arg7[%get3A_156] : memref<100000xf32, #tpu.memory_space<vmem>>[vector<16xi32>], vector<16xf32>,
        %gather3A_168 = tpu.vector_load_idx %arg7[%get3A_159] : memref<100000xf32, #tpu.memory_space<vmem>>[vector<16xi32>], vector<16xf32>,
        %gather3A_169 = tpu.vector_load_idx %arg7[%get3A_162] : memref<100000xf32, #tpu.memory_space<vmem>>[vector<16xi32>], vector<16xf32>,
        %mul3A_170 = arith.constant 1024 : i32
        %mul3A_171 = arith.muli %rem3A_134, %mul3A_170 : i32
        %add3A_172 = arith.constant 0 : i32
        %add3A_173 = arith.addi %mul3A_171, %add3A_172 : i32
        %swap3A = arith.index_cast %add3A_173 : i32 to index
        %swap3A_174 = tpu.vector_load %arg9[%swap3A] {strides = array<i32>} : memref<4096xf32, #tpu.memory_space<vmem>>, vector<16xf32>,
        tpu.vector_store %arg9[%swap3A], %gather3A {strides = array<i32>} : memref<4096xf32, #tpu.memory_space<vmem>>, vector<16xf32>,
        %mul3A_175 = arith.constant 1024 : i32
        %mul3A_176 = arith.muli %rem3A_134, %mul3A_175 : i32
        %add3A_177 = arith.constant 16 : i32
        %add3A_178 = arith.addi %mul3A_176, %add3A_177 : i32
        %swap3A_179 = arith.index_cast %add3A_178 : i32 to index
        %swap3A_180 = tpu.vector_load %arg9[%swap3A_179] {strides = array<i32>} : memref<4096xf32, #tpu.memory_space<vmem>>, vector<16xf32>,
        tpu.vector_store %arg9[%swap3A_179], %gather3A_163 {strides = array<i32>} : memref<4096xf32, #tpu.memory_space<vmem>>, vector<16xf32>,
        %mul3A_181 = arith.constant 1024 : i32
        %mul3A_182 = arith.muli %rem3A_134, %mul3A_181 : i32
        %add3A_183 = arith.constant 32 : i32
        %add3A_184 = arith.addi %mul3A_182, %add3A_183 : i32
        %swap3A_185 = arith.index_cast %add3A_184 : i32 to index
        %swap3A_186 = tpu.vector_load %arg9[%swap3A_185] {strides = array<i32>} : memref<4096xf32, #tpu.memory_space<vmem>>, vector<16xf32>,
        tpu.vector_store %arg9[%swap3A_185], %gather3A_164 {strides = array<i32>} : memref<4096xf32, #tpu.memory_space<vmem>>, vector<16xf32>,
        %mul3A_187 = arith.constant 1024 : i32
        %mul3A_188 = arith.muli %rem3A_134, %mul3A_187 : i32
        %add3A_189 = arith.constant 48 : i32
        %add3A_190 = arith.addi %mul3A_188, %add3A_189 : i32
        %swap3A_191 = arith.index_cast %add3A_190 : i32 to index
        %swap3A_192 = tpu.vector_load %arg9[%swap3A_191] {strides = array<i32>} : memref<4096xf32, #tpu.memory_space<vmem>>, vector<16xf32>,
        tpu.vector_store %arg9[%swap3A_191], %gather3A_165 {strides = array<i32>} : memref<4096xf32, #tpu.memory_space<vmem>>, vector<16xf32>,
        %mul3A_193 = arith.constant 1024 : i32
        %mul3A_194 = arith.muli %rem3A_134, %mul3A_193 : i32
        %add3A_195 = arith.constant 64 : i32
        %add3A_196 = arith.addi %mul3A_194, %add3A_195 : i32
        %swap3A_197 = arith.index_cast %add3A_196 : i32 to index
        %swap3A_198 = tpu.vector_load %arg9[%swap3A_197] {strides = array<i32>} : memref<4096xf32, #tpu.memory_space<vmem>>, vector<16xf32>,
        tpu.vector_store %arg9[%swap3A_197], %gather3A_166 {strides = array<i32>} : memref<4096xf32, #tpu.memory_space<vmem>>, vector<16xf32>,
        %mul3A_199 = arith.constant 1024 : i32
        %mul3A_200 = arith.muli %rem3A_134, %mul3A_199 : i32
        %add3A_201 = arith.constant 80 : i32
        %add3A_202 = arith.addi %mul3A_200, %add3A_201 : i32
        %swap3A_203 = arith.index_cast %add3A_202 : i32 to index
        %swap3A_204 = tpu.vector_load %arg9[%swap3A_203] {strides = array<i32>} : memref<4096xf32, #tpu.memory_space<vmem>>, vector<16xf32>,
        tpu.vector_store %arg9[%swap3A_203], %gather3A_167 {strides = array<i32>} : memref<4096xf32, #tpu.memory_space<vmem>>, vector<16xf32>,
        %mul3A_205 = arith.constant 1024 : i32
        %mul3A_206 = arith.muli %rem3A_134, %mul3A_205 : i32
        %add3A_207 = arith.constant 96 : i32
        %add3A_208 = arith.addi %mul3A_206, %add3A_207 : i32
        %swap3A_209 = arith.index_cast %add3A_208 : i32 to index
        %swap3A_210 = tpu.vector_load %arg9[%swap3A_209] {strides = array<i32>} : memref<4096xf32, #tpu.memory_space<vmem>>, vector<16xf32>,
        tpu.vector_store %arg9[%swap3A_209], %gather3A_168 {strides = array<i32>} : memref<4096xf32, #tpu.memory_space<vmem>>, vector<16xf32>,
        %mul3A_211 = arith.constant 1024 : i32
        %mul3A_212 = arith.muli %rem3A_134, %mul3A_211 : i32
        %add3A_213 = arith.constant 112 : i32
        %add3A_214 = arith.addi %mul3A_212, %add3A_213 : i32
        %swap3A_215 = arith.index_cast %add3A_214 : i32 to index
        %swap3A_216 = tpu.vector_load %arg9[%swap3A_215] {strides = array<i32>} : memref<4096xf32, #tpu.memory_space<vmem>>, vector<16xf32>,
        tpu.vector_store %arg9[%swap3A_215], %gather3A_169 {strides = array<i32>} : memref<4096xf32, #tpu.memory_space<vmem>>, vector<16xf32>,
        %get3A_217 = arith.index_cast %scan3A_131 : i32 to index
        %get3A_218 = arith.constant 128 : index
        %get3A_219 = tpu.vector_load %arg8[%get3A_217, %get3A_218] {strides = array<i32>} : memref<20x1024xi32, #tpu.memory_space<vmem>>, vector<16xi32>,
        %get3A_220 = arith.index_cast %scan3A_131 : i32 to index
        %get3A_221 = arith.constant 144 : index
        %get3A_222 = tpu.vector_load %arg8[%get3A_220, %get3A_221] {strides = array<i32>} : memref<20x1024xi32, #tpu.memory_space<vmem>>, vector<16xi32>,
        %get3A_223 = arith.index_cast %scan3A_131 : i32 to index
        %get3A_224 = arith.constant 160 : index
        %get3A_225 = tpu.vector_load %arg8[%get3A_223, %get3A_224] {strides = array<i32>} : memref<20x1024xi32, #tpu.memory_space<vmem>>, vector<16xi32>,
        %get3A_226 = arith.index_cast %scan3A_131 : i32 to index
        %get3A_227 = arith.constant 176 : index
        %get3A_228 = tpu.vector_load %arg8[%get3A_226, %get3A_227] {strides = array<i32>} : memref<20x1024xi32, #tpu.memory_space<vmem>>, vector<16xi32>,
        %get3A_229 = arith.index_cast %scan3A_131 : i32 to index
        %get3A_230 = arith.constant 192 : index
        %get3A_231 = tpu.vector_load %arg8[%get3A_229, %get3A_230] {strides = array<i32>} : memref<20x1024xi32, #tpu.memory_space<vmem>>, vector<16xi32>,
        %get3A_232 = arith.index_cast %scan3A_131 : i32 to index
        %get3A_233 = arith.constant 208 : index
        %get3A_234 = tpu.vector_load %arg8[%get3A_232, %get3A_233] {strides = array<i32>} : memref<20x1024xi32, #tpu.memory_space<vmem>>, vector<16xi32>,
        %get3A_235 = arith.index_cast %scan3A_131 : i32 to index
        %get3A_236 = arith.constant 224 : index
        %get3A_237 = tpu.vector_load %arg8[%get3A_235, %get3A_236] {strides = array<i32>} : memref<20x1024xi32, #tpu.memory_space<vmem>>, vector<16xi32>,
        %get3A_238 = arith.index_cast %scan3A_131 : i32 to index
        %get3A_239 = arith.constant 240 : index
        %get3A_240 = tpu.vector_load %arg8[%get3A_238, %get3A_239] {strides = array<i32>} : memref<20x1024xi32, #tpu.memory_space<vmem>>, vector<16xi32>,
        %gather3A_241 = tpu.vector_load_idx %arg7[%get3A_219] : memref<100000xf32, #tpu.memory_space<vmem>>[vector<16xi32>], vector<16xf32>,
        %gather3A_242 = tpu.vector_load_idx %arg7[%get3A_222] : memref<100000xf32, #tpu.memory_space<vmem>>[vector<16xi32>], vector<16xf32>,
        %gather3A_243 = tpu.vector_load_idx %arg7[%get3A_225] : memref<100000xf32, #tpu.memory_space<vmem>>[vector<16xi32>], vector<16xf32>,
        %gather3A_244 = tpu.vector_load_idx %arg7[%get3A_228] : memref<100000xf32, #tpu.memory_space<vmem>>[vector<16xi32>], vector<16xf32>,
        %gather3A_245 = tpu.vector_load_idx %arg7[%get3A_231] : memref<100000xf32, #tpu.memory_space<vmem>>[vector<16xi32>], vector<16xf32>,
        %gather3A_246 = tpu.vector_load_idx %arg7[%get3A_234] : memref<100000xf32, #tpu.memory_space<vmem>>[vector<16xi32>], vector<16xf32>,
        %gather3A_247 = tpu.vector_load_idx %arg7[%get3A_237] : memref<100000xf32, #tpu.memory_space<vmem>>[vector<16xi32>], vector<16xf32>,
        %gather3A_248 = tpu.vector_load_idx %arg7[%get3A_240] : memref<100000xf32, #tpu.memory_space<vmem>>[vector<16xi32>], vector<16xf32>,
        %mul3A_249 = arith.constant 1024 : i32
        %mul3A_250 = arith.muli %rem3A_134, %mul3A_249 : i32
        %add3A_251 = arith.constant 128 : i32
        %add3A_252 = arith.addi %mul3A_250, %add3A_251 : i32
        %swap3A_253 = arith.index_cast %add3A_252 : i32 to index
        %swap3A_254 = tpu.vector_load %arg9[%swap3A_253] {strides = array<i32>} : memref<4096xf32, #tpu.memory_space<vmem>>, vector<16xf32>,
        tpu.vector_store %arg9[%swap3A_253], %gather3A_241 {strides = array<i32>} : memref<4096xf32, #tpu.memory_space<vmem>>, vector<16xf32>,
        %mul3A_255 = arith.constant 1024 : i32
        %mul3A_256 = arith.muli %rem3A_134, %mul3A_255 : i32
        %add3A_257 = arith.constant 144 : i32
        %add3A_258 = arith.addi %mul3A_256, %add3A_257 : i32
        %swap3A_259 = arith.index_cast %add3A_258 : i32 to index
        %swap3A_260 = tpu.vector_load %arg9[%swap3A_259] {strides = array<i32>} : memref<4096xf32, #tpu.memory_space<vmem>>, vector<16xf32>,
        tpu.vector_store %arg9[%swap3A_259], %gather3A_242 {strides = array<i32>} : memref<4096xf32, #tpu.memory_space<vmem>>, vector<16xf32>,
        %mul3A_261 = arith.constant 1024 : i32
        %mul3A_262 = arith.muli %rem3A_134, %mul3A_261 : i32
        %add3A_263 = arith.constant 160 : i32
        %add3A_264 = arith.addi %mul3A_262, %add3A_263 : i32
        %swap3A_265 = arith.index_cast %add3A_264 : i32 to index
        %swap3A_266 = tpu.vector_load %arg9[%swap3A_265] {strides = array<i32>} : memref<4096xf32, #tpu.memory_space<vmem>>, vector<16xf32>,
        tpu.vector_store %arg9[%swap3A_265], %gather3A_243 {strides = array<i32>} : memref<4096xf32, #tpu.memory_space<vmem>>, vector<16xf32>,
        %mul3A_267 = arith.constant 1024 : i32
        %mul3A_268 = arith.muli %rem3A_134, %mul3A_267 : i32
        %add3A_269 = arith.constant 176 : i32
        %add3A_270 = arith.addi %mul3A_268, %add3A_269 : i32
        %swap3A_271 = arith.index_cast %add3A_270 : i32 to index
        %swap3A_272 = tpu.vector_load %arg9[%swap3A_271] {strides = array<i32>} : memref<4096xf32, #tpu.memory_space<vmem>>, vector<16xf32>,
        tpu.vector_store %arg9[%swap3A_271], %gather3A_244 {strides = array<i32>} : memref<4096xf32, #tpu.memory_space<vmem>>, vector<16xf32>,
        %mul3A_273 = arith.constant 1024 : i32
        %mul3A_274 = arith.muli %rem3A_134, %mul3A_273 : i32
        %add3A_275 = arith.constant 192 : i32
        %add3A_276 = arith.addi %mul3A_274, %add3A_275 : i32
        %swap3A_277 = arith.index_cast %add3A_276 : i32 to index
        %swap3A_278 = tpu.vector_load %arg9[%swap3A_277] {strides = array<i32>} : memref<4096xf32, #tpu.memory_space<vmem>>, vector<16xf32>,
        tpu.vector_store %arg9[%swap3A_277], %gather3A_245 {strides = array<i32>} : memref<4096xf32, #tpu.memory_space<vmem>>, vector<16xf32>,
        %mul3A_279 = arith.constant 1024 : i32
        %mul3A_280 = arith.muli %rem3A_134, %mul3A_279 : i32
        %add3A_281 = arith.constant 208 : i32
        %add3A_282 = arith.addi %mul3A_280, %add3A_281 : i32
        %swap3A_283 = arith.index_cast %add3A_282 : i32 to index
        %swap3A_284 = tpu.vector_load %arg9[%swap3A_283] {strides = array<i32>} : memref<4096xf32, #tpu.memory_space<vmem>>, vector<16xf32>,
        tpu.vector_store %arg9[%swap3A_283], %gather3A_246 {strides = array<i32>} : memref<4096xf32, #tpu.memory_space<vmem>>, vector<16xf32>,
        %mul3A_285 = arith.constant 1024 : i32
        %mul3A_286 = arith.muli %rem3A_134, %mul3A_285 : i32
        %add3A_287 = arith.constant 224 : i32
        %add3A_288 = arith.addi %mul3A_286, %add3A_287 : i32
        %swap3A_289 = arith.index_cast %add3A_288 : i32 to index
        %swap3A_290 = tpu.vector_load %arg9[%swap3A_289] {strides = array<i32>} : memref<4096xf32, #tpu.memory_space<vmem>>, vector<16xf32>,
        tpu.vector_store %arg9[%swap3A_289], %gather3A_247 {strides = array<i32>} : memref<4096xf32, #tpu.memory_space<vmem>>, vector<16xf32>,
        %mul3A_291 = arith.constant 1024 : i32
        %mul3A_292 = arith.muli %rem3A_134, %mul3A_291 : i32
        %add3A_293 = arith.constant 240 : i32
        %add3A_294 = arith.addi %mul3A_292, %add3A_293 : i32
        %swap3A_295 = arith.index_cast %add3A_294 : i32 to index
        %swap3A_296 = tpu.vector_load %arg9[%swap3A_295] {strides = array<i32>} : memref<4096xf32, #tpu.memory_space<vmem>>, vector<16xf32>,
        tpu.vector_store %arg9[%swap3A_295], %gather3A_248 {strides = array<i32>} : memref<4096xf32, #tpu.memory_space<vmem>>, vector<16xf32>,
        %get3A_297 = arith.index_cast %scan3A_131 : i32 to index
        %get3A_298 = arith.constant 256 : index
        %get3A_299 = tpu.vector_load %arg8[%get3A_297, %get3A_298] {strides = array<i32>} : memref<20x1024xi32, #tpu.memory_space<vmem>>, vector<16xi32>,
        %get3A_300 = arith.index_cast %scan3A_131 : i32 to index
        %get3A_301 = arith.constant 272 : index
        %get3A_302 = tpu.vector_load %arg8[%get3A_300, %get3A_301] {strides = array<i32>} : memref<20x1024xi32, #tpu.memory_space<vmem>>, vector<16xi32>,
        %get3A_303 = arith.index_cast %scan3A_131 : i32 to index
        %get3A_304 = arith.constant 288 : index
        %get3A_305 = tpu.vector_load %arg8[%get3A_303, %get3A_304] {strides = array<i32>} : memref<20x1024xi32, #tpu.memory_space<vmem>>, vector<16xi32>,
        %get3A_306 = arith.index_cast %scan3A_131 : i32 to index
        %get3A_307 = arith.constant 304 : index
        %get3A_308 = tpu.vector_load %arg8[%get3A_306, %get3A_307] {strides = array<i32>} : memref<20x1024xi32, #tpu.memory_space<vmem>>, vector<16xi32>,
        %get3A_309 = arith.index_cast %scan3A_131 : i32 to index
        %get3A_310 = arith.constant 320 : index
        %get3A_311 = tpu.vector_load %arg8[%get3A_309, %get3A_310] {strides = array<i32>} : memref<20x1024xi32, #tpu.memory_space<vmem>>, vector<16xi32>,
        %get3A_312 = arith.index_cast %scan3A_131 : i32 to index
        %get3A_313 = arith.constant 336 : index
        %get3A_314 = tpu.vector_load %arg8[%get3A_312, %get3A_313] {strides = array<i32>} : memref<20x1024xi32, #tpu.memory_space<vmem>>, vector<16xi32>,
        %get3A_315 = arith.index_cast %scan3A_131 : i32 to index
        %get3A_316 = arith.constant 352 : index
        %get3A_317 = tpu.vector_load %arg8[%get3A_315, %get3A_316] {strides = array<i32>} : memref<20x1024xi32, #tpu.memory_space<vmem>>, vector<16xi32>,
        %get3A_318 = arith.index_cast %scan3A_131 : i32 to index
        %get3A_319 = arith.constant 368 : index
        %get3A_320 = tpu.vector_load %arg8[%get3A_318, %get3A_319] {strides = array<i32>} : memref<20x1024xi32, #tpu.memory_space<vmem>>, vector<16xi32>,
        %gather3A_321 = tpu.vector_load_idx %arg7[%get3A_299] : memref<100000xf32, #tpu.memory_space<vmem>>[vector<16xi32>], vector<16xf32>,
        %gather3A_322 = tpu.vector_load_idx %arg7[%get3A_302] : memref<100000xf32, #tpu.memory_space<vmem>>[vector<16xi32>], vector<16xf32>,
        %gather3A_323 = tpu.vector_load_idx %arg7[%get3A_305] : memref<100000xf32, #tpu.memory_space<vmem>>[vector<16xi32>], vector<16xf32>,
        %gather3A_324 = tpu.vector_load_idx %arg7[%get3A_308] : memref<100000xf32, #tpu.memory_space<vmem>>[vector<16xi32>], vector<16xf32>,
        %gather3A_325 = tpu.vector_load_idx %arg7[%get3A_311] : memref<100000xf32, #tpu.memory_space<vmem>>[vector<16xi32>], vector<16xf32>,
        %gather3A_326 = tpu.vector_load_idx %arg7[%get3A_314] : memref<100000xf32, #tpu.memory_space<vmem>>[vector<16xi32>], vector<16xf32>,
        %gather3A_327 = tpu.vector_load_idx %arg7[%get3A_317] : memref<100000xf32, #tpu.memory_space<vmem>>[vector<16xi32>], vector<16xf32>,
        %gather3A_328 = tpu.vector_load_idx %arg7[%get3A_320] : memref<100000xf32, #tpu.memory_space<vmem>>[vector<16xi32>], vector<16xf32>,
        %mul3A_329 = arith.constant 1024 : i32
        %mul3A_330 = arith.muli %rem3A_134, %mul3A_329 : i32
        %add3A_331 = arith.constant 256 : i32
        %add3A_332 = arith.addi %mul3A_330, %add3A_331 : i32
        %swap3A_333 = arith.index_cast %add3A_332 : i32 to index
        %swap3A_334 = tpu.vector_load %arg9[%swap3A_333] {strides = array<i32>} : memref<4096xf32, #tpu.memory_space<vmem>>, vector<16xf32>,
        tpu.vector_store %arg9[%swap3A_333], %gather3A_321 {strides = array<i32>} : memref<4096xf32, #tpu.memory_space<vmem>>, vector<16xf32>,
        %mul3A_335 = arith.constant 1024 : i32
        %mul3A_336 = arith.muli %rem3A_134, %mul3A_335 : i32
        %add3A_337 = arith.constant 272 : i32
        %add3A_338 = arith.addi %mul3A_336, %add3A_337 : i32
        %swap3A_339 = arith.index_cast %add3A_338 : i32 to index
        %swap3A_340 = tpu.vector_load %arg9[%swap3A_339] {strides = array<i32>} : memref<4096xf32, #tpu.memory_space<vmem>>, vector<16xf32>,
        tpu.vector_store %arg9[%swap3A_339], %gather3A_322 {strides = array<i32>} : memref<4096xf32, #tpu.memory_space<vmem>>, vector<16xf32>,
        %mul3A_341 = arith.constant 1024 : i32
        %mul3A_342 = arith.muli %rem3A_134, %mul3A_341 : i32
        %add3A_343 = arith.constant 288 : i32
        %add3A_344 = arith.addi %mul3A_342, %add3A_343 : i32
        %swap3A_345 = arith.index_cast %add3A_344 : i32 to index
        %swap3A_346 = tpu.vector_load %arg9[%swap3A_345] {strides = array<i32>} : memref<4096xf32, #tpu.memory_space<vmem>>, vector<16xf32>,
        tpu.vector_store %arg9[%swap3A_345], %gather3A_323 {strides = array<i32>} : memref<4096xf32, #tpu.memory_space<vmem>>, vector<16xf32>,
        %mul3A_347 = arith.constant 1024 : i32
        %mul3A_348 = arith.muli %rem3A_134, %mul3A_347 : i32
        %add3A_349 = arith.constant 304 : i32
        %add3A_350 = arith.addi %mul3A_348, %add3A_349 : i32
        %swap3A_351 = arith.index_cast %add3A_350 : i32 to index
        %swap3A_352 = tpu.vector_load %arg9[%swap3A_351] {strides = array<i32>} : memref<4096xf32, #tpu.memory_space<vmem>>, vector<16xf32>,
        tpu.vector_store %arg9[%swap3A_351], %gather3A_324 {strides = array<i32>} : memref<4096xf32, #tpu.memory_space<vmem>>, vector<16xf32>,
        %mul3A_353 = arith.constant 1024 : i32
        %mul3A_354 = arith.muli %rem3A_134, %mul3A_353 : i32
        %add3A_355 = arith.constant 320 : i32
        %add3A_356 = arith.addi %mul3A_354, %add3A_355 : i32
        %swap3A_357 = arith.index_cast %add3A_356 : i32 to index
        %swap3A_358 = tpu.vector_load %arg9[%swap3A_357] {strides = array<i32>} : memref<4096xf32, #tpu.memory_space<vmem>>, vector<16xf32>,
        tpu.vector_store %arg9[%swap3A_357], %gather3A_325 {strides = array<i32>} : memref<4096xf32, #tpu.memory_space<vmem>>, vector<16xf32>,
        %mul3A_359 = arith.constant 1024 : i32
        %mul3A_360 = arith.muli %rem3A_134, %mul3A_359 : i32
        %add3A_361 = arith.constant 336 : i32
        %add3A_362 = arith.addi %mul3A_360, %add3A_361 : i32
        %swap3A_363 = arith.index_cast %add3A_362 : i32 to index
        %swap3A_364 = tpu.vector_load %arg9[%swap3A_363] {strides = array<i32>} : memref<4096xf32, #tpu.memory_space<vmem>>, vector<16xf32>,
        tpu.vector_store %arg9[%swap3A_363], %gather3A_326 {strides = array<i32>} : memref<4096xf32, #tpu.memory_space<vmem>>, vector<16xf32>,
        %mul3A_365 = arith.constant 1024 : i32
        %mul3A_366 = arith.muli %rem3A_134, %mul3A_365 : i32
        %add3A_367 = arith.constant 352 : i32
        %add3A_368 = arith.addi %mul3A_366, %add3A_367 : i32
        %swap3A_369 = arith.index_cast %add3A_368 : i32 to index
        %swap3A_370 = tpu.vector_load %arg9[%swap3A_369] {strides = array<i32>} : memref<4096xf32, #tpu.memory_space<vmem>>, vector<16xf32>,
        tpu.vector_store %arg9[%swap3A_369], %gather3A_327 {strides = array<i32>} : memref<4096xf32, #tpu.memory_space<vmem>>, vector<16xf32>,
        %mul3A_371 = arith.constant 1024 : i32
        %mul3A_372 = arith.muli %rem3A_134, %mul3A_371 : i32
        %add3A_373 = arith.constant 368 : i32
        %add3A_374 = arith.addi %mul3A_372, %add3A_373 : i32
        %swap3A_375 = arith.index_cast %add3A_374 : i32 to index
        %swap3A_376 = tpu.vector_load %arg9[%swap3A_375] {strides = array<i32>} : memref<4096xf32, #tpu.memory_space<vmem>>, vector<16xf32>,
        tpu.vector_store %arg9[%swap3A_375], %gather3A_328 {strides = array<i32>} : memref<4096xf32, #tpu.memory_space<vmem>>, vector<16xf32>,
        %get3A_377 = arith.index_cast %scan3A_131 : i32 to index
        %get3A_378 = arith.constant 384 : index
        %get3A_379 = tpu.vector_load %arg8[%get3A_377, %get3A_378] {strides = array<i32>} : memref<20x1024xi32, #tpu.memory_space<vmem>>, vector<16xi32>,
        %get3A_380 = arith.index_cast %scan3A_131 : i32 to index
        %get3A_381 = arith.constant 400 : index
        %get3A_382 = tpu.vector_load %arg8[%get3A_380, %get3A_381] {strides = array<i32>} : memref<20x1024xi32, #tpu.memory_space<vmem>>, vector<16xi32>,
        %get3A_383 = arith.index_cast %scan3A_131 : i32 to index
        %get3A_384 = arith.constant 416 : index
        %get3A_385 = tpu.vector_load %arg8[%get3A_383, %get3A_384] {strides = array<i32>} : memref<20x1024xi32, #tpu.memory_space<vmem>>, vector<16xi32>,
        %get3A_386 = arith.index_cast %scan3A_131 : i32 to index
        %get3A_387 = arith.constant 432 : index
        %get3A_388 = tpu.vector_load %arg8[%get3A_386, %get3A_387] {strides = array<i32>} : memref<20x1024xi32, #tpu.memory_space<vmem>>, vector<16xi32>,
        %get3A_389 = arith.index_cast %scan3A_131 : i32 to index
        %get3A_390 = arith.constant 448 : index
        %get3A_391 = tpu.vector_load %arg8[%get3A_389, %get3A_390] {strides = array<i32>} : memref<20x1024xi32, #tpu.memory_space<vmem>>, vector<16xi32>,
        %get3A_392 = arith.index_cast %scan3A_131 : i32 to index
        %get3A_393 = arith.constant 464 : index
        %get3A_394 = tpu.vector_load %arg8[%get3A_392, %get3A_393] {strides = array<i32>} : memref<20x1024xi32, #tpu.memory_space<vmem>>, vector<16xi32>,
        %get3A_395 = arith.index_cast %scan3A_131 : i32 to index
        %get3A_396 = arith.constant 480 : index
        %get3A_397 = tpu.vector_load %arg8[%get3A_395, %get3A_396] {strides = array<i32>} : memref<20x1024xi32, #tpu.memory_space<vmem>>, vector<16xi32>,
        %get3A_398 = arith.index_cast %scan3A_131 : i32 to index
        %get3A_399 = arith.constant 496 : index
        %get3A_400 = tpu.vector_load %arg8[%get3A_398, %get3A_399] {strides = array<i32>} : memref<20x1024xi32, #tpu.memory_space<vmem>>, vector<16xi32>,
        %gather3A_401 = tpu.vector_load_idx %arg7[%get3A_379] : memref<100000xf32, #tpu.memory_space<vmem>>[vector<16xi32>], vector<16xf32>,
        %gather3A_402 = tpu.vector_load_idx %arg7[%get3A_382] : memref<100000xf32, #tpu.memory_space<vmem>>[vector<16xi32>], vector<16xf32>,
        %gather3A_403 = tpu.vector_load_idx %arg7[%get3A_385] : memref<100000xf32, #tpu.memory_space<vmem>>[vector<16xi32>], vector<16xf32>,
        %gather3A_404 = tpu.vector_load_idx %arg7[%get3A_388] : memref<100000xf32, #tpu.memory_space<vmem>>[vector<16xi32>], vector<16xf32>,
        %gather3A_405 = tpu.vector_load_idx %arg7[%get3A_391] : memref<100000xf32, #tpu.memory_space<vmem>>[vector<16xi32>], vector<16xf32>,
        %gather3A_406 = tpu.vector_load_idx %arg7[%get3A_394] : memref<100000xf32, #tpu.memory_space<vmem>>[vector<16xi32>], vector<16xf32>,
        %gather3A_407 = tpu.vector_load_idx %arg7[%get3A_397] : memref<100000xf32, #tpu.memory_space<vmem>>[vector<16xi32>], vector<16xf32>,
        %gather3A_408 = tpu.vector_load_idx %arg7[%get3A_400] : memref<100000xf32, #tpu.memory_space<vmem>>[vector<16xi32>], vector<16xf32>,
        %mul3A_409 = arith.constant 1024 : i32
        %mul3A_410 = arith.muli %rem3A_134, %mul3A_409 : i32
        %add3A_411 = arith.constant 384 : i32
        %add3A_412 = arith.addi %mul3A_410, %add3A_411 : i32
        %swap3A_413 = arith.index_cast %add3A_412 : i32 to index
        %swap3A_414 = tpu.vector_load %arg9[%swap3A_413] {strides = array<i32>} : memref<4096xf32, #tpu.memory_space<vmem>>, vector<16xf32>,
        tpu.vector_store %arg9[%swap3A_413], %gather3A_401 {strides = array<i32>} : memref<4096xf32, #tpu.memory_space<vmem>>, vector<16xf32>,
        %mul3A_415 = arith.constant 1024 : i32
        %mul3A_416 = arith.muli %rem3A_134, %mul3A_415 : i32
        %add3A_417 = arith.constant 400 : i32
        %add3A_418 = arith.addi %mul3A_416, %add3A_417 : i32
        %swap3A_419 = arith.index_cast %add3A_418 : i32 to index
        %swap3A_420 = tpu.vector_load %arg9[%swap3A_419] {strides = array<i32>} : memref<4096xf32, #tpu.memory_space<vmem>>, vector<16xf32>,
        tpu.vector_store %arg9[%swap3A_419], %gather3A_402 {strides = array<i32>} : memref<4096xf32, #tpu.memory_space<vmem>>, vector<16xf32>,
        %mul3A_421 = arith.constant 1024 : i32
        %mul3A_422 = arith.muli %rem3A_134, %mul3A_421 : i32
        %add3A_423 = arith.constant 416 : i32
        %add3A_424 = arith.addi %mul3A_422, %add3A_423 : i32
        %swap3A_425 = arith.index_cast %add3A_424 : i32 to index
        %swap3A_426 = tpu.vector_load %arg9[%swap3A_425] {strides = array<i32>} : memref<4096xf32, #tpu.memory_space<vmem>>, vector<16xf32>,
        tpu.vector_store %arg9[%swap3A_425], %gather3A_403 {strides = array<i32>} : memref<4096xf32, #tpu.memory_space<vmem>>, vector<16xf32>,
        %mul3A_427 = arith.constant 1024 : i32
        %mul3A_428 = arith.muli %rem3A_134, %mul3A_427 : i32
        %add3A_429 = arith.constant 432 : i32
        %add3A_430 = arith.addi %mul3A_428, %add3A_429 : i32
        %swap3A_431 = arith.index_cast %add3A_430 : i32 to index
        %swap3A_432 = tpu.vector_load %arg9[%swap3A_431] {strides = array<i32>} : memref<4096xf32, #tpu.memory_space<vmem>>, vector<16xf32>,
        tpu.vector_store %arg9[%swap3A_431], %gather3A_404 {strides = array<i32>} : memref<4096xf32, #tpu.memory_space<vmem>>, vector<16xf32>,
        %mul3A_433 = arith.constant 1024 : i32
        %mul3A_434 = arith.muli %rem3A_134, %mul3A_433 : i32
        %add3A_435 = arith.constant 448 : i32
        %add3A_436 = arith.addi %mul3A_434, %add3A_435 : i32
        %swap3A_437 = arith.index_cast %add3A_436 : i32 to index
        %swap3A_438 = tpu.vector_load %arg9[%swap3A_437] {strides = array<i32>} : memref<4096xf32, #tpu.memory_space<vmem>>, vector<16xf32>,
        tpu.vector_store %arg9[%swap3A_437], %gather3A_405 {strides = array<i32>} : memref<4096xf32, #tpu.memory_space<vmem>>, vector<16xf32>,
        %mul3A_439 = arith.constant 1024 : i32
        %mul3A_440 = arith.muli %rem3A_134, %mul3A_439 : i32
        %add3A_441 = arith.constant 464 : i32
        %add3A_442 = arith.addi %mul3A_440, %add3A_441 : i32
        %swap3A_443 = arith.index_cast %add3A_442 : i32 to index
        %swap3A_444 = tpu.vector_load %arg9[%swap3A_443] {strides = array<i32>} : memref<4096xf32, #tpu.memory_space<vmem>>, vector<16xf32>,
        tpu.vector_store %arg9[%swap3A_443], %gather3A_406 {strides = array<i32>} : memref<4096xf32, #tpu.memory_space<vmem>>, vector<16xf32>,
        %mul3A_445 = arith.constant 1024 : i32
        %mul3A_446 = arith.muli %rem3A_134, %mul3A_445 : i32
        %add3A_447 = arith.constant 480 : i32
        %add3A_448 = arith.addi %mul3A_446, %add3A_447 : i32
        %swap3A_449 = arith.index_cast %add3A_448 : i32 to index
        %swap3A_450 = tpu.vector_load %arg9[%swap3A_449] {strides = array<i32>} : memref<4096xf32, #tpu.memory_space<vmem>>, vector<16xf32>,
        tpu.vector_store %arg9[%swap3A_449], %gather3A_407 {strides = array<i32>} : memref<4096xf32, #tpu.memory_space<vmem>>, vector<16xf32>,
        %mul3A_451 = arith.constant 1024 : i32
        %mul3A_452 = arith.muli %rem3A_134, %mul3A_451 : i32
        %add3A_453 = arith.constant 496 : i32
        %add3A_454 = arith.addi %mul3A_452, %add3A_453 : i32
        %swap3A_455 = arith.index_cast %add3A_454 : i32 to index
        %swap3A_456 = tpu.vector_load %arg9[%swap3A_455] {strides = array<i32>} : memref<4096xf32, #tpu.memory_space<vmem>>, vector<16xf32>,
        tpu.vector_store %arg9[%swap3A_455], %gather3A_408 {strides = array<i32>} : memref<4096xf32, #tpu.memory_space<vmem>>, vector<16xf32>,
        %get3A_457 = arith.index_cast %scan3A_131 : i32 to index
        %get3A_458 = arith.constant 512 : index
        %get3A_459 = tpu.vector_load %arg8[%get3A_457, %get3A_458] {strides = array<i32>} : memref<20x1024xi32, #tpu.memory_space<vmem>>, vector<16xi32>,
        %get3A_460 = arith.index_cast %scan3A_131 : i32 to index
        %get3A_461 = arith.constant 528 : index
        %get3A_462 = tpu.vector_load %arg8[%get3A_460, %get3A_461] {strides = array<i32>} : memref<20x1024xi32, #tpu.memory_space<vmem>>, vector<16xi32>,
        %get3A_463 = arith.index_cast %scan3A_131 : i32 to index
        %get3A_464 = arith.constant 544 : index
        %get3A_465 = tpu.vector_load %arg8[%get3A_463, %get3A_464] {strides = array<i32>} : memref<20x1024xi32, #tpu.memory_space<vmem>>, vector<16xi32>,
        %get3A_466 = arith.index_cast %scan3A_131 : i32 to index
        %get3A_467 = arith.constant 560 : index
        %get3A_468 = tpu.vector_load %arg8[%get3A_466, %get3A_467] {strides = array<i32>} : memref<20x1024xi32, #tpu.memory_space<vmem>>, vector<16xi32>,
        %get3A_469 = arith.index_cast %scan3A_131 : i32 to index
        %get3A_470 = arith.constant 576 : index
        %get3A_471 = tpu.vector_load %arg8[%get3A_469, %get3A_470] {strides = array<i32>} : memref<20x1024xi32, #tpu.memory_space<vmem>>, vector<16xi32>,
        %get3A_472 = arith.index_cast %scan3A_131 : i32 to index
        %get3A_473 = arith.constant 592 : index
        %get3A_474 = tpu.vector_load %arg8[%get3A_472, %get3A_473] {strides = array<i32>} : memref<20x1024xi32, #tpu.memory_space<vmem>>, vector<16xi32>,
        %get3A_475 = arith.index_cast %scan3A_131 : i32 to index
        %get3A_476 = arith.constant 608 : index
        %get3A_477 = tpu.vector_load %arg8[%get3A_475, %get3A_476] {strides = array<i32>} : memref<20x1024xi32, #tpu.memory_space<vmem>>, vector<16xi32>,
        %get3A_478 = arith.index_cast %scan3A_131 : i32 to index
        %get3A_479 = arith.constant 624 : index
        %get3A_480 = tpu.vector_load %arg8[%get3A_478, %get3A_479] {strides = array<i32>} : memref<20x1024xi32, #tpu.memory_space<vmem>>, vector<16xi32>,
        %gather3A_481 = tpu.vector_load_idx %arg7[%get3A_459] : memref<100000xf32, #tpu.memory_space<vmem>>[vector<16xi32>], vector<16xf32>,
        %gather3A_482 = tpu.vector_load_idx %arg7[%get3A_462] : memref<100000xf32, #tpu.memory_space<vmem>>[vector<16xi32>], vector<16xf32>,
        %gather3A_483 = tpu.vector_load_idx %arg7[%get3A_465] : memref<100000xf32, #tpu.memory_space<vmem>>[vector<16xi32>], vector<16xf32>,
        %gather3A_484 = tpu.vector_load_idx %arg7[%get3A_468] : memref<100000xf32, #tpu.memory_space<vmem>>[vector<16xi32>], vector<16xf32>,
        %gather3A_485 = tpu.vector_load_idx %arg7[%get3A_471] : memref<100000xf32, #tpu.memory_space<vmem>>[vector<16xi32>], vector<16xf32>,
        %gather3A_486 = tpu.vector_load_idx %arg7[%get3A_474] : memref<100000xf32, #tpu.memory_space<vmem>>[vector<16xi32>], vector<16xf32>,
        %gather3A_487 = tpu.vector_load_idx %arg7[%get3A_477] : memref<100000xf32, #tpu.memory_space<vmem>>[vector<16xi32>], vector<16xf32>,
        %gather3A_488 = tpu.vector_load_idx %arg7[%get3A_480] : memref<100000xf32, #tpu.memory_space<vmem>>[vector<16xi32>], vector<16xf32>,
        %mul3A_489 = arith.constant 1024 : i32
        %mul3A_490 = arith.muli %rem3A_134, %mul3A_489 : i32
        %add3A_491 = arith.constant 512 : i32
        %add3A_492 = arith.addi %mul3A_490, %add3A_491 : i32
        %swap3A_493 = arith.index_cast %add3A_492 : i32 to index
        %swap3A_494 = tpu.vector_load %arg9[%swap3A_493] {strides = array<i32>} : memref<4096xf32, #tpu.memory_space<vmem>>, vector<16xf32>,
        tpu.vector_store %arg9[%swap3A_493], %gather3A_481 {strides = array<i32>} : memref<4096xf32, #tpu.memory_space<vmem>>, vector<16xf32>,
        %mul3A_495 = arith.constant 1024 : i32
        %mul3A_496 = arith.muli %rem3A_134, %mul3A_495 : i32
        %add3A_497 = arith.constant 528 : i32
        %add3A_498 = arith.addi %mul3A_496, %add3A_497 : i32
        %swap3A_499 = arith.index_cast %add3A_498 : i32 to index
        %swap3A_500 = tpu.vector_load %arg9[%swap3A_499] {strides = array<i32>} : memref<4096xf32, #tpu.memory_space<vmem>>, vector<16xf32>,
        tpu.vector_store %arg9[%swap3A_499], %gather3A_482 {strides = array<i32>} : memref<4096xf32, #tpu.memory_space<vmem>>, vector<16xf32>,
        %mul3A_501 = arith.constant 1024 : i32
        %mul3A_502 = arith.muli %rem3A_134, %mul3A_501 : i32
        %add3A_503 = arith.constant 544 : i32
        %add3A_504 = arith.addi %mul3A_502, %add3A_503 : i32
        %swap3A_505 = arith.index_cast %add3A_504 : i32 to index
        %swap3A_506 = tpu.vector_load %arg9[%swap3A_505] {strides = array<i32>} : memref<4096xf32, #tpu.memory_space<vmem>>, vector<16xf32>,
        tpu.vector_store %arg9[%swap3A_505], %gather3A_483 {strides = array<i32>} : memref<4096xf32, #tpu.memory_space<vmem>>, vector<16xf32>,
        %mul3A_507 = arith.constant 1024 : i32
        %mul3A_508 = arith.muli %rem3A_134, %mul3A_507 : i32
        %add3A_509 = arith.constant 560 : i32
        %add3A_510 = arith.addi %mul3A_508, %add3A_509 : i32
        %swap3A_511 = arith.index_cast %add3A_510 : i32 to index
        %swap3A_512 = tpu.vector_load %arg9[%swap3A_511] {strides = array<i32>} : memref<4096xf32, #tpu.memory_space<vmem>>, vector<16xf32>,
        tpu.vector_store %arg9[%swap3A_511], %gather3A_484 {strides = array<i32>} : memref<4096xf32, #tpu.memory_space<vmem>>, vector<16xf32>,
        %mul3A_513 = arith.constant 1024 : i32
        %mul3A_514 = arith.muli %rem3A_134, %mul3A_513 : i32
        %add3A_515 = arith.constant 576 : i32
        %add3A_516 = arith.addi %mul3A_514, %add3A_515 : i32
        %swap3A_517 = arith.index_cast %add3A_516 : i32 to index
        %swap3A_518 = tpu.vector_load %arg9[%swap3A_517] {strides = array<i32>} : memref<4096xf32, #tpu.memory_space<vmem>>, vector<16xf32>,
        tpu.vector_store %arg9[%swap3A_517], %gather3A_485 {strides = array<i32>} : memref<4096xf32, #tpu.memory_space<vmem>>, vector<16xf32>,
        %mul3A_519 = arith.constant 1024 : i32
        %mul3A_520 = arith.muli %rem3A_134, %mul3A_519 : i32
        %add3A_521 = arith.constant 592 : i32
        %add3A_522 = arith.addi %mul3A_520, %add3A_521 : i32
        %swap3A_523 = arith.index_cast %add3A_522 : i32 to index
        %swap3A_524 = tpu.vector_load %arg9[%swap3A_523] {strides = array<i32>} : memref<4096xf32, #tpu.memory_space<vmem>>, vector<16xf32>,
        tpu.vector_store %arg9[%swap3A_523], %gather3A_486 {strides = array<i32>} : memref<4096xf32, #tpu.memory_space<vmem>>, vector<16xf32>,
        %mul3A_525 = arith.constant 1024 : i32
        %mul3A_526 = arith.muli %rem3A_134, %mul3A_525 : i32
        %add3A_527 = arith.constant 608 : i32
        %add3A_528 = arith.addi %mul3A_526, %add3A_527 : i32
        %swap3A_529 = arith.index_cast %add3A_528 : i32 to index
        %swap3A_530 = tpu.vector_load %arg9[%swap3A_529] {strides = array<i32>} : memref<4096xf32, #tpu.memory_space<vmem>>, vector<16xf32>,
        tpu.vector_store %arg9[%swap3A_529], %gather3A_487 {strides = array<i32>} : memref<4096xf32, #tpu.memory_space<vmem>>, vector<16xf32>,
        %mul3A_531 = arith.constant 1024 : i32
        %mul3A_532 = arith.muli %rem3A_134, %mul3A_531 : i32
        %add3A_533 = arith.constant 624 : i32
        %add3A_534 = arith.addi %mul3A_532, %add3A_533 : i32
        %swap3A_535 = arith.index_cast %add3A_534 : i32 to index
        %swap3A_536 = tpu.vector_load %arg9[%swap3A_535] {strides = array<i32>} : memref<4096xf32, #tpu.memory_space<vmem>>, vector<16xf32>,
        tpu.vector_store %arg9[%swap3A_535], %gather3A_488 {strides = array<i32>} : memref<4096xf32, #tpu.memory_space<vmem>>, vector<16xf32>,
        %get3A_537 = arith.index_cast %scan3A_131 : i32 to index
        %get3A_538 = arith.constant 640 : index
        %get3A_539 = tpu.vector_load %arg8[%get3A_537, %get3A_538] {strides = array<i32>} : memref<20x1024xi32, #tpu.memory_space<vmem>>, vector<16xi32>,
        %get3A_540 = arith.index_cast %scan3A_131 : i32 to index
        %get3A_541 = arith.constant 656 : index
        %get3A_542 = tpu.vector_load %arg8[%get3A_540, %get3A_541] {strides = array<i32>} : memref<20x1024xi32, #tpu.memory_space<vmem>>, vector<16xi32>,
        %get3A_543 = arith.index_cast %scan3A_131 : i32 to index
        %get3A_544 = arith.constant 672 : index
        %get3A_545 = tpu.vector_load %arg8[%get3A_543, %get3A_544] {strides = array<i32>} : memref<20x1024xi32, #tpu.memory_space<vmem>>, vector<16xi32>,
        %get3A_546 = arith.index_cast %scan3A_131 : i32 to index
        %get3A_547 = arith.constant 688 : index
        %get3A_548 = tpu.vector_load %arg8[%get3A_546, %get3A_547] {strides = array<i32>} : memref<20x1024xi32, #tpu.memory_space<vmem>>, vector<16xi32>,
        %get3A_549 = arith.index_cast %scan3A_131 : i32 to index
        %get3A_550 = arith.constant 704 : index
        %get3A_551 = tpu.vector_load %arg8[%get3A_549, %get3A_550] {strides = array<i32>} : memref<20x1024xi32, #tpu.memory_space<vmem>>, vector<16xi32>,
        %get3A_552 = arith.index_cast %scan3A_131 : i32 to index
        %get3A_553 = arith.constant 720 : index
        %get3A_554 = tpu.vector_load %arg8[%get3A_552, %get3A_553] {strides = array<i32>} : memref<20x1024xi32, #tpu.memory_space<vmem>>, vector<16xi32>,
        %get3A_555 = arith.index_cast %scan3A_131 : i32 to index
        %get3A_556 = arith.constant 736 : index
        %get3A_557 = tpu.vector_load %arg8[%get3A_555, %get3A_556] {strides = array<i32>} : memref<20x1024xi32, #tpu.memory_space<vmem>>, vector<16xi32>,
        %get3A_558 = arith.index_cast %scan3A_131 : i32 to index
        %get3A_559 = arith.constant 752 : index
        %get3A_560 = tpu.vector_load %arg8[%get3A_558, %get3A_559] {strides = array<i32>} : memref<20x1024xi32, #tpu.memory_space<vmem>>, vector<16xi32>,
        %gather3A_561 = tpu.vector_load_idx %arg7[%get3A_539] : memref<100000xf32, #tpu.memory_space<vmem>>[vector<16xi32>], vector<16xf32>,
        %gather3A_562 = tpu.vector_load_idx %arg7[%get3A_542] : memref<100000xf32, #tpu.memory_space<vmem>>[vector<16xi32>], vector<16xf32>,
        %gather3A_563 = tpu.vector_load_idx %arg7[%get3A_545] : memref<100000xf32, #tpu.memory_space<vmem>>[vector<16xi32>], vector<16xf32>,
        %gather3A_564 = tpu.vector_load_idx %arg7[%get3A_548] : memref<100000xf32, #tpu.memory_space<vmem>>[vector<16xi32>], vector<16xf32>,
        %gather3A_565 = tpu.vector_load_idx %arg7[%get3A_551] : memref<100000xf32, #tpu.memory_space<vmem>>[vector<16xi32>], vector<16xf32>,
        %gather3A_566 = tpu.vector_load_idx %arg7[%get3A_554] : memref<100000xf32, #tpu.memory_space<vmem>>[vector<16xi32>], vector<16xf32>,
        %gather3A_567 = tpu.vector_load_idx %arg7[%get3A_557] : memref<100000xf32, #tpu.memory_space<vmem>>[vector<16xi32>], vector<16xf32>,
        %gather3A_568 = tpu.vector_load_idx %arg7[%get3A_560] : memref<100000xf32, #tpu.memory_space<vmem>>[vector<16xi32>], vector<16xf32>,
        %mul3A_569 = arith.constant 1024 : i32
        %mul3A_570 = arith.muli %rem3A_134, %mul3A_569 : i32
        %add3A_571 = arith.constant 640 : i32
        %add3A_572 = arith.addi %mul3A_570, %add3A_571 : i32
        %swap3A_573 = arith.index_cast %add3A_572 : i32 to index
        %swap3A_574 = tpu.vector_load %arg9[%swap3A_573] {strides = array<i32>} : memref<4096xf32, #tpu.memory_space<vmem>>, vector<16xf32>,
        tpu.vector_store %arg9[%swap3A_573], %gather3A_561 {strides = array<i32>} : memref<4096xf32, #tpu.memory_space<vmem>>, vector<16xf32>,
        %mul3A_575 = arith.constant 1024 : i32
        %mul3A_576 = arith.muli %rem3A_134, %mul3A_575 : i32
        %add3A_577 = arith.constant 656 : i32
        %add3A_578 = arith.addi %mul3A_576, %add3A_577 : i32
        %swap3A_579 = arith.index_cast %add3A_578 : i32 to index
        %swap3A_580 = tpu.vector_load %arg9[%swap3A_579] {strides = array<i32>} : memref<4096xf32, #tpu.memory_space<vmem>>, vector<16xf32>,
        tpu.vector_store %arg9[%swap3A_579], %gather3A_562 {strides = array<i32>} : memref<4096xf32, #tpu.memory_space<vmem>>, vector<16xf32>,
        %mul3A_581 = arith.constant 1024 : i32
        %mul3A_582 = arith.muli %rem3A_134, %mul3A_581 : i32
        %add3A_583 = arith.constant 672 : i32
        %add3A_584 = arith.addi %mul3A_582, %add3A_583 : i32
        %swap3A_585 = arith.index_cast %add3A_584 : i32 to index
        %swap3A_586 = tpu.vector_load %arg9[%swap3A_585] {strides = array<i32>} : memref<4096xf32, #tpu.memory_space<vmem>>, vector<16xf32>,
        tpu.vector_store %arg9[%swap3A_585], %gather3A_563 {strides = array<i32>} : memref<4096xf32, #tpu.memory_space<vmem>>, vector<16xf32>,
        %mul3A_587 = arith.constant 1024 : i32
        %mul3A_588 = arith.muli %rem3A_134, %mul3A_587 : i32
        %add3A_589 = arith.constant 688 : i32
        %add3A_590 = arith.addi %mul3A_588, %add3A_589 : i32
        %swap3A_591 = arith.index_cast %add3A_590 : i32 to index
        %swap3A_592 = tpu.vector_load %arg9[%swap3A_591] {strides = array<i32>} : memref<4096xf32, #tpu.memory_space<vmem>>, vector<16xf32>,
        tpu.vector_store %arg9[%swap3A_591], %gather3A_564 {strides = array<i32>} : memref<4096xf32, #tpu.memory_space<vmem>>, vector<16xf32>,
        %mul3A_593 = arith.constant 1024 : i32
        %mul3A_594 = arith.muli %rem3A_134, %mul3A_593 : i32
        %add3A_595 = arith.constant 704 : i32
        %add3A_596 = arith.addi %mul3A_594, %add3A_595 : i32
        %swap3A_597 = arith.index_cast %add3A_596 : i32 to index
        %swap3A_598 = tpu.vector_load %arg9[%swap3A_597] {strides = array<i32>} : memref<4096xf32, #tpu.memory_space<vmem>>, vector<16xf32>,
        tpu.vector_store %arg9[%swap3A_597], %gather3A_565 {strides = array<i32>} : memref<4096xf32, #tpu.memory_space<vmem>>, vector<16xf32>,
        %mul3A_599 = arith.constant 1024 : i32
        %mul3A_600 = arith.muli %rem3A_134, %mul3A_599 : i32
        %add3A_601 = arith.constant 720 : i32
        %add3A_602 = arith.addi %mul3A_600, %add3A_601 : i32
        %swap3A_603 = arith.index_cast %add3A_602 : i32 to index
        %swap3A_604 = tpu.vector_load %arg9[%swap3A_603] {strides = array<i32>} : memref<4096xf32, #tpu.memory_space<vmem>>, vector<16xf32>,
        tpu.vector_store %arg9[%swap3A_603], %gather3A_566 {strides = array<i32>} : memref<4096xf32, #tpu.memory_space<vmem>>, vector<16xf32>,
        %mul3A_605 = arith.constant 1024 : i32
        %mul3A_606 = arith.muli %rem3A_134, %mul3A_605 : i32
        %add3A_607 = arith.constant 736 : i32
        %add3A_608 = arith.addi %mul3A_606, %add3A_607 : i32
        %swap3A_609 = arith.index_cast %add3A_608 : i32 to index
        %swap3A_610 = tpu.vector_load %arg9[%swap3A_609] {strides = array<i32>} : memref<4096xf32, #tpu.memory_space<vmem>>, vector<16xf32>,
        tpu.vector_store %arg9[%swap3A_609], %gather3A_567 {strides = array<i32>} : memref<4096xf32, #tpu.memory_space<vmem>>, vector<16xf32>,
        %mul3A_611 = arith.constant 1024 : i32
        %mul3A_612 = arith.muli %rem3A_134, %mul3A_611 : i32
        %add3A_613 = arith.constant 752 : i32
        %add3A_614 = arith.addi %mul3A_612, %add3A_613 : i32
        %swap3A_615 = arith.index_cast %add3A_614 : i32 to index
        %swap3A_616 = tpu.vector_load %arg9[%swap3A_615] {strides = array<i32>} : memref<4096xf32, #tpu.memory_space<vmem>>, vector<16xf32>,
        tpu.vector_store %arg9[%swap3A_615], %gather3A_568 {strides = array<i32>} : memref<4096xf32, #tpu.memory_space<vmem>>, vector<16xf32>,
        %get3A_617 = arith.index_cast %scan3A_131 : i32 to index
        %get3A_618 = arith.constant 768 : index
        %get3A_619 = tpu.vector_load %arg8[%get3A_617, %get3A_618] {strides = array<i32>} : memref<20x1024xi32, #tpu.memory_space<vmem>>, vector<16xi32>,
        %get3A_620 = arith.index_cast %scan3A_131 : i32 to index
        %get3A_621 = arith.constant 784 : index
        %get3A_622 = tpu.vector_load %arg8[%get3A_620, %get3A_621] {strides = array<i32>} : memref<20x1024xi32, #tpu.memory_space<vmem>>, vector<16xi32>,
        %get3A_623 = arith.index_cast %scan3A_131 : i32 to index
        %get3A_624 = arith.constant 800 : index
        %get3A_625 = tpu.vector_load %arg8[%get3A_623, %get3A_624] {strides = array<i32>} : memref<20x1024xi32, #tpu.memory_space<vmem>>, vector<16xi32>,
        %get3A_626 = arith.index_cast %scan3A_131 : i32 to index
        %get3A_627 = arith.constant 816 : index
        %get3A_628 = tpu.vector_load %arg8[%get3A_626, %get3A_627] {strides = array<i32>} : memref<20x1024xi32, #tpu.memory_space<vmem>>, vector<16xi32>,
        %get3A_629 = arith.index_cast %scan3A_131 : i32 to index
        %get3A_630 = arith.constant 832 : index
        %get3A_631 = tpu.vector_load %arg8[%get3A_629, %get3A_630] {strides = array<i32>} : memref<20x1024xi32, #tpu.memory_space<vmem>>, vector<16xi32>,
        %get3A_632 = arith.index_cast %scan3A_131 : i32 to index
        %get3A_633 = arith.constant 848 : index
        %get3A_634 = tpu.vector_load %arg8[%get3A_632, %get3A_633] {strides = array<i32>} : memref<20x1024xi32, #tpu.memory_space<vmem>>, vector<16xi32>,
        %get3A_635 = arith.index_cast %scan3A_131 : i32 to index
        %get3A_636 = arith.constant 864 : index
        %get3A_637 = tpu.vector_load %arg8[%get3A_635, %get3A_636] {strides = array<i32>} : memref<20x1024xi32, #tpu.memory_space<vmem>>, vector<16xi32>,
        %get3A_638 = arith.index_cast %scan3A_131 : i32 to index
        %get3A_639 = arith.constant 880 : index
        %get3A_640 = tpu.vector_load %arg8[%get3A_638, %get3A_639] {strides = array<i32>} : memref<20x1024xi32, #tpu.memory_space<vmem>>, vector<16xi32>,
        %gather3A_641 = tpu.vector_load_idx %arg7[%get3A_619] : memref<100000xf32, #tpu.memory_space<vmem>>[vector<16xi32>], vector<16xf32>,
        %gather3A_642 = tpu.vector_load_idx %arg7[%get3A_622] : memref<100000xf32, #tpu.memory_space<vmem>>[vector<16xi32>], vector<16xf32>,
        %gather3A_643 = tpu.vector_load_idx %arg7[%get3A_625] : memref<100000xf32, #tpu.memory_space<vmem>>[vector<16xi32>], vector<16xf32>,
        %gather3A_644 = tpu.vector_load_idx %arg7[%get3A_628] : memref<100000xf32, #tpu.memory_space<vmem>>[vector<16xi32>], vector<16xf32>,
        %gather3A_645 = tpu.vector_load_idx %arg7[%get3A_631] : memref<100000xf32, #tpu.memory_space<vmem>>[vector<16xi32>], vector<16xf32>,
        %gather3A_646 = tpu.vector_load_idx %arg7[%get3A_634] : memref<100000xf32, #tpu.memory_space<vmem>>[vector<16xi32>], vector<16xf32>,
        %gather3A_647 = tpu.vector_load_idx %arg7[%get3A_637] : memref<100000xf32, #tpu.memory_space<vmem>>[vector<16xi32>], vector<16xf32>,
        %gather3A_648 = tpu.vector_load_idx %arg7[%get3A_640] : memref<100000xf32, #tpu.memory_space<vmem>>[vector<16xi32>], vector<16xf32>,
        %mul3A_649 = arith.constant 1024 : i32
        %mul3A_650 = arith.muli %rem3A_134, %mul3A_649 : i32
        %add3A_651 = arith.constant 768 : i32
        %add3A_652 = arith.addi %mul3A_650, %add3A_651 : i32
        %swap3A_653 = arith.index_cast %add3A_652 : i32 to index
        %swap3A_654 = tpu.vector_load %arg9[%swap3A_653] {strides = array<i32>} : memref<4096xf32, #tpu.memory_space<vmem>>, vector<16xf32>,
        tpu.vector_store %arg9[%swap3A_653], %gather3A_641 {strides = array<i32>} : memref<4096xf32, #tpu.memory_space<vmem>>, vector<16xf32>,
        %mul3A_655 = arith.constant 1024 : i32
        %mul3A_656 = arith.muli %rem3A_134, %mul3A_655 : i32
        %add3A_657 = arith.constant 784 : i32
        %add3A_658 = arith.addi %mul3A_656, %add3A_657 : i32
        %swap3A_659 = arith.index_cast %add3A_658 : i32 to index
        %swap3A_660 = tpu.vector_load %arg9[%swap3A_659] {strides = array<i32>} : memref<4096xf32, #tpu.memory_space<vmem>>, vector<16xf32>,
        tpu.vector_store %arg9[%swap3A_659], %gather3A_642 {strides = array<i32>} : memref<4096xf32, #tpu.memory_space<vmem>>, vector<16xf32>,
        %mul3A_661 = arith.constant 1024 : i32
        %mul3A_662 = arith.muli %rem3A_134, %mul3A_661 : i32
        %add3A_663 = arith.constant 800 : i32
        %add3A_664 = arith.addi %mul3A_662, %add3A_663 : i32
        %swap3A_665 = arith.index_cast %add3A_664 : i32 to index
        %swap3A_666 = tpu.vector_load %arg9[%swap3A_665] {strides = array<i32>} : memref<4096xf32, #tpu.memory_space<vmem>>, vector<16xf32>,
        tpu.vector_store %arg9[%swap3A_665], %gather3A_643 {strides = array<i32>} : memref<4096xf32, #tpu.memory_space<vmem>>, vector<16xf32>,
        %mul3A_667 = arith.constant 1024 : i32
        %mul3A_668 = arith.muli %rem3A_134, %mul3A_667 : i32
        %add3A_669 = arith.constant 816 : i32
        %add3A_670 = arith.addi %mul3A_668, %add3A_669 : i32
        %swap3A_671 = arith.index_cast %add3A_670 : i32 to index
        %swap3A_672 = tpu.vector_load %arg9[%swap3A_671] {strides = array<i32>} : memref<4096xf32, #tpu.memory_space<vmem>>, vector<16xf32>,
        tpu.vector_store %arg9[%swap3A_671], %gather3A_644 {strides = array<i32>} : memref<4096xf32, #tpu.memory_space<vmem>>, vector<16xf32>,
        %mul3A_673 = arith.constant 1024 : i32
        %mul3A_674 = arith.muli %rem3A_134, %mul3A_673 : i32
        %add3A_675 = arith.constant 832 : i32
        %add3A_676 = arith.addi %mul3A_674, %add3A_675 : i32
        %swap3A_677 = arith.index_cast %add3A_676 : i32 to index
        %swap3A_678 = tpu.vector_load %arg9[%swap3A_677] {strides = array<i32>} : memref<4096xf32, #tpu.memory_space<vmem>>, vector<16xf32>,
        tpu.vector_store %arg9[%swap3A_677], %gather3A_645 {strides = array<i32>} : memref<4096xf32, #tpu.memory_space<vmem>>, vector<16xf32>,
        %mul3A_679 = arith.constant 1024 : i32
        %mul3A_680 = arith.muli %rem3A_134, %mul3A_679 : i32
        %add3A_681 = arith.constant 848 : i32
        %add3A_682 = arith.addi %mul3A_680, %add3A_681 : i32
        %swap3A_683 = arith.index_cast %add3A_682 : i32 to index
        %swap3A_684 = tpu.vector_load %arg9[%swap3A_683] {strides = array<i32>} : memref<4096xf32, #tpu.memory_space<vmem>>, vector<16xf32>,
        tpu.vector_store %arg9[%swap3A_683], %gather3A_646 {strides = array<i32>} : memref<4096xf32, #tpu.memory_space<vmem>>, vector<16xf32>,
        %mul3A_685 = arith.constant 1024 : i32
        %mul3A_686 = arith.muli %rem3A_134, %mul3A_685 : i32
        %add3A_687 = arith.constant 864 : i32
        %add3A_688 = arith.addi %mul3A_686, %add3A_687 : i32
        %swap3A_689 = arith.index_cast %add3A_688 : i32 to index
        %swap3A_690 = tpu.vector_load %arg9[%swap3A_689] {strides = array<i32>} : memref<4096xf32, #tpu.memory_space<vmem>>, vector<16xf32>,
        tpu.vector_store %arg9[%swap3A_689], %gather3A_647 {strides = array<i32>} : memref<4096xf32, #tpu.memory_space<vmem>>, vector<16xf32>,
        %mul3A_691 = arith.constant 1024 : i32
        %mul3A_692 = arith.muli %rem3A_134, %mul3A_691 : i32
        %add3A_693 = arith.constant 880 : i32
        %add3A_694 = arith.addi %mul3A_692, %add3A_693 : i32
        %swap3A_695 = arith.index_cast %add3A_694 : i32 to index
        %swap3A_696 = tpu.vector_load %arg9[%swap3A_695] {strides = array<i32>} : memref<4096xf32, #tpu.memory_space<vmem>>, vector<16xf32>,
        tpu.vector_store %arg9[%swap3A_695], %gather3A_648 {strides = array<i32>} : memref<4096xf32, #tpu.memory_space<vmem>>, vector<16xf32>,
        %get3A_697 = arith.index_cast %scan3A_131 : i32 to index
        %get3A_698 = arith.constant 896 : index
        %get3A_699 = tpu.vector_load %arg8[%get3A_697, %get3A_698] {strides = array<i32>} : memref<20x1024xi32, #tpu.memory_space<vmem>>, vector<16xi32>,
        %get3A_700 = arith.index_cast %scan3A_131 : i32 to index
        %get3A_701 = arith.constant 912 : index
        %get3A_702 = tpu.vector_load %arg8[%get3A_700, %get3A_701] {strides = array<i32>} : memref<20x1024xi32, #tpu.memory_space<vmem>>, vector<16xi32>,
        %get3A_703 = arith.index_cast %scan3A_131 : i32 to index
        %get3A_704 = arith.constant 928 : index
        %get3A_705 = tpu.vector_load %arg8[%get3A_703, %get3A_704] {strides = array<i32>} : memref<20x1024xi32, #tpu.memory_space<vmem>>, vector<16xi32>,
        %get3A_706 = arith.index_cast %scan3A_131 : i32 to index
        %get3A_707 = arith.constant 944 : index
        %get3A_708 = tpu.vector_load %arg8[%get3A_706, %get3A_707] {strides = array<i32>} : memref<20x1024xi32, #tpu.memory_space<vmem>>, vector<16xi32>,
        %get3A_709 = arith.index_cast %scan3A_131 : i32 to index
        %get3A_710 = arith.constant 960 : index
        %get3A_711 = tpu.vector_load %arg8[%get3A_709, %get3A_710] {strides = array<i32>} : memref<20x1024xi32, #tpu.memory_space<vmem>>, vector<16xi32>,
        %get3A_712 = arith.index_cast %scan3A_131 : i32 to index
        %get3A_713 = arith.constant 976 : index
        %get3A_714 = tpu.vector_load %arg8[%get3A_712, %get3A_713] {strides = array<i32>} : memref<20x1024xi32, #tpu.memory_space<vmem>>, vector<16xi32>,
        %get3A_715 = arith.index_cast %scan3A_131 : i32 to index
        %get3A_716 = arith.constant 992 : index
        %get3A_717 = tpu.vector_load %arg8[%get3A_715, %get3A_716] {strides = array<i32>} : memref<20x1024xi32, #tpu.memory_space<vmem>>, vector<16xi32>,
        %get3A_718 = arith.index_cast %scan3A_131 : i32 to index
        %get3A_719 = arith.constant 1008 : index
        %get3A_720 = tpu.vector_load %arg8[%get3A_718, %get3A_719] {strides = array<i32>} : memref<20x1024xi32, #tpu.memory_space<vmem>>, vector<16xi32>,
        %gather3A_721 = tpu.vector_load_idx %arg7[%get3A_699] : memref<100000xf32, #tpu.memory_space<vmem>>[vector<16xi32>], vector<16xf32>,
        %gather3A_722 = tpu.vector_load_idx %arg7[%get3A_702] : memref<100000xf32, #tpu.memory_space<vmem>>[vector<16xi32>], vector<16xf32>,
        %gather3A_723 = tpu.vector_load_idx %arg7[%get3A_705] : memref<100000xf32, #tpu.memory_space<vmem>>[vector<16xi32>], vector<16xf32>,
        %gather3A_724 = tpu.vector_load_idx %arg7[%get3A_708] : memref<100000xf32, #tpu.memory_space<vmem>>[vector<16xi32>], vector<16xf32>,
        %gather3A_725 = tpu.vector_load_idx %arg7[%get3A_711] : memref<100000xf32, #tpu.memory_space<vmem>>[vector<16xi32>], vector<16xf32>,
        %gather3A_726 = tpu.vector_load_idx %arg7[%get3A_714] : memref<100000xf32, #tpu.memory_space<vmem>>[vector<16xi32>], vector<16xf32>,
        %gather3A_727 = tpu.vector_load_idx %arg7[%get3A_717] : memref<100000xf32, #tpu.memory_space<vmem>>[vector<16xi32>], vector<16xf32>,
        %gather3A_728 = tpu.vector_load_idx %arg7[%get3A_720] : memref<100000xf32, #tpu.memory_space<vmem>>[vector<16xi32>], vector<16xf32>,
        %mul3A_729 = arith.constant 1024 : i32
        %mul3A_730 = arith.muli %rem3A_134, %mul3A_729 : i32
        %add3A_731 = arith.constant 896 : i32
        %add3A_732 = arith.addi %mul3A_730, %add3A_731 : i32
        %swap3A_733 = arith.index_cast %add3A_732 : i32 to index
        %swap3A_734 = tpu.vector_load %arg9[%swap3A_733] {strides = array<i32>} : memref<4096xf32, #tpu.memory_space<vmem>>, vector<16xf32>,
        tpu.vector_store %arg9[%swap3A_733], %gather3A_721 {strides = array<i32>} : memref<4096xf32, #tpu.memory_space<vmem>>, vector<16xf32>,
        %mul3A_735 = arith.constant 1024 : i32
        %mul3A_736 = arith.muli %rem3A_134, %mul3A_735 : i32
        %add3A_737 = arith.constant 912 : i32
        %add3A_738 = arith.addi %mul3A_736, %add3A_737 : i32
        %swap3A_739 = arith.index_cast %add3A_738 : i32 to index
        %swap3A_740 = tpu.vector_load %arg9[%swap3A_739] {strides = array<i32>} : memref<4096xf32, #tpu.memory_space<vmem>>, vector<16xf32>,
        tpu.vector_store %arg9[%swap3A_739], %gather3A_722 {strides = array<i32>} : memref<4096xf32, #tpu.memory_space<vmem>>, vector<16xf32>,
        %mul3A_741 = arith.constant 1024 : i32
        %mul3A_742 = arith.muli %rem3A_134, %mul3A_741 : i32
        %add3A_743 = arith.constant 928 : i32
        %add3A_744 = arith.addi %mul3A_742, %add3A_743 : i32
        %swap3A_745 = arith.index_cast %add3A_744 : i32 to index
        %swap3A_746 = tpu.vector_load %arg9[%swap3A_745] {strides = array<i32>} : memref<4096xf32, #tpu.memory_space<vmem>>, vector<16xf32>,
        tpu.vector_store %arg9[%swap3A_745], %gather3A_723 {strides = array<i32>} : memref<4096xf32, #tpu.memory_space<vmem>>, vector<16xf32>,
        %mul3A_747 = arith.constant 1024 : i32
        %mul3A_748 = arith.muli %rem3A_134, %mul3A_747 : i32
        %add3A_749 = arith.constant 944 : i32
        %add3A_750 = arith.addi %mul3A_748, %add3A_749 : i32
        %swap3A_751 = arith.index_cast %add3A_750 : i32 to index
        %swap3A_752 = tpu.vector_load %arg9[%swap3A_751] {strides = array<i32>} : memref<4096xf32, #tpu.memory_space<vmem>>, vector<16xf32>,
        tpu.vector_store %arg9[%swap3A_751], %gather3A_724 {strides = array<i32>} : memref<4096xf32, #tpu.memory_space<vmem>>, vector<16xf32>,
        %mul3A_753 = arith.constant 1024 : i32
        %mul3A_754 = arith.muli %rem3A_134, %mul3A_753 : i32
        %add3A_755 = arith.constant 960 : i32
        %add3A_756 = arith.addi %mul3A_754, %add3A_755 : i32
        %swap3A_757 = arith.index_cast %add3A_756 : i32 to index
        %swap3A_758 = tpu.vector_load %arg9[%swap3A_757] {strides = array<i32>} : memref<4096xf32, #tpu.memory_space<vmem>>, vector<16xf32>,
        tpu.vector_store %arg9[%swap3A_757], %gather3A_725 {strides = array<i32>} : memref<4096xf32, #tpu.memory_space<vmem>>, vector<16xf32>,
        %mul3A_759 = arith.constant 1024 : i32
        %mul3A_760 = arith.muli %rem3A_134, %mul3A_759 : i32
        %add3A_761 = arith.constant 976 : i32
        %add3A_762 = arith.addi %mul3A_760, %add3A_761 : i32
        %swap3A_763 = arith.index_cast %add3A_762 : i32 to index
        %swap3A_764 = tpu.vector_load %arg9[%swap3A_763] {strides = array<i32>} : memref<4096xf32, #tpu.memory_space<vmem>>, vector<16xf32>,
        tpu.vector_store %arg9[%swap3A_763], %gather3A_726 {strides = array<i32>} : memref<4096xf32, #tpu.memory_space<vmem>>, vector<16xf32>,
        %mul3A_765 = arith.constant 1024 : i32
        %mul3A_766 = arith.muli %rem3A_134, %mul3A_765 : i32
        %add3A_767 = arith.constant 992 : i32
        %add3A_768 = arith.addi %mul3A_766, %add3A_767 : i32
        %swap3A_769 = arith.index_cast %add3A_768 : i32 to index
        %swap3A_770 = tpu.vector_load %arg9[%swap3A_769] {strides = array<i32>} : memref<4096xf32, #tpu.memory_space<vmem>>, vector<16xf32>,
        tpu.vector_store %arg9[%swap3A_769], %gather3A_727 {strides = array<i32>} : memref<4096xf32, #tpu.memory_space<vmem>>, vector<16xf32>,
        %mul3A_771 = arith.constant 1024 : i32
        %mul3A_772 = arith.muli %rem3A_134, %mul3A_771 : i32
        %add3A_773 = arith.constant 1008 : i32
        %add3A_774 = arith.addi %mul3A_772, %add3A_773 : i32
        %swap3A_775 = arith.index_cast %add3A_774 : i32 to index
        %swap3A_776 = tpu.vector_load %arg9[%swap3A_775] {strides = array<i32>} : memref<4096xf32, #tpu.memory_space<vmem>>, vector<16xf32>,
        tpu.vector_store %arg9[%swap3A_775], %gather3A_728 {strides = array<i32>} : memref<4096xf32, #tpu.memory_space<vmem>>, vector<16xf32>,
        %mul3A_777 = arith.constant 20 : i32
        %mul3A_778 = arith.muli %scan3A_131, %mul3A_777 : i32
        %add3A_779 = arith.addi %mul3A_778, %sub3A_114 : i32
        %mul3A_780 = arith.constant 1024 : i32
        %mul3A_781 = arith.muli %rem3A_134, %mul3A_780 : i32
        %dma_start3A_782 = tpu.memref_slice %arg9[%mul3A_781] : memref<4096xf32, #tpu.memory_space<vmem>> -> memref<1024xf32, #tpu.memory_space<vmem>>
        %dma_start3A_783 = arith.constant 0 : i32
        %dma_start3A_784 = tpu.memref_slice %arg5[%select_n3A_111, %add3A_779, %dma_start3A_783] : memref<10x400x1024xf32, #tpu.memory_space<hbm>> -> memref<1x1x1024xf32, #tpu.memory_space<hbm>>
        %dma_start3A_785 = tpu.memref_squeeze %dma_start3A_784 : memref<1x1x1024xf32, #tpu.memory_space<hbm>> -> memref<1024xf32, #tpu.memory_space<hbm>>
        %dma_start3A_786 = arith.constant 0 : i32
        %dma_start3A_787 = tpu.memref_slice %arg5[%select_n3A_111, %add3A_779, %dma_start3A_786] : memref<10x400x1024xf32, #tpu.memory_space<hbm>> -> memref<1x1x1024xf32, #tpu.memory_space<hbm>>
        %dma_start3A_788 = tpu.memref_squeeze %dma_start3A_787 : memref<1x1x1024xf32, #tpu.memory_space<hbm>> -> memref<1024xf32, #tpu.memory_space<hbm>>
        %dma_start3A_789 = tpu.memref_slice %arg9[%mul3A_781] : memref<4096xf32, #tpu.memory_space<vmem>> -> memref<1024xf32, #tpu.memory_space<vmem>>
        tpu.enqueue_dma source(%dma_start3A_789 : memref<1024xf32, #tpu.memory_space<vmem>>) target(%dma_start3A_788 : memref<1024xf32, #tpu.memory_space<hbm>>) target_semaphore(%arg11 : memref<!tpu.dma_semaphore, #tpu.memory_space<semaphore_mem>>)
        %add3A_790 = arith.constant 1 : i32
        %add3A_791 = arith.addi %scan3A_132, %add3A_790 : i32
        scf.yield %add3A_791 : i32
      }
      %scan3A_130 = arith.constant 20 : i32
      scf.yield %scan3A_129 : i32
    }
    %ge3A = arith.constant 8 : i32
    %ge3A_32 = arith.cmpi sge, %add3A, %ge3A : i32
    %lt3A = arith.constant 28 : i32
    %lt3A_33 = arith.cmpi slt, %add3A, %lt3A : i32
    %and3A_34 = arith.andi %ge3A_32, %lt3A_33 : i1
    %convert_element_type3A = arith.extui %and3A_34 : i1 to i32
    %cond3A = arith.constant 0 : i32
    %cond3A_35 = arith.cmpi ne, %convert_element_type3A, %cond3A : i32
    scf.if %cond3A_35 {
      %sub3A_83 = arith.constant 8 : i32
      %sub3A_84 = arith.subi %add3A, %sub3A_83 : i32
      %dma_start3A = arith.constant 0 : i32
      %dma_start3A_85 = tpu.memref_slice %arg4[%sub3A_84, %dma_start3A] : memref<20x100000xf32, #tpu.memory_space<hbm>> -> memref<1x100000xf32, #tpu.memory_space<hbm>>
      %dma_start3A_86 = tpu.memref_squeeze %dma_start3A_85 : memref<1x100000xf32, #tpu.memory_space<hbm>> -> memref<100000xf32, #tpu.memory_space<hbm>>
      %dma_start3A_87 = arith.constant 0 : i32
      %dma_start3A_88 = tpu.memref_slice %arg4[%sub3A_84, %dma_start3A_87] : memref<20x100000xf32, #tpu.memory_space<hbm>> -> memref<1x100000xf32, #tpu.memory_space<hbm>>
      %dma_start3A_89 = tpu.memref_squeeze %dma_start3A_88 : memref<1x100000xf32, #tpu.memory_space<hbm>> -> memref<100000xf32, #tpu.memory_space<hbm>>
      tpu.enqueue_dma source(%dma_start3A_89 : memref<100000xf32, #tpu.memory_space<hbm>>) target(%arg7 : memref<100000xf32, #tpu.memory_space<vmem>>) target_semaphore(%arg10 : memref<!tpu.dma_semaphore, #tpu.memory_space<semaphore_mem>>)
      %dma_wait3A_90 = arith.constant 0 : i32
      %dma_wait3A_91 = tpu.memref_slice %arg4[%sub3A_84, %dma_wait3A_90] : memref<20x100000xf32, #tpu.memory_space<hbm>> -> memref<1x100000xf32, #tpu.memory_space<hbm>>
      %dma_wait3A_92 = tpu.memref_squeeze %dma_wait3A_91 : memref<1x100000xf32, #tpu.memory_space<hbm>> -> memref<100000xf32, #tpu.memory_space<hbm>>
      %dma_wait3A_93 = arith.constant 0 : i32
      %dma_wait3A_94 = tpu.memref_slice %arg4[%sub3A_84, %dma_wait3A_93] : memref<20x100000xf32, #tpu.memory_space<hbm>> -> memref<1x100000xf32, #tpu.memory_space<hbm>>
      %dma_wait3A_95 = tpu.memref_squeeze %dma_wait3A_94 : memref<1x100000xf32, #tpu.memory_space<hbm>> -> memref<100000xf32, #tpu.memory_space<hbm>>
      tpu.wait_dma2 semaphore(%arg10 : memref<!tpu.dma_semaphore, #tpu.memory_space<semaphore_mem>>) src(%dma_wait3A_95 : memref<100000xf32, #tpu.memory_space<hbm>>) dst(%arg7 : memref<100000xf32, #tpu.memory_space<vmem>>)
      %scan3A = arith.constant 0 : i32
      %scan3A_96 = arith.constant 20 : i32
      %scan3A_97 = arith.addi %scan3A, %scan3A_96 : i32
      %scan3A_98 = arith.constant 1 : i32
      %scan3A_99 = scf.for %scan3A_101 = %scan3A to %scan3A_97 step %scan3A_98 iter_args(%scan3A_102 = %while3A_31) -> (i32)  : i32 {
        %rem3A_103 = arith.constant 4 : i32
        %rem3A_104 = arith.remsi %scan3A_102, %rem3A_103 : i32
        %dma_wait3A_105 = arith.constant 0 : i32
        %dma_wait3A_106 = arith.constant 0 : i32
        %dma_wait3A_107 = arith.constant 0 : i32
        %dma_wait3A_108 = tpu.memref_slice %arg9[%dma_wait3A_107] : memref<4096xf32, #tpu.memory_space<vmem>> -> memref<1024xf32, #tpu.memory_space<vmem>>
        %dma_wait3A_109 = arith.constant 0 : i32
        %dma_wait3A_110 = tpu.memref_slice %arg5[%dma_wait3A_105, %dma_wait3A_106, %dma_wait3A_109] : memref<10x400x1024xf32, #tpu.memory_space<hbm>> -> memref<1x1x1024xf32, #tpu.memory_space<hbm>>
        %dma_wait3A_111 = tpu.memref_squeeze %dma_wait3A_110 : memref<1x1x1024xf32, #tpu.memory_space<hbm>> -> memref<1024xf32, #tpu.memory_space<hbm>>
        %dma_wait3A_112 = arith.constant 0 : i32
        %dma_wait3A_113 = tpu.memref_slice %arg5[%dma_wait3A_105, %dma_wait3A_106, %dma_wait3A_112] : memref<10x400x1024xf32, #tpu.memory_space<hbm>> -> memref<1x1x1024xf32, #tpu.memory_space<hbm>>
        %dma_wait3A_114 = tpu.memref_squeeze %dma_wait3A_113 : memref<1x1x1024xf32, #tpu.memory_space<hbm>> -> memref<1024xf32, #tpu.memory_space<hbm>>
        %dma_wait3A_115 = arith.constant 0 : i32
        %dma_wait3A_116 = tpu.memref_slice %arg9[%dma_wait3A_115] : memref<4096xf32, #tpu.memory_space<vmem>> -> memref<1024xf32, #tpu.memory_space<vmem>>
        tpu.wait_dma2 semaphore(%arg11 : memref<!tpu.dma_semaphore, #tpu.memory_space<semaphore_mem>>) src(%dma_wait3A_116 : memref<1024xf32, #tpu.memory_space<vmem>>) dst(%dma_wait3A_114 : memref<1024xf32, #tpu.memory_space<hbm>>)
        %get3A = arith.index_cast %scan3A_101 : i32 to index
        %get3A_117 = arith.constant 0 : index
        %get3A_118 = tpu.vector_load %arg8[%get3A, %get3A_117] {strides = array<i32>} : memref<20x1024xi32, #tpu.memory_space<vmem>>, vector<16xi32>,
        %get3A_119 = arith.index_cast %scan3A_101 : i32 to index
        %get3A_120 = arith.constant 16 : index
        %get3A_121 = tpu.vector_load %arg8[%get3A_119, %get3A_120] {strides = array<i32>} : memref<20x1024xi32, #tpu.memory_space<vmem>>, vector<16xi32>,
        %get3A_122 = arith.index_cast %scan3A_101 : i32 to index
        %get3A_123 = arith.constant 32 : index
        %get3A_124 = tpu.vector_load %arg8[%get3A_122, %get3A_123] {strides = array<i32>} : memref<20x1024xi32, #tpu.memory_space<vmem>>, vector<16xi32>,
        %get3A_125 = arith.index_cast %scan3A_101 : i32 to index
        %get3A_126 = arith.constant 48 : index
        %get3A_127 = tpu.vector_load %arg8[%get3A_125, %get3A_126] {strides = array<i32>} : memref<20x1024xi32, #tpu.memory_space<vmem>>, vector<16xi32>,
        %get3A_128 = arith.index_cast %scan3A_101 : i32 to index
        %get3A_129 = arith.constant 64 : index
        %get3A_130 = tpu.vector_load %arg8[%get3A_128, %get3A_129] {strides = array<i32>} : memref<20x1024xi32, #tpu.memory_space<vmem>>, vector<16xi32>,
        %get3A_131 = arith.index_cast %scan3A_101 : i32 to index
        %get3A_132 = arith.constant 80 : index
        %get3A_133 = tpu.vector_load %arg8[%get3A_131, %get3A_132] {strides = array<i32>} : memref<20x1024xi32, #tpu.memory_space<vmem>>, vector<16xi32>,
        %get3A_134 = arith.index_cast %scan3A_101 : i32 to index
        %get3A_135 = arith.constant 96 : index
        %get3A_136 = tpu.vector_load %arg8[%get3A_134, %get3A_135] {strides = array<i32>} : memref<20x1024xi32, #tpu.memory_space<vmem>>, vector<16xi32>,
        %get3A_137 = arith.index_cast %scan3A_101 : i32 to index
        %get3A_138 = arith.constant 112 : index
        %get3A_139 = tpu.vector_load %arg8[%get3A_137, %get3A_138] {strides = array<i32>} : memref<20x1024xi32, #tpu.memory_space<vmem>>, vector<16xi32>,
        %gather3A = tpu.vector_load_idx %arg7[%get3A_118] : memref<100000xf32, #tpu.memory_space<vmem>>[vector<16xi32>], vector<16xf32>,
        %gather3A_140 = tpu.vector_load_idx %arg7[%get3A_121] : memref<100000xf32, #tpu.memory_space<vmem>>[vector<16xi32>], vector<16xf32>,
        %gather3A_141 = tpu.vector_load_idx %arg7[%get3A_124] : memref<100000xf32, #tpu.memory_space<vmem>>[vector<16xi32>], vector<16xf32>,
        %gather3A_142 = tpu.vector_load_idx %arg7[%get3A_127] : memref<100000xf32, #tpu.memory_space<vmem>>[vector<16xi32>], vector<16xf32>,
        %gather3A_143 = tpu.vector_load_idx %arg7[%get3A_130] : memref<100000xf32, #tpu.memory_space<vmem>>[vector<16xi32>], vector<16xf32>,
        %gather3A_144 = tpu.vector_load_idx %arg7[%get3A_133] : memref<100000xf32, #tpu.memory_space<vmem>>[vector<16xi32>], vector<16xf32>,
        %gather3A_145 = tpu.vector_load_idx %arg7[%get3A_136] : memref<100000xf32, #tpu.memory_space<vmem>>[vector<16xi32>], vector<16xf32>,
        %gather3A_146 = tpu.vector_load_idx %arg7[%get3A_139] : memref<100000xf32, #tpu.memory_space<vmem>>[vector<16xi32>], vector<16xf32>,
        %mul3A_147 = arith.constant 1024 : i32
        %mul3A_148 = arith.muli %rem3A_104, %mul3A_147 : i32
        %add3A_149 = arith.constant 0 : i32
        %add3A_150 = arith.addi %mul3A_148, %add3A_149 : i32
        %swap3A = arith.index_cast %add3A_150 : i32 to index
        %swap3A_151 = tpu.vector_load %arg9[%swap3A] {strides = array<i32>} : memref<4096xf32, #tpu.memory_space<vmem>>, vector<16xf32>,
        tpu.vector_store %arg9[%swap3A], %gather3A {strides = array<i32>} : memref<4096xf32, #tpu.memory_space<vmem>>, vector<16xf32>,
        %mul3A_152 = arith.constant 1024 : i32
        %mul3A_153 = arith.muli %rem3A_104, %mul3A_152 : i32
        %add3A_154 = arith.constant 16 : i32
        %add3A_155 = arith.addi %mul3A_153, %add3A_154 : i32
        %swap3A_156 = arith.index_cast %add3A_155 : i32 to index
        %swap3A_157 = tpu.vector_load %arg9[%swap3A_156] {strides = array<i32>} : memref<4096xf32, #tpu.memory_space<vmem>>, vector<16xf32>,
        tpu.vector_store %arg9[%swap3A_156], %gather3A_140 {strides = array<i32>} : memref<4096xf32, #tpu.memory_space<vmem>>, vector<16xf32>,
        %mul3A_158 = arith.constant 1024 : i32
        %mul3A_159 = arith.muli %rem3A_104, %mul3A_158 : i32
        %add3A_160 = arith.constant 32 : i32
        %add3A_161 = arith.addi %mul3A_159, %add3A_160 : i32
        %swap3A_162 = arith.index_cast %add3A_161 : i32 to index
        %swap3A_163 = tpu.vector_load %arg9[%swap3A_162] {strides = array<i32>} : memref<4096xf32, #tpu.memory_space<vmem>>, vector<16xf32>,
        tpu.vector_store %arg9[%swap3A_162], %gather3A_141 {strides = array<i32>} : memref<4096xf32, #tpu.memory_space<vmem>>, vector<16xf32>,
        %mul3A_164 = arith.constant 1024 : i32
        %mul3A_165 = arith.muli %rem3A_104, %mul3A_164 : i32
        %add3A_166 = arith.constant 48 : i32
        %add3A_167 = arith.addi %mul3A_165, %add3A_166 : i32
        %swap3A_168 = arith.index_cast %add3A_167 : i32 to index
        %swap3A_169 = tpu.vector_load %arg9[%swap3A_168] {strides = array<i32>} : memref<4096xf32, #tpu.memory_space<vmem>>, vector<16xf32>,
        tpu.vector_store %arg9[%swap3A_168], %gather3A_142 {strides = array<i32>} : memref<4096xf32, #tpu.memory_space<vmem>>, vector<16xf32>,
        %mul3A_170 = arith.constant 1024 : i32
        %mul3A_171 = arith.muli %rem3A_104, %mul3A_170 : i32
        %add3A_172 = arith.constant 64 : i32
        %add3A_173 = arith.addi %mul3A_171, %add3A_172 : i32
        %swap3A_174 = arith.index_cast %add3A_173 : i32 to index
        %swap3A_175 = tpu.vector_load %arg9[%swap3A_174] {strides = array<i32>} : memref<4096xf32, #tpu.memory_space<vmem>>, vector<16xf32>,
        tpu.vector_store %arg9[%swap3A_174], %gather3A_143 {strides = array<i32>} : memref<4096xf32, #tpu.memory_space<vmem>>, vector<16xf32>,
        %mul3A_176 = arith.constant 1024 : i32
        %mul3A_177 = arith.muli %rem3A_104, %mul3A_176 : i32
        %add3A_178 = arith.constant 80 : i32
        %add3A_179 = arith.addi %mul3A_177, %add3A_178 : i32
        %swap3A_180 = arith.index_cast %add3A_179 : i32 to index
        %swap3A_181 = tpu.vector_load %arg9[%swap3A_180] {strides = array<i32>} : memref<4096xf32, #tpu.memory_space<vmem>>, vector<16xf32>,
        tpu.vector_store %arg9[%swap3A_180], %gather3A_144 {strides = array<i32>} : memref<4096xf32, #tpu.memory_space<vmem>>, vector<16xf32>,
        %mul3A_182 = arith.constant 1024 : i32
        %mul3A_183 = arith.muli %rem3A_104, %mul3A_182 : i32
        %add3A_184 = arith.constant 96 : i32
        %add3A_185 = arith.addi %mul3A_183, %add3A_184 : i32
        %swap3A_186 = arith.index_cast %add3A_185 : i32 to index
        %swap3A_187 = tpu.vector_load %arg9[%swap3A_186] {strides = array<i32>} : memref<4096xf32, #tpu.memory_space<vmem>>, vector<16xf32>,
        tpu.vector_store %arg9[%swap3A_186], %gather3A_145 {strides = array<i32>} : memref<4096xf32, #tpu.memory_space<vmem>>, vector<16xf32>,
        %mul3A_188 = arith.constant 1024 : i32
        %mul3A_189 = arith.muli %rem3A_104, %mul3A_188 : i32
        %add3A_190 = arith.constant 112 : i32
        %add3A_191 = arith.addi %mul3A_189, %add3A_190 : i32
        %swap3A_192 = arith.index_cast %add3A_191 : i32 to index
        %swap3A_193 = tpu.vector_load %arg9[%swap3A_192] {strides = array<i32>} : memref<4096xf32, #tpu.memory_space<vmem>>, vector<16xf32>,
        tpu.vector_store %arg9[%swap3A_192], %gather3A_146 {strides = array<i32>} : memref<4096xf32, #tpu.memory_space<vmem>>, vector<16xf32>,
        %get3A_194 = arith.index_cast %scan3A_101 : i32 to index
        %get3A_195 = arith.constant 128 : index
        %get3A_196 = tpu.vector_load %arg8[%get3A_194, %get3A_195] {strides = array<i32>} : memref<20x1024xi32, #tpu.memory_space<vmem>>, vector<16xi32>,
        %get3A_197 = arith.index_cast %scan3A_101 : i32 to index
        %get3A_198 = arith.constant 144 : index
        %get3A_199 = tpu.vector_load %arg8[%get3A_197, %get3A_198] {strides = array<i32>} : memref<20x1024xi32, #tpu.memory_space<vmem>>, vector<16xi32>,
        %get3A_200 = arith.index_cast %scan3A_101 : i32 to index
        %get3A_201 = arith.constant 160 : index
        %get3A_202 = tpu.vector_load %arg8[%get3A_200, %get3A_201] {strides = array<i32>} : memref<20x1024xi32, #tpu.memory_space<vmem>>, vector<16xi32>,
        %get3A_203 = arith.index_cast %scan3A_101 : i32 to index
        %get3A_204 = arith.constant 176 : index
        %get3A_205 = tpu.vector_load %arg8[%get3A_203, %get3A_204] {strides = array<i32>} : memref<20x1024xi32, #tpu.memory_space<vmem>>, vector<16xi32>,
        %get3A_206 = arith.index_cast %scan3A_101 : i32 to index
        %get3A_207 = arith.constant 192 : index
        %get3A_208 = tpu.vector_load %arg8[%get3A_206, %get3A_207] {strides = array<i32>} : memref<20x1024xi32, #tpu.memory_space<vmem>>, vector<16xi32>,
        %get3A_209 = arith.index_cast %scan3A_101 : i32 to index
        %get3A_210 = arith.constant 208 : index
        %get3A_211 = tpu.vector_load %arg8[%get3A_209, %get3A_210] {strides = array<i32>} : memref<20x1024xi32, #tpu.memory_space<vmem>>, vector<16xi32>,
        %get3A_212 = arith.index_cast %scan3A_101 : i32 to index
        %get3A_213 = arith.constant 224 : index
        %get3A_214 = tpu.vector_load %arg8[%get3A_212, %get3A_213] {strides = array<i32>} : memref<20x1024xi32, #tpu.memory_space<vmem>>, vector<16xi32>,
        %get3A_215 = arith.index_cast %scan3A_101 : i32 to index
        %get3A_216 = arith.constant 240 : index
        %get3A_217 = tpu.vector_load %arg8[%get3A_215, %get3A_216] {strides = array<i32>} : memref<20x1024xi32, #tpu.memory_space<vmem>>, vector<16xi32>,
        %gather3A_218 = tpu.vector_load_idx %arg7[%get3A_196] : memref<100000xf32, #tpu.memory_space<vmem>>[vector<16xi32>], vector<16xf32>,
        %gather3A_219 = tpu.vector_load_idx %arg7[%get3A_199] : memref<100000xf32, #tpu.memory_space<vmem>>[vector<16xi32>], vector<16xf32>,
        %gather3A_220 = tpu.vector_load_idx %arg7[%get3A_202] : memref<100000xf32, #tpu.memory_space<vmem>>[vector<16xi32>], vector<16xf32>,
        %gather3A_221 = tpu.vector_load_idx %arg7[%get3A_205] : memref<100000xf32, #tpu.memory_space<vmem>>[vector<16xi32>], vector<16xf32>,
        %gather3A_222 = tpu.vector_load_idx %arg7[%get3A_208] : memref<100000xf32, #tpu.memory_space<vmem>>[vector<16xi32>], vector<16xf32>,
        %gather3A_223 = tpu.vector_load_idx %arg7[%get3A_211] : memref<100000xf32, #tpu.memory_space<vmem>>[vector<16xi32>], vector<16xf32>,
        %gather3A_224 = tpu.vector_load_idx %arg7[%get3A_214] : memref<100000xf32, #tpu.memory_space<vmem>>[vector<16xi32>], vector<16xf32>,
        %gather3A_225 = tpu.vector_load_idx %arg7[%get3A_217] : memref<100000xf32, #tpu.memory_space<vmem>>[vector<16xi32>], vector<16xf32>,
        %mul3A_226 = arith.constant 1024 : i32
        %mul3A_227 = arith.muli %rem3A_104, %mul3A_226 : i32
        %add3A_228 = arith.constant 128 : i32
        %add3A_229 = arith.addi %mul3A_227, %add3A_228 : i32
        %swap3A_230 = arith.index_cast %add3A_229 : i32 to index
        %swap3A_231 = tpu.vector_load %arg9[%swap3A_230] {strides = array<i32>} : memref<4096xf32, #tpu.memory_space<vmem>>, vector<16xf32>,
        tpu.vector_store %arg9[%swap3A_230], %gather3A_218 {strides = array<i32>} : memref<4096xf32, #tpu.memory_space<vmem>>, vector<16xf32>,
        %mul3A_232 = arith.constant 1024 : i32
        %mul3A_233 = arith.muli %rem3A_104, %mul3A_232 : i32
        %add3A_234 = arith.constant 144 : i32
        %add3A_235 = arith.addi %mul3A_233, %add3A_234 : i32
        %swap3A_236 = arith.index_cast %add3A_235 : i32 to index
        %swap3A_237 = tpu.vector_load %arg9[%swap3A_236] {strides = array<i32>} : memref<4096xf32, #tpu.memory_space<vmem>>, vector<16xf32>,
        tpu.vector_store %arg9[%swap3A_236], %gather3A_219 {strides = array<i32>} : memref<4096xf32, #tpu.memory_space<vmem>>, vector<16xf32>,
        %mul3A_238 = arith.constant 1024 : i32
        %mul3A_239 = arith.muli %rem3A_104, %mul3A_238 : i32
        %add3A_240 = arith.constant 160 : i32
        %add3A_241 = arith.addi %mul3A_239, %add3A_240 : i32
        %swap3A_242 = arith.index_cast %add3A_241 : i32 to index
        %swap3A_243 = tpu.vector_load %arg9[%swap3A_242] {strides = array<i32>} : memref<4096xf32, #tpu.memory_space<vmem>>, vector<16xf32>,
        tpu.vector_store %arg9[%swap3A_242], %gather3A_220 {strides = array<i32>} : memref<4096xf32, #tpu.memory_space<vmem>>, vector<16xf32>,
        %mul3A_244 = arith.constant 1024 : i32
        %mul3A_245 = arith.muli %rem3A_104, %mul3A_244 : i32
        %add3A_246 = arith.constant 176 : i32
        %add3A_247 = arith.addi %mul3A_245, %add3A_246 : i32
        %swap3A_248 = arith.index_cast %add3A_247 : i32 to index
        %swap3A_249 = tpu.vector_load %arg9[%swap3A_248] {strides = array<i32>} : memref<4096xf32, #tpu.memory_space<vmem>>, vector<16xf32>,
        tpu.vector_store %arg9[%swap3A_248], %gather3A_221 {strides = array<i32>} : memref<4096xf32, #tpu.memory_space<vmem>>, vector<16xf32>,
        %mul3A_250 = arith.constant 1024 : i32
        %mul3A_251 = arith.muli %rem3A_104, %mul3A_250 : i32
        %add3A_252 = arith.constant 192 : i32
        %add3A_253 = arith.addi %mul3A_251, %add3A_252 : i32
        %swap3A_254 = arith.index_cast %add3A_253 : i32 to index
        %swap3A_255 = tpu.vector_load %arg9[%swap3A_254] {strides = array<i32>} : memref<4096xf32, #tpu.memory_space<vmem>>, vector<16xf32>,
        tpu.vector_store %arg9[%swap3A_254], %gather3A_222 {strides = array<i32>} : memref<4096xf32, #tpu.memory_space<vmem>>, vector<16xf32>,
        %mul3A_256 = arith.constant 1024 : i32
        %mul3A_257 = arith.muli %rem3A_104, %mul3A_256 : i32
        %add3A_258 = arith.constant 208 : i32
        %add3A_259 = arith.addi %mul3A_257, %add3A_258 : i32
        %swap3A_260 = arith.index_cast %add3A_259 : i32 to index
        %swap3A_261 = tpu.vector_load %arg9[%swap3A_260] {strides = array<i32>} : memref<4096xf32, #tpu.memory_space<vmem>>, vector<16xf32>,
        tpu.vector_store %arg9[%swap3A_260], %gather3A_223 {strides = array<i32>} : memref<4096xf32, #tpu.memory_space<vmem>>, vector<16xf32>,
        %mul3A_262 = arith.constant 1024 : i32
        %mul3A_263 = arith.muli %rem3A_104, %mul3A_262 : i32
        %add3A_264 = arith.constant 224 : i32
        %add3A_265 = arith.addi %mul3A_263, %add3A_264 : i32
        %swap3A_266 = arith.index_cast %add3A_265 : i32 to index
        %swap3A_267 = tpu.vector_load %arg9[%swap3A_266] {strides = array<i32>} : memref<4096xf32, #tpu.memory_space<vmem>>, vector<16xf32>,
        tpu.vector_store %arg9[%swap3A_266], %gather3A_224 {strides = array<i32>} : memref<4096xf32, #tpu.memory_space<vmem>>, vector<16xf32>,
        %mul3A_268 = arith.constant 1024 : i32
        %mul3A_269 = arith.muli %rem3A_104, %mul3A_268 : i32
        %add3A_270 = arith.constant 240 : i32
        %add3A_271 = arith.addi %mul3A_269, %add3A_270 : i32
        %swap3A_272 = arith.index_cast %add3A_271 : i32 to index
        %swap3A_273 = tpu.vector_load %arg9[%swap3A_272] {strides = array<i32>} : memref<4096xf32, #tpu.memory_space<vmem>>, vector<16xf32>,
        tpu.vector_store %arg9[%swap3A_272], %gather3A_225 {strides = array<i32>} : memref<4096xf32, #tpu.memory_space<vmem>>, vector<16xf32>,
        %get3A_274 = arith.index_cast %scan3A_101 : i32 to index
        %get3A_275 = arith.constant 256 : index
        %get3A_276 = tpu.vector_load %arg8[%get3A_274, %get3A_275] {strides = array<i32>} : memref<20x1024xi32, #tpu.memory_space<vmem>>, vector<16xi32>,
        %get3A_277 = arith.index_cast %scan3A_101 : i32 to index
        %get3A_278 = arith.constant 272 : index
        %get3A_279 = tpu.vector_load %arg8[%get3A_277, %get3A_278] {strides = array<i32>} : memref<20x1024xi32, #tpu.memory_space<vmem>>, vector<16xi32>,
        %get3A_280 = arith.index_cast %scan3A_101 : i32 to index
        %get3A_281 = arith.constant 288 : index
        %get3A_282 = tpu.vector_load %arg8[%get3A_280, %get3A_281] {strides = array<i32>} : memref<20x1024xi32, #tpu.memory_space<vmem>>, vector<16xi32>,
        %get3A_283 = arith.index_cast %scan3A_101 : i32 to index
        %get3A_284 = arith.constant 304 : index
        %get3A_285 = tpu.vector_load %arg8[%get3A_283, %get3A_284] {strides = array<i32>} : memref<20x1024xi32, #tpu.memory_space<vmem>>, vector<16xi32>,
        %get3A_286 = arith.index_cast %scan3A_101 : i32 to index
        %get3A_287 = arith.constant 320 : index
        %get3A_288 = tpu.vector_load %arg8[%get3A_286, %get3A_287] {strides = array<i32>} : memref<20x1024xi32, #tpu.memory_space<vmem>>, vector<16xi32>,
        %get3A_289 = arith.index_cast %scan3A_101 : i32 to index
        %get3A_290 = arith.constant 336 : index
        %get3A_291 = tpu.vector_load %arg8[%get3A_289, %get3A_290] {strides = array<i32>} : memref<20x1024xi32, #tpu.memory_space<vmem>>, vector<16xi32>,
        %get3A_292 = arith.index_cast %scan3A_101 : i32 to index
        %get3A_293 = arith.constant 352 : index
        %get3A_294 = tpu.vector_load %arg8[%get3A_292, %get3A_293] {strides = array<i32>} : memref<20x1024xi32, #tpu.memory_space<vmem>>, vector<16xi32>,
        %get3A_295 = arith.index_cast %scan3A_101 : i32 to index
        %get3A_296 = arith.constant 368 : index
        %get3A_297 = tpu.vector_load %arg8[%get3A_295, %get3A_296] {strides = array<i32>} : memref<20x1024xi32, #tpu.memory_space<vmem>>, vector<16xi32>,
        %gather3A_298 = tpu.vector_load_idx %arg7[%get3A_276] : memref<100000xf32, #tpu.memory_space<vmem>>[vector<16xi32>], vector<16xf32>,
        %gather3A_299 = tpu.vector_load_idx %arg7[%get3A_279] : memref<100000xf32, #tpu.memory_space<vmem>>[vector<16xi32>], vector<16xf32>,
        %gather3A_300 = tpu.vector_load_idx %arg7[%get3A_282] : memref<100000xf32, #tpu.memory_space<vmem>>[vector<16xi32>], vector<16xf32>,
        %gather3A_301 = tpu.vector_load_idx %arg7[%get3A_285] : memref<100000xf32, #tpu.memory_space<vmem>>[vector<16xi32>], vector<16xf32>,
        %gather3A_302 = tpu.vector_load_idx %arg7[%get3A_288] : memref<100000xf32, #tpu.memory_space<vmem>>[vector<16xi32>], vector<16xf32>,
        %gather3A_303 = tpu.vector_load_idx %arg7[%get3A_291] : memref<100000xf32, #tpu.memory_space<vmem>>[vector<16xi32>], vector<16xf32>,
        %gather3A_304 = tpu.vector_load_idx %arg7[%get3A_294] : memref<100000xf32, #tpu.memory_space<vmem>>[vector<16xi32>], vector<16xf32>,
        %gather3A_305 = tpu.vector_load_idx %arg7[%get3A_297] : memref<100000xf32, #tpu.memory_space<vmem>>[vector<16xi32>], vector<16xf32>,
        %mul3A_306 = arith.constant 1024 : i32
        %mul3A_307 = arith.muli %rem3A_104, %mul3A_306 : i32
        %add3A_308 = arith.constant 256 : i32
        %add3A_309 = arith.addi %mul3A_307, %add3A_308 : i32
        %swap3A_310 = arith.index_cast %add3A_309 : i32 to index
        %swap3A_311 = tpu.vector_load %arg9[%swap3A_310] {strides = array<i32>} : memref<4096xf32, #tpu.memory_space<vmem>>, vector<16xf32>,
        tpu.vector_store %arg9[%swap3A_310], %gather3A_298 {strides = array<i32>} : memref<4096xf32, #tpu.memory_space<vmem>>, vector<16xf32>,
        %mul3A_312 = arith.constant 1024 : i32
        %mul3A_313 = arith.muli %rem3A_104, %mul3A_312 : i32
        %add3A_314 = arith.constant 272 : i32
        %add3A_315 = arith.addi %mul3A_313, %add3A_314 : i32
        %swap3A_316 = arith.index_cast %add3A_315 : i32 to index
        %swap3A_317 = tpu.vector_load %arg9[%swap3A_316] {strides = array<i32>} : memref<4096xf32, #tpu.memory_space<vmem>>, vector<16xf32>,
        tpu.vector_store %arg9[%swap3A_316], %gather3A_299 {strides = array<i32>} : memref<4096xf32, #tpu.memory_space<vmem>>, vector<16xf32>,
        %mul3A_318 = arith.constant 1024 : i32
        %mul3A_319 = arith.muli %rem3A_104, %mul3A_318 : i32
        %add3A_320 = arith.constant 288 : i32
        %add3A_321 = arith.addi %mul3A_319, %add3A_320 : i32
        %swap3A_322 = arith.index_cast %add3A_321 : i32 to index
        %swap3A_323 = tpu.vector_load %arg9[%swap3A_322] {strides = array<i32>} : memref<4096xf32, #tpu.memory_space<vmem>>, vector<16xf32>,
        tpu.vector_store %arg9[%swap3A_322], %gather3A_300 {strides = array<i32>} : memref<4096xf32, #tpu.memory_space<vmem>>, vector<16xf32>,
        %mul3A_324 = arith.constant 1024 : i32
        %mul3A_325 = arith.muli %rem3A_104, %mul3A_324 : i32
        %add3A_326 = arith.constant 304 : i32
        %add3A_327 = arith.addi %mul3A_325, %add3A_326 : i32
        %swap3A_328 = arith.index_cast %add3A_327 : i32 to index
        %swap3A_329 = tpu.vector_load %arg9[%swap3A_328] {strides = array<i32>} : memref<4096xf32, #tpu.memory_space<vmem>>, vector<16xf32>,
        tpu.vector_store %arg9[%swap3A_328], %gather3A_301 {strides = array<i32>} : memref<4096xf32, #tpu.memory_space<vmem>>, vector<16xf32>,
        %mul3A_330 = arith.constant 1024 : i32
        %mul3A_331 = arith.muli %rem3A_104, %mul3A_330 : i32
        %add3A_332 = arith.constant 320 : i32
        %add3A_333 = arith.addi %mul3A_331, %add3A_332 : i32
        %swap3A_334 = arith.index_cast %add3A_333 : i32 to index
        %swap3A_335 = tpu.vector_load %arg9[%swap3A_334] {strides = array<i32>} : memref<4096xf32, #tpu.memory_space<vmem>>, vector<16xf32>,
        tpu.vector_store %arg9[%swap3A_334], %gather3A_302 {strides = array<i32>} : memref<4096xf32, #tpu.memory_space<vmem>>, vector<16xf32>,
        %mul3A_336 = arith.constant 1024 : i32
        %mul3A_337 = arith.muli %rem3A_104, %mul3A_336 : i32
        %add3A_338 = arith.constant 336 : i32
        %add3A_339 = arith.addi %mul3A_337, %add3A_338 : i32
        %swap3A_340 = arith.index_cast %add3A_339 : i32 to index
        %swap3A_341 = tpu.vector_load %arg9[%swap3A_340] {strides = array<i32>} : memref<4096xf32, #tpu.memory_space<vmem>>, vector<16xf32>,
        tpu.vector_store %arg9[%swap3A_340], %gather3A_303 {strides = array<i32>} : memref<4096xf32, #tpu.memory_space<vmem>>, vector<16xf32>,
        %mul3A_342 = arith.constant 1024 : i32
        %mul3A_343 = arith.muli %rem3A_104, %mul3A_342 : i32
        %add3A_344 = arith.constant 352 : i32
        %add3A_345 = arith.addi %mul3A_343, %add3A_344 : i32
        %swap3A_346 = arith.index_cast %add3A_345 : i32 to index
        %swap3A_347 = tpu.vector_load %arg9[%swap3A_346] {strides = array<i32>} : memref<4096xf32, #tpu.memory_space<vmem>>, vector<16xf32>,
        tpu.vector_store %arg9[%swap3A_346], %gather3A_304 {strides = array<i32>} : memref<4096xf32, #tpu.memory_space<vmem>>, vector<16xf32>,
        %mul3A_348 = arith.constant 1024 : i32
        %mul3A_349 = arith.muli %rem3A_104, %mul3A_348 : i32
        %add3A_350 = arith.constant 368 : i32
        %add3A_351 = arith.addi %mul3A_349, %add3A_350 : i32
        %swap3A_352 = arith.index_cast %add3A_351 : i32 to index
        %swap3A_353 = tpu.vector_load %arg9[%swap3A_352] {strides = array<i32>} : memref<4096xf32, #tpu.memory_space<vmem>>, vector<16xf32>,
        tpu.vector_store %arg9[%swap3A_352], %gather3A_305 {strides = array<i32>} : memref<4096xf32, #tpu.memory_space<vmem>>, vector<16xf32>,
        %get3A_354 = arith.index_cast %scan3A_101 : i32 to index
        %get3A_355 = arith.constant 384 : index
        %get3A_356 = tpu.vector_load %arg8[%get3A_354, %get3A_355] {strides = array<i32>} : memref<20x1024xi32, #tpu.memory_space<vmem>>, vector<16xi32>,
        %get3A_357 = arith.index_cast %scan3A_101 : i32 to index
        %get3A_358 = arith.constant 400 : index
        %get3A_359 = tpu.vector_load %arg8[%get3A_357, %get3A_358] {strides = array<i32>} : memref<20x1024xi32, #tpu.memory_space<vmem>>, vector<16xi32>,
        %get3A_360 = arith.index_cast %scan3A_101 : i32 to index
        %get3A_361 = arith.constant 416 : index
        %get3A_362 = tpu.vector_load %arg8[%get3A_360, %get3A_361] {strides = array<i32>} : memref<20x1024xi32, #tpu.memory_space<vmem>>, vector<16xi32>,
        %get3A_363 = arith.index_cast %scan3A_101 : i32 to index
        %get3A_364 = arith.constant 432 : index
        %get3A_365 = tpu.vector_load %arg8[%get3A_363, %get3A_364] {strides = array<i32>} : memref<20x1024xi32, #tpu.memory_space<vmem>>, vector<16xi32>,
        %get3A_366 = arith.index_cast %scan3A_101 : i32 to index
        %get3A_367 = arith.constant 448 : index
        %get3A_368 = tpu.vector_load %arg8[%get3A_366, %get3A_367] {strides = array<i32>} : memref<20x1024xi32, #tpu.memory_space<vmem>>, vector<16xi32>,
        %get3A_369 = arith.index_cast %scan3A_101 : i32 to index
        %get3A_370 = arith.constant 464 : index
        %get3A_371 = tpu.vector_load %arg8[%get3A_369, %get3A_370] {strides = array<i32>} : memref<20x1024xi32, #tpu.memory_space<vmem>>, vector<16xi32>,
        %get3A_372 = arith.index_cast %scan3A_101 : i32 to index
        %get3A_373 = arith.constant 480 : index
        %get3A_374 = tpu.vector_load %arg8[%get3A_372, %get3A_373] {strides = array<i32>} : memref<20x1024xi32, #tpu.memory_space<vmem>>, vector<16xi32>,
        %get3A_375 = arith.index_cast %scan3A_101 : i32 to index
        %get3A_376 = arith.constant 496 : index
        %get3A_377 = tpu.vector_load %arg8[%get3A_375, %get3A_376] {strides = array<i32>} : memref<20x1024xi32, #tpu.memory_space<vmem>>, vector<16xi32>,
        %gather3A_378 = tpu.vector_load_idx %arg7[%get3A_356] : memref<100000xf32, #tpu.memory_space<vmem>>[vector<16xi32>], vector<16xf32>,
        %gather3A_379 = tpu.vector_load_idx %arg7[%get3A_359] : memref<100000xf32, #tpu.memory_space<vmem>>[vector<16xi32>], vector<16xf32>,
        %gather3A_380 = tpu.vector_load_idx %arg7[%get3A_362] : memref<100000xf32, #tpu.memory_space<vmem>>[vector<16xi32>], vector<16xf32>,
        %gather3A_381 = tpu.vector_load_idx %arg7[%get3A_365] : memref<100000xf32, #tpu.memory_space<vmem>>[vector<16xi32>], vector<16xf32>,
        %gather3A_382 = tpu.vector_load_idx %arg7[%get3A_368] : memref<100000xf32, #tpu.memory_space<vmem>>[vector<16xi32>], vector<16xf32>,
        %gather3A_383 = tpu.vector_load_idx %arg7[%get3A_371] : memref<100000xf32, #tpu.memory_space<vmem>>[vector<16xi32>], vector<16xf32>,
        %gather3A_384 = tpu.vector_load_idx %arg7[%get3A_374] : memref<100000xf32, #tpu.memory_space<vmem>>[vector<16xi32>], vector<16xf32>,
        %gather3A_385 = tpu.vector_load_idx %arg7[%get3A_377] : memref<100000xf32, #tpu.memory_space<vmem>>[vector<16xi32>], vector<16xf32>,
        %mul3A_386 = arith.constant 1024 : i32
        %mul3A_387 = arith.muli %rem3A_104, %mul3A_386 : i32
        %add3A_388 = arith.constant 384 : i32
        %add3A_389 = arith.addi %mul3A_387, %add3A_388 : i32
        %swap3A_390 = arith.index_cast %add3A_389 : i32 to index
        %swap3A_391 = tpu.vector_load %arg9[%swap3A_390] {strides = array<i32>} : memref<4096xf32, #tpu.memory_space<vmem>>, vector<16xf32>,
        tpu.vector_store %arg9[%swap3A_390], %gather3A_378 {strides = array<i32>} : memref<4096xf32, #tpu.memory_space<vmem>>, vector<16xf32>,
        %mul3A_392 = arith.constant 1024 : i32
        %mul3A_393 = arith.muli %rem3A_104, %mul3A_392 : i32
        %add3A_394 = arith.constant 400 : i32
        %add3A_395 = arith.addi %mul3A_393, %add3A_394 : i32
        %swap3A_396 = arith.index_cast %add3A_395 : i32 to index
        %swap3A_397 = tpu.vector_load %arg9[%swap3A_396] {strides = array<i32>} : memref<4096xf32, #tpu.memory_space<vmem>>, vector<16xf32>,
        tpu.vector_store %arg9[%swap3A_396], %gather3A_379 {strides = array<i32>} : memref<4096xf32, #tpu.memory_space<vmem>>, vector<16xf32>,
        %mul3A_398 = arith.constant 1024 : i32
        %mul3A_399 = arith.muli %rem3A_104, %mul3A_398 : i32
        %add3A_400 = arith.constant 416 : i32
        %add3A_401 = arith.addi %mul3A_399, %add3A_400 : i32
        %swap3A_402 = arith.index_cast %add3A_401 : i32 to index
        %swap3A_403 = tpu.vector_load %arg9[%swap3A_402] {strides = array<i32>} : memref<4096xf32, #tpu.memory_space<vmem>>, vector<16xf32>,
        tpu.vector_store %arg9[%swap3A_402], %gather3A_380 {strides = array<i32>} : memref<4096xf32, #tpu.memory_space<vmem>>, vector<16xf32>,
        %mul3A_404 = arith.constant 1024 : i32
        %mul3A_405 = arith.muli %rem3A_104, %mul3A_404 : i32
        %add3A_406 = arith.constant 432 : i32
        %add3A_407 = arith.addi %mul3A_405, %add3A_406 : i32
        %swap3A_408 = arith.index_cast %add3A_407 : i32 to index
        %swap3A_409 = tpu.vector_load %arg9[%swap3A_408] {strides = array<i32>} : memref<4096xf32, #tpu.memory_space<vmem>>, vector<16xf32>,
        tpu.vector_store %arg9[%swap3A_408], %gather3A_381 {strides = array<i32>} : memref<4096xf32, #tpu.memory_space<vmem>>, vector<16xf32>,
        %mul3A_410 = arith.constant 1024 : i32
        %mul3A_411 = arith.muli %rem3A_104, %mul3A_410 : i32
        %add3A_412 = arith.constant 448 : i32
        %add3A_413 = arith.addi %mul3A_411, %add3A_412 : i32
        %swap3A_414 = arith.index_cast %add3A_413 : i32 to index
        %swap3A_415 = tpu.vector_load %arg9[%swap3A_414] {strides = array<i32>} : memref<4096xf32, #tpu.memory_space<vmem>>, vector<16xf32>,
        tpu.vector_store %arg9[%swap3A_414], %gather3A_382 {strides = array<i32>} : memref<4096xf32, #tpu.memory_space<vmem>>, vector<16xf32>,
        %mul3A_416 = arith.constant 1024 : i32
        %mul3A_417 = arith.muli %rem3A_104, %mul3A_416 : i32
        %add3A_418 = arith.constant 464 : i32
        %add3A_419 = arith.addi %mul3A_417, %add3A_418 : i32
        %swap3A_420 = arith.index_cast %add3A_419 : i32 to index
        %swap3A_421 = tpu.vector_load %arg9[%swap3A_420] {strides = array<i32>} : memref<4096xf32, #tpu.memory_space<vmem>>, vector<16xf32>,
        tpu.vector_store %arg9[%swap3A_420], %gather3A_383 {strides = array<i32>} : memref<4096xf32, #tpu.memory_space<vmem>>, vector<16xf32>,
        %mul3A_422 = arith.constant 1024 : i32
        %mul3A_423 = arith.muli %rem3A_104, %mul3A_422 : i32
        %add3A_424 = arith.constant 480 : i32
        %add3A_425 = arith.addi %mul3A_423, %add3A_424 : i32
        %swap3A_426 = arith.index_cast %add3A_425 : i32 to index
        %swap3A_427 = tpu.vector_load %arg9[%swap3A_426] {strides = array<i32>} : memref<4096xf32, #tpu.memory_space<vmem>>, vector<16xf32>,
        tpu.vector_store %arg9[%swap3A_426], %gather3A_384 {strides = array<i32>} : memref<4096xf32, #tpu.memory_space<vmem>>, vector<16xf32>,
        %mul3A_428 = arith.constant 1024 : i32
        %mul3A_429 = arith.muli %rem3A_104, %mul3A_428 : i32
        %add3A_430 = arith.constant 496 : i32
        %add3A_431 = arith.addi %mul3A_429, %add3A_430 : i32
        %swap3A_432 = arith.index_cast %add3A_431 : i32 to index
        %swap3A_433 = tpu.vector_load %arg9[%swap3A_432] {strides = array<i32>} : memref<4096xf32, #tpu.memory_space<vmem>>, vector<16xf32>,
        tpu.vector_store %arg9[%swap3A_432], %gather3A_385 {strides = array<i32>} : memref<4096xf32, #tpu.memory_space<vmem>>, vector<16xf32>,
        %get3A_434 = arith.index_cast %scan3A_101 : i32 to index
        %get3A_435 = arith.constant 512 : index
        %get3A_436 = tpu.vector_load %arg8[%get3A_434, %get3A_435] {strides = array<i32>} : memref<20x1024xi32, #tpu.memory_space<vmem>>, vector<16xi32>,
        %get3A_437 = arith.index_cast %scan3A_101 : i32 to index
        %get3A_438 = arith.constant 528 : index
        %get3A_439 = tpu.vector_load %arg8[%get3A_437, %get3A_438] {strides = array<i32>} : memref<20x1024xi32, #tpu.memory_space<vmem>>, vector<16xi32>,
        %get3A_440 = arith.index_cast %scan3A_101 : i32 to index
        %get3A_441 = arith.constant 544 : index
        %get3A_442 = tpu.vector_load %arg8[%get3A_440, %get3A_441] {strides = array<i32>} : memref<20x1024xi32, #tpu.memory_space<vmem>>, vector<16xi32>,
        %get3A_443 = arith.index_cast %scan3A_101 : i32 to index
        %get3A_444 = arith.constant 560 : index
        %get3A_445 = tpu.vector_load %arg8[%get3A_443, %get3A_444] {strides = array<i32>} : memref<20x1024xi32, #tpu.memory_space<vmem>>, vector<16xi32>,
        %get3A_446 = arith.index_cast %scan3A_101 : i32 to index
        %get3A_447 = arith.constant 576 : index
        %get3A_448 = tpu.vector_load %arg8[%get3A_446, %get3A_447] {strides = array<i32>} : memref<20x1024xi32, #tpu.memory_space<vmem>>, vector<16xi32>,
        %get3A_449 = arith.index_cast %scan3A_101 : i32 to index
        %get3A_450 = arith.constant 592 : index
        %get3A_451 = tpu.vector_load %arg8[%get3A_449, %get3A_450] {strides = array<i32>} : memref<20x1024xi32, #tpu.memory_space<vmem>>, vector<16xi32>,
        %get3A_452 = arith.index_cast %scan3A_101 : i32 to index
        %get3A_453 = arith.constant 608 : index
        %get3A_454 = tpu.vector_load %arg8[%get3A_452, %get3A_453] {strides = array<i32>} : memref<20x1024xi32, #tpu.memory_space<vmem>>, vector<16xi32>,
        %get3A_455 = arith.index_cast %scan3A_101 : i32 to index
        %get3A_456 = arith.constant 624 : index
        %get3A_457 = tpu.vector_load %arg8[%get3A_455, %get3A_456] {strides = array<i32>} : memref<20x1024xi32, #tpu.memory_space<vmem>>, vector<16xi32>,
        %gather3A_458 = tpu.vector_load_idx %arg7[%get3A_436] : memref<100000xf32, #tpu.memory_space<vmem>>[vector<16xi32>], vector<16xf32>,
        %gather3A_459 = tpu.vector_load_idx %arg7[%get3A_439] : memref<100000xf32, #tpu.memory_space<vmem>>[vector<16xi32>], vector<16xf32>,
        %gather3A_460 = tpu.vector_load_idx %arg7[%get3A_442] : memref<100000xf32, #tpu.memory_space<vmem>>[vector<16xi32>], vector<16xf32>,
        %gather3A_461 = tpu.vector_load_idx %arg7[%get3A_445] : memref<100000xf32, #tpu.memory_space<vmem>>[vector<16xi32>], vector<16xf32>,
        %gather3A_462 = tpu.vector_load_idx %arg7[%get3A_448] : memref<100000xf32, #tpu.memory_space<vmem>>[vector<16xi32>], vector<16xf32>,
        %gather3A_463 = tpu.vector_load_idx %arg7[%get3A_451] : memref<100000xf32, #tpu.memory_space<vmem>>[vector<16xi32>], vector<16xf32>,
        %gather3A_464 = tpu.vector_load_idx %arg7[%get3A_454] : memref<100000xf32, #tpu.memory_space<vmem>>[vector<16xi32>], vector<16xf32>,
        %gather3A_465 = tpu.vector_load_idx %arg7[%get3A_457] : memref<100000xf32, #tpu.memory_space<vmem>>[vector<16xi32>], vector<16xf32>,
        %mul3A_466 = arith.constant 1024 : i32
        %mul3A_467 = arith.muli %rem3A_104, %mul3A_466 : i32
        %add3A_468 = arith.constant 512 : i32
        %add3A_469 = arith.addi %mul3A_467, %add3A_468 : i32
        %swap3A_470 = arith.index_cast %add3A_469 : i32 to index
        %swap3A_471 = tpu.vector_load %arg9[%swap3A_470] {strides = array<i32>} : memref<4096xf32, #tpu.memory_space<vmem>>, vector<16xf32>,
        tpu.vector_store %arg9[%swap3A_470], %gather3A_458 {strides = array<i32>} : memref<4096xf32, #tpu.memory_space<vmem>>, vector<16xf32>,
        %mul3A_472 = arith.constant 1024 : i32
        %mul3A_473 = arith.muli %rem3A_104, %mul3A_472 : i32
        %add3A_474 = arith.constant 528 : i32
        %add3A_475 = arith.addi %mul3A_473, %add3A_474 : i32
        %swap3A_476 = arith.index_cast %add3A_475 : i32 to index
        %swap3A_477 = tpu.vector_load %arg9[%swap3A_476] {strides = array<i32>} : memref<4096xf32, #tpu.memory_space<vmem>>, vector<16xf32>,
        tpu.vector_store %arg9[%swap3A_476], %gather3A_459 {strides = array<i32>} : memref<4096xf32, #tpu.memory_space<vmem>>, vector<16xf32>,
        %mul3A_478 = arith.constant 1024 : i32
        %mul3A_479 = arith.muli %rem3A_104, %mul3A_478 : i32
        %add3A_480 = arith.constant 544 : i32
        %add3A_481 = arith.addi %mul3A_479, %add3A_480 : i32
        %swap3A_482 = arith.index_cast %add3A_481 : i32 to index
        %swap3A_483 = tpu.vector_load %arg9[%swap3A_482] {strides = array<i32>} : memref<4096xf32, #tpu.memory_space<vmem>>, vector<16xf32>,
        tpu.vector_store %arg9[%swap3A_482], %gather3A_460 {strides = array<i32>} : memref<4096xf32, #tpu.memory_space<vmem>>, vector<16xf32>,
        %mul3A_484 = arith.constant 1024 : i32
        %mul3A_485 = arith.muli %rem3A_104, %mul3A_484 : i32
        %add3A_486 = arith.constant 560 : i32
        %add3A_487 = arith.addi %mul3A_485, %add3A_486 : i32
        %swap3A_488 = arith.index_cast %add3A_487 : i32 to index
        %swap3A_489 = tpu.vector_load %arg9[%swap3A_488] {strides = array<i32>} : memref<4096xf32, #tpu.memory_space<vmem>>, vector<16xf32>,
        tpu.vector_store %arg9[%swap3A_488], %gather3A_461 {strides = array<i32>} : memref<4096xf32, #tpu.memory_space<vmem>>, vector<16xf32>,
        %mul3A_490 = arith.constant 1024 : i32
        %mul3A_491 = arith.muli %rem3A_104, %mul3A_490 : i32
        %add3A_492 = arith.constant 576 : i32
        %add3A_493 = arith.addi %mul3A_491, %add3A_492 : i32
        %swap3A_494 = arith.index_cast %add3A_493 : i32 to index
        %swap3A_495 = tpu.vector_load %arg9[%swap3A_494] {strides = array<i32>} : memref<4096xf32, #tpu.memory_space<vmem>>, vector<16xf32>,
        tpu.vector_store %arg9[%swap3A_494], %gather3A_462 {strides = array<i32>} : memref<4096xf32, #tpu.memory_space<vmem>>, vector<16xf32>,
        %mul3A_496 = arith.constant 1024 : i32
        %mul3A_497 = arith.muli %rem3A_104, %mul3A_496 : i32
        %add3A_498 = arith.constant 592 : i32
        %add3A_499 = arith.addi %mul3A_497, %add3A_498 : i32
        %swap3A_500 = arith.index_cast %add3A_499 : i32 to index
        %swap3A_501 = tpu.vector_load %arg9[%swap3A_500] {strides = array<i32>} : memref<4096xf32, #tpu.memory_space<vmem>>, vector<16xf32>,
        tpu.vector_store %arg9[%swap3A_500], %gather3A_463 {strides = array<i32>} : memref<4096xf32, #tpu.memory_space<vmem>>, vector<16xf32>,
        %mul3A_502 = arith.constant 1024 : i32
        %mul3A_503 = arith.muli %rem3A_104, %mul3A_502 : i32
        %add3A_504 = arith.constant 608 : i32
        %add3A_505 = arith.addi %mul3A_503, %add3A_504 : i32
        %swap3A_506 = arith.index_cast %add3A_505 : i32 to index
        %swap3A_507 = tpu.vector_load %arg9[%swap3A_506] {strides = array<i32>} : memref<4096xf32, #tpu.memory_space<vmem>>, vector<16xf32>,
        tpu.vector_store %arg9[%swap3A_506], %gather3A_464 {strides = array<i32>} : memref<4096xf32, #tpu.memory_space<vmem>>, vector<16xf32>,
        %mul3A_508 = arith.constant 1024 : i32
        %mul3A_509 = arith.muli %rem3A_104, %mul3A_508 : i32
        %add3A_510 = arith.constant 624 : i32
        %add3A_511 = arith.addi %mul3A_509, %add3A_510 : i32
        %swap3A_512 = arith.index_cast %add3A_511 : i32 to index
        %swap3A_513 = tpu.vector_load %arg9[%swap3A_512] {strides = array<i32>} : memref<4096xf32, #tpu.memory_space<vmem>>, vector<16xf32>,
        tpu.vector_store %arg9[%swap3A_512], %gather3A_465 {strides = array<i32>} : memref<4096xf32, #tpu.memory_space<vmem>>, vector<16xf32>,
        %get3A_514 = arith.index_cast %scan3A_101 : i32 to index
        %get3A_515 = arith.constant 640 : index
        %get3A_516 = tpu.vector_load %arg8[%get3A_514, %get3A_515] {strides = array<i32>} : memref<20x1024xi32, #tpu.memory_space<vmem>>, vector<16xi32>,
        %get3A_517 = arith.index_cast %scan3A_101 : i32 to index
        %get3A_518 = arith.constant 656 : index
        %get3A_519 = tpu.vector_load %arg8[%get3A_517, %get3A_518] {strides = array<i32>} : memref<20x1024xi32, #tpu.memory_space<vmem>>, vector<16xi32>,
        %get3A_520 = arith.index_cast %scan3A_101 : i32 to index
        %get3A_521 = arith.constant 672 : index
        %get3A_522 = tpu.vector_load %arg8[%get3A_520, %get3A_521] {strides = array<i32>} : memref<20x1024xi32, #tpu.memory_space<vmem>>, vector<16xi32>,
        %get3A_523 = arith.index_cast %scan3A_101 : i32 to index
        %get3A_524 = arith.constant 688 : index
        %get3A_525 = tpu.vector_load %arg8[%get3A_523, %get3A_524] {strides = array<i32>} : memref<20x1024xi32, #tpu.memory_space<vmem>>, vector<16xi32>,
        %get3A_526 = arith.index_cast %scan3A_101 : i32 to index
        %get3A_527 = arith.constant 704 : index
        %get3A_528 = tpu.vector_load %arg8[%get3A_526, %get3A_527] {strides = array<i32>} : memref<20x1024xi32, #tpu.memory_space<vmem>>, vector<16xi32>,
        %get3A_529 = arith.index_cast %scan3A_101 : i32 to index
        %get3A_530 = arith.constant 720 : index
        %get3A_531 = tpu.vector_load %arg8[%get3A_529, %get3A_530] {strides = array<i32>} : memref<20x1024xi32, #tpu.memory_space<vmem>>, vector<16xi32>,
        %get3A_532 = arith.index_cast %scan3A_101 : i32 to index
        %get3A_533 = arith.constant 736 : index
        %get3A_534 = tpu.vector_load %arg8[%get3A_532, %get3A_533] {strides = array<i32>} : memref<20x1024xi32, #tpu.memory_space<vmem>>, vector<16xi32>,
        %get3A_535 = arith.index_cast %scan3A_101 : i32 to index
        %get3A_536 = arith.constant 752 : index
        %get3A_537 = tpu.vector_load %arg8[%get3A_535, %get3A_536] {strides = array<i32>} : memref<20x1024xi32, #tpu.memory_space<vmem>>, vector<16xi32>,
        %gather3A_538 = tpu.vector_load_idx %arg7[%get3A_516] : memref<100000xf32, #tpu.memory_space<vmem>>[vector<16xi32>], vector<16xf32>,
        %gather3A_539 = tpu.vector_load_idx %arg7[%get3A_519] : memref<100000xf32, #tpu.memory_space<vmem>>[vector<16xi32>], vector<16xf32>,
        %gather3A_540 = tpu.vector_load_idx %arg7[%get3A_522] : memref<100000xf32, #tpu.memory_space<vmem>>[vector<16xi32>], vector<16xf32>,
        %gather3A_541 = tpu.vector_load_idx %arg7[%get3A_525] : memref<100000xf32, #tpu.memory_space<vmem>>[vector<16xi32>], vector<16xf32>,
        %gather3A_542 = tpu.vector_load_idx %arg7[%get3A_528] : memref<100000xf32, #tpu.memory_space<vmem>>[vector<16xi32>], vector<16xf32>,
        %gather3A_543 = tpu.vector_load_idx %arg7[%get3A_531] : memref<100000xf32, #tpu.memory_space<vmem>>[vector<16xi32>], vector<16xf32>,
        %gather3A_544 = tpu.vector_load_idx %arg7[%get3A_534] : memref<100000xf32, #tpu.memory_space<vmem>>[vector<16xi32>], vector<16xf32>,
        %gather3A_545 = tpu.vector_load_idx %arg7[%get3A_537] : memref<100000xf32, #tpu.memory_space<vmem>>[vector<16xi32>], vector<16xf32>,
        %mul3A_546 = arith.constant 1024 : i32
        %mul3A_547 = arith.muli %rem3A_104, %mul3A_546 : i32
        %add3A_548 = arith.constant 640 : i32
        %add3A_549 = arith.addi %mul3A_547, %add3A_548 : i32
        %swap3A_550 = arith.index_cast %add3A_549 : i32 to index
        %swap3A_551 = tpu.vector_load %arg9[%swap3A_550] {strides = array<i32>} : memref<4096xf32, #tpu.memory_space<vmem>>, vector<16xf32>,
        tpu.vector_store %arg9[%swap3A_550], %gather3A_538 {strides = array<i32>} : memref<4096xf32, #tpu.memory_space<vmem>>, vector<16xf32>,
        %mul3A_552 = arith.constant 1024 : i32
        %mul3A_553 = arith.muli %rem3A_104, %mul3A_552 : i32
        %add3A_554 = arith.constant 656 : i32
        %add3A_555 = arith.addi %mul3A_553, %add3A_554 : i32
        %swap3A_556 = arith.index_cast %add3A_555 : i32 to index
        %swap3A_557 = tpu.vector_load %arg9[%swap3A_556] {strides = array<i32>} : memref<4096xf32, #tpu.memory_space<vmem>>, vector<16xf32>,
        tpu.vector_store %arg9[%swap3A_556], %gather3A_539 {strides = array<i32>} : memref<4096xf32, #tpu.memory_space<vmem>>, vector<16xf32>,
        %mul3A_558 = arith.constant 1024 : i32
        %mul3A_559 = arith.muli %rem3A_104, %mul3A_558 : i32
        %add3A_560 = arith.constant 672 : i32
        %add3A_561 = arith.addi %mul3A_559, %add3A_560 : i32
        %swap3A_562 = arith.index_cast %add3A_561 : i32 to index
        %swap3A_563 = tpu.vector_load %arg9[%swap3A_562] {strides = array<i32>} : memref<4096xf32, #tpu.memory_space<vmem>>, vector<16xf32>,
        tpu.vector_store %arg9[%swap3A_562], %gather3A_540 {strides = array<i32>} : memref<4096xf32, #tpu.memory_space<vmem>>, vector<16xf32>,
        %mul3A_564 = arith.constant 1024 : i32
        %mul3A_565 = arith.muli %rem3A_104, %mul3A_564 : i32
        %add3A_566 = arith.constant 688 : i32
        %add3A_567 = arith.addi %mul3A_565, %add3A_566 : i32
        %swap3A_568 = arith.index_cast %add3A_567 : i32 to index
        %swap3A_569 = tpu.vector_load %arg9[%swap3A_568] {strides = array<i32>} : memref<4096xf32, #tpu.memory_space<vmem>>, vector<16xf32>,
        tpu.vector_store %arg9[%swap3A_568], %gather3A_541 {strides = array<i32>} : memref<4096xf32, #tpu.memory_space<vmem>>, vector<16xf32>,
        %mul3A_570 = arith.constant 1024 : i32
        %mul3A_571 = arith.muli %rem3A_104, %mul3A_570 : i32
        %add3A_572 = arith.constant 704 : i32
        %add3A_573 = arith.addi %mul3A_571, %add3A_572 : i32
        %swap3A_574 = arith.index_cast %add3A_573 : i32 to index
        %swap3A_575 = tpu.vector_load %arg9[%swap3A_574] {strides = array<i32>} : memref<4096xf32, #tpu.memory_space<vmem>>, vector<16xf32>,
        tpu.vector_store %arg9[%swap3A_574], %gather3A_542 {strides = array<i32>} : memref<4096xf32, #tpu.memory_space<vmem>>, vector<16xf32>,
        %mul3A_576 = arith.constant 1024 : i32
        %mul3A_577 = arith.muli %rem3A_104, %mul3A_576 : i32
        %add3A_578 = arith.constant 720 : i32
        %add3A_579 = arith.addi %mul3A_577, %add3A_578 : i32
        %swap3A_580 = arith.index_cast %add3A_579 : i32 to index
        %swap3A_581 = tpu.vector_load %arg9[%swap3A_580] {strides = array<i32>} : memref<4096xf32, #tpu.memory_space<vmem>>, vector<16xf32>,
        tpu.vector_store %arg9[%swap3A_580], %gather3A_543 {strides = array<i32>} : memref<4096xf32, #tpu.memory_space<vmem>>, vector<16xf32>,
        %mul3A_582 = arith.constant 1024 : i32
        %mul3A_583 = arith.muli %rem3A_104, %mul3A_582 : i32
        %add3A_584 = arith.constant 736 : i32
        %add3A_585 = arith.addi %mul3A_583, %add3A_584 : i32
        %swap3A_586 = arith.index_cast %add3A_585 : i32 to index
        %swap3A_587 = tpu.vector_load %arg9[%swap3A_586] {strides = array<i32>} : memref<4096xf32, #tpu.memory_space<vmem>>, vector<16xf32>,
        tpu.vector_store %arg9[%swap3A_586], %gather3A_544 {strides = array<i32>} : memref<4096xf32, #tpu.memory_space<vmem>>, vector<16xf32>,
        %mul3A_588 = arith.constant 1024 : i32
        %mul3A_589 = arith.muli %rem3A_104, %mul3A_588 : i32
        %add3A_590 = arith.constant 752 : i32
        %add3A_591 = arith.addi %mul3A_589, %add3A_590 : i32
        %swap3A_592 = arith.index_cast %add3A_591 : i32 to index
        %swap3A_593 = tpu.vector_load %arg9[%swap3A_592] {strides = array<i32>} : memref<4096xf32, #tpu.memory_space<vmem>>, vector<16xf32>,
        tpu.vector_store %arg9[%swap3A_592], %gather3A_545 {strides = array<i32>} : memref<4096xf32, #tpu.memory_space<vmem>>, vector<16xf32>,
        %get3A_594 = arith.index_cast %scan3A_101 : i32 to index
        %get3A_595 = arith.constant 768 : index
        %get3A_596 = tpu.vector_load %arg8[%get3A_594, %get3A_595] {strides = array<i32>} : memref<20x1024xi32, #tpu.memory_space<vmem>>, vector<16xi32>,
        %get3A_597 = arith.index_cast %scan3A_101 : i32 to index
        %get3A_598 = arith.constant 784 : index
        %get3A_599 = tpu.vector_load %arg8[%get3A_597, %get3A_598] {strides = array<i32>} : memref<20x1024xi32, #tpu.memory_space<vmem>>, vector<16xi32>,
        %get3A_600 = arith.index_cast %scan3A_101 : i32 to index
        %get3A_601 = arith.constant 800 : index
        %get3A_602 = tpu.vector_load %arg8[%get3A_600, %get3A_601] {strides = array<i32>} : memref<20x1024xi32, #tpu.memory_space<vmem>>, vector<16xi32>,
        %get3A_603 = arith.index_cast %scan3A_101 : i32 to index
        %get3A_604 = arith.constant 816 : index
        %get3A_605 = tpu.vector_load %arg8[%get3A_603, %get3A_604] {strides = array<i32>} : memref<20x1024xi32, #tpu.memory_space<vmem>>, vector<16xi32>,
        %get3A_606 = arith.index_cast %scan3A_101 : i32 to index
        %get3A_607 = arith.constant 832 : index
        %get3A_608 = tpu.vector_load %arg8[%get3A_606, %get3A_607] {strides = array<i32>} : memref<20x1024xi32, #tpu.memory_space<vmem>>, vector<16xi32>,
        %get3A_609 = arith.index_cast %scan3A_101 : i32 to index
        %get3A_610 = arith.constant 848 : index
        %get3A_611 = tpu.vector_load %arg8[%get3A_609, %get3A_610] {strides = array<i32>} : memref<20x1024xi32, #tpu.memory_space<vmem>>, vector<16xi32>,
        %get3A_612 = arith.index_cast %scan3A_101 : i32 to index
        %get3A_613 = arith.constant 864 : index
        %get3A_614 = tpu.vector_load %arg8[%get3A_612, %get3A_613] {strides = array<i32>} : memref<20x1024xi32, #tpu.memory_space<vmem>>, vector<16xi32>,
        %get3A_615 = arith.index_cast %scan3A_101 : i32 to index
        %get3A_616 = arith.constant 880 : index
        %get3A_617 = tpu.vector_load %arg8[%get3A_615, %get3A_616] {strides = array<i32>} : memref<20x1024xi32, #tpu.memory_space<vmem>>, vector<16xi32>,
        %gather3A_618 = tpu.vector_load_idx %arg7[%get3A_596] : memref<100000xf32, #tpu.memory_space<vmem>>[vector<16xi32>], vector<16xf32>,
        %gather3A_619 = tpu.vector_load_idx %arg7[%get3A_599] : memref<100000xf32, #tpu.memory_space<vmem>>[vector<16xi32>], vector<16xf32>,
        %gather3A_620 = tpu.vector_load_idx %arg7[%get3A_602] : memref<100000xf32, #tpu.memory_space<vmem>>[vector<16xi32>], vector<16xf32>,
        %gather3A_621 = tpu.vector_load_idx %arg7[%get3A_605] : memref<100000xf32, #tpu.memory_space<vmem>>[vector<16xi32>], vector<16xf32>,
        %gather3A_622 = tpu.vector_load_idx %arg7[%get3A_608] : memref<100000xf32, #tpu.memory_space<vmem>>[vector<16xi32>], vector<16xf32>,
        %gather3A_623 = tpu.vector_load_idx %arg7[%get3A_611] : memref<100000xf32, #tpu.memory_space<vmem>>[vector<16xi32>], vector<16xf32>,
        %gather3A_624 = tpu.vector_load_idx %arg7[%get3A_614] : memref<100000xf32, #tpu.memory_space<vmem>>[vector<16xi32>], vector<16xf32>,
        %gather3A_625 = tpu.vector_load_idx %arg7[%get3A_617] : memref<100000xf32, #tpu.memory_space<vmem>>[vector<16xi32>], vector<16xf32>,
        %mul3A_626 = arith.constant 1024 : i32
        %mul3A_627 = arith.muli %rem3A_104, %mul3A_626 : i32
        %add3A_628 = arith.constant 768 : i32
        %add3A_629 = arith.addi %mul3A_627, %add3A_628 : i32
        %swap3A_630 = arith.index_cast %add3A_629 : i32 to index
        %swap3A_631 = tpu.vector_load %arg9[%swap3A_630] {strides = array<i32>} : memref<4096xf32, #tpu.memory_space<vmem>>, vector<16xf32>,
        tpu.vector_store %arg9[%swap3A_630], %gather3A_618 {strides = array<i32>} : memref<4096xf32, #tpu.memory_space<vmem>>, vector<16xf32>,
        %mul3A_632 = arith.constant 1024 : i32
        %mul3A_633 = arith.muli %rem3A_104, %mul3A_632 : i32
        %add3A_634 = arith.constant 784 : i32
        %add3A_635 = arith.addi %mul3A_633, %add3A_634 : i32
        %swap3A_636 = arith.index_cast %add3A_635 : i32 to index
        %swap3A_637 = tpu.vector_load %arg9[%swap3A_636] {strides = array<i32>} : memref<4096xf32, #tpu.memory_space<vmem>>, vector<16xf32>,
        tpu.vector_store %arg9[%swap3A_636], %gather3A_619 {strides = array<i32>} : memref<4096xf32, #tpu.memory_space<vmem>>, vector<16xf32>,
        %mul3A_638 = arith.constant 1024 : i32
        %mul3A_639 = arith.muli %rem3A_104, %mul3A_638 : i32
        %add3A_640 = arith.constant 800 : i32
        %add3A_641 = arith.addi %mul3A_639, %add3A_640 : i32
        %swap3A_642 = arith.index_cast %add3A_641 : i32 to index
        %swap3A_643 = tpu.vector_load %arg9[%swap3A_642] {strides = array<i32>} : memref<4096xf32, #tpu.memory_space<vmem>>, vector<16xf32>,
        tpu.vector_store %arg9[%swap3A_642], %gather3A_620 {strides = array<i32>} : memref<4096xf32, #tpu.memory_space<vmem>>, vector<16xf32>,
        %mul3A_644 = arith.constant 1024 : i32
        %mul3A_645 = arith.muli %rem3A_104, %mul3A_644 : i32
        %add3A_646 = arith.constant 816 : i32
        %add3A_647 = arith.addi %mul3A_645, %add3A_646 : i32
        %swap3A_648 = arith.index_cast %add3A_647 : i32 to index
        %swap3A_649 = tpu.vector_load %arg9[%swap3A_648] {strides = array<i32>} : memref<4096xf32, #tpu.memory_space<vmem>>, vector<16xf32>,
        tpu.vector_store %arg9[%swap3A_648], %gather3A_621 {strides = array<i32>} : memref<4096xf32, #tpu.memory_space<vmem>>, vector<16xf32>,
        %mul3A_650 = arith.constant 1024 : i32
        %mul3A_651 = arith.muli %rem3A_104, %mul3A_650 : i32
        %add3A_652 = arith.constant 832 : i32
        %add3A_653 = arith.addi %mul3A_651, %add3A_652 : i32
        %swap3A_654 = arith.index_cast %add3A_653 : i32 to index
        %swap3A_655 = tpu.vector_load %arg9[%swap3A_654] {strides = array<i32>} : memref<4096xf32, #tpu.memory_space<vmem>>, vector<16xf32>,
        tpu.vector_store %arg9[%swap3A_654], %gather3A_622 {strides = array<i32>} : memref<4096xf32, #tpu.memory_space<vmem>>, vector<16xf32>,
        %mul3A_656 = arith.constant 1024 : i32
        %mul3A_657 = arith.muli %rem3A_104, %mul3A_656 : i32
        %add3A_658 = arith.constant 848 : i32
        %add3A_659 = arith.addi %mul3A_657, %add3A_658 : i32
        %swap3A_660 = arith.index_cast %add3A_659 : i32 to index
        %swap3A_661 = tpu.vector_load %arg9[%swap3A_660] {strides = array<i32>} : memref<4096xf32, #tpu.memory_space<vmem>>, vector<16xf32>,
        tpu.vector_store %arg9[%swap3A_660], %gather3A_623 {strides = array<i32>} : memref<4096xf32, #tpu.memory_space<vmem>>, vector<16xf32>,
        %mul3A_662 = arith.constant 1024 : i32
        %mul3A_663 = arith.muli %rem3A_104, %mul3A_662 : i32
        %add3A_664 = arith.constant 864 : i32
        %add3A_665 = arith.addi %mul3A_663, %add3A_664 : i32
        %swap3A_666 = arith.index_cast %add3A_665 : i32 to index
        %swap3A_667 = tpu.vector_load %arg9[%swap3A_666] {strides = array<i32>} : memref<4096xf32, #tpu.memory_space<vmem>>, vector<16xf32>,
        tpu.vector_store %arg9[%swap3A_666], %gather3A_624 {strides = array<i32>} : memref<4096xf32, #tpu.memory_space<vmem>>, vector<16xf32>,
        %mul3A_668 = arith.constant 1024 : i32
        %mul3A_669 = arith.muli %rem3A_104, %mul3A_668 : i32
        %add3A_670 = arith.constant 880 : i32
        %add3A_671 = arith.addi %mul3A_669, %add3A_670 : i32
        %swap3A_672 = arith.index_cast %add3A_671 : i32 to index
        %swap3A_673 = tpu.vector_load %arg9[%swap3A_672] {strides = array<i32>} : memref<4096xf32, #tpu.memory_space<vmem>>, vector<16xf32>,
        tpu.vector_store %arg9[%swap3A_672], %gather3A_625 {strides = array<i32>} : memref<4096xf32, #tpu.memory_space<vmem>>, vector<16xf32>,
        %get3A_674 = arith.index_cast %scan3A_101 : i32 to index
        %get3A_675 = arith.constant 896 : index
        %get3A_676 = tpu.vector_load %arg8[%get3A_674, %get3A_675] {strides = array<i32>} : memref<20x1024xi32, #tpu.memory_space<vmem>>, vector<16xi32>,
        %get3A_677 = arith.index_cast %scan3A_101 : i32 to index
        %get3A_678 = arith.constant 912 : index
        %get3A_679 = tpu.vector_load %arg8[%get3A_677, %get3A_678] {strides = array<i32>} : memref<20x1024xi32, #tpu.memory_space<vmem>>, vector<16xi32>,
        %get3A_680 = arith.index_cast %scan3A_101 : i32 to index
        %get3A_681 = arith.constant 928 : index
        %get3A_682 = tpu.vector_load %arg8[%get3A_680, %get3A_681] {strides = array<i32>} : memref<20x1024xi32, #tpu.memory_space<vmem>>, vector<16xi32>,
        %get3A_683 = arith.index_cast %scan3A_101 : i32 to index
        %get3A_684 = arith.constant 944 : index
        %get3A_685 = tpu.vector_load %arg8[%get3A_683, %get3A_684] {strides = array<i32>} : memref<20x1024xi32, #tpu.memory_space<vmem>>, vector<16xi32>,
        %get3A_686 = arith.index_cast %scan3A_101 : i32 to index
        %get3A_687 = arith.constant 960 : index
        %get3A_688 = tpu.vector_load %arg8[%get3A_686, %get3A_687] {strides = array<i32>} : memref<20x1024xi32, #tpu.memory_space<vmem>>, vector<16xi32>,
        %get3A_689 = arith.index_cast %scan3A_101 : i32 to index
        %get3A_690 = arith.constant 976 : index
        %get3A_691 = tpu.vector_load %arg8[%get3A_689, %get3A_690] {strides = array<i32>} : memref<20x1024xi32, #tpu.memory_space<vmem>>, vector<16xi32>,
        %get3A_692 = arith.index_cast %scan3A_101 : i32 to index
        %get3A_693 = arith.constant 992 : index
        %get3A_694 = tpu.vector_load %arg8[%get3A_692, %get3A_693] {strides = array<i32>} : memref<20x1024xi32, #tpu.memory_space<vmem>>, vector<16xi32>,
        %get3A_695 = arith.index_cast %scan3A_101 : i32 to index
        %get3A_696 = arith.constant 1008 : index
        %get3A_697 = tpu.vector_load %arg8[%get3A_695, %get3A_696] {strides = array<i32>} : memref<20x1024xi32, #tpu.memory_space<vmem>>, vector<16xi32>,
        %gather3A_698 = tpu.vector_load_idx %arg7[%get3A_676] : memref<100000xf32, #tpu.memory_space<vmem>>[vector<16xi32>], vector<16xf32>,
        %gather3A_699 = tpu.vector_load_idx %arg7[%get3A_679] : memref<100000xf32, #tpu.memory_space<vmem>>[vector<16xi32>], vector<16xf32>,
        %gather3A_700 = tpu.vector_load_idx %arg7[%get3A_682] : memref<100000xf32, #tpu.memory_space<vmem>>[vector<16xi32>], vector<16xf32>,
        %gather3A_701 = tpu.vector_load_idx %arg7[%get3A_685] : memref<100000xf32, #tpu.memory_space<vmem>>[vector<16xi32>], vector<16xf32>,
        %gather3A_702 = tpu.vector_load_idx %arg7[%get3A_688] : memref<100000xf32, #tpu.memory_space<vmem>>[vector<16xi32>], vector<16xf32>,
        %gather3A_703 = tpu.vector_load_idx %arg7[%get3A_691] : memref<100000xf32, #tpu.memory_space<vmem>>[vector<16xi32>], vector<16xf32>,
        %gather3A_704 = tpu.vector_load_idx %arg7[%get3A_694] : memref<100000xf32, #tpu.memory_space<vmem>>[vector<16xi32>], vector<16xf32>,
        %gather3A_705 = tpu.vector_load_idx %arg7[%get3A_697] : memref<100000xf32, #tpu.memory_space<vmem>>[vector<16xi32>], vector<16xf32>,
        %mul3A_706 = arith.constant 1024 : i32
        %mul3A_707 = arith.muli %rem3A_104, %mul3A_706 : i32
        %add3A_708 = arith.constant 896 : i32
        %add3A_709 = arith.addi %mul3A_707, %add3A_708 : i32
        %swap3A_710 = arith.index_cast %add3A_709 : i32 to index
        %swap3A_711 = tpu.vector_load %arg9[%swap3A_710] {strides = array<i32>} : memref<4096xf32, #tpu.memory_space<vmem>>, vector<16xf32>,
        tpu.vector_store %arg9[%swap3A_710], %gather3A_698 {strides = array<i32>} : memref<4096xf32, #tpu.memory_space<vmem>>, vector<16xf32>,
        %mul3A_712 = arith.constant 1024 : i32
        %mul3A_713 = arith.muli %rem3A_104, %mul3A_712 : i32
        %add3A_714 = arith.constant 912 : i32
        %add3A_715 = arith.addi %mul3A_713, %add3A_714 : i32
        %swap3A_716 = arith.index_cast %add3A_715 : i32 to index
        %swap3A_717 = tpu.vector_load %arg9[%swap3A_716] {strides = array<i32>} : memref<4096xf32, #tpu.memory_space<vmem>>, vector<16xf32>,
        tpu.vector_store %arg9[%swap3A_716], %gather3A_699 {strides = array<i32>} : memref<4096xf32, #tpu.memory_space<vmem>>, vector<16xf32>,
        %mul3A_718 = arith.constant 1024 : i32
        %mul3A_719 = arith.muli %rem3A_104, %mul3A_718 : i32
        %add3A_720 = arith.constant 928 : i32
        %add3A_721 = arith.addi %mul3A_719, %add3A_720 : i32
        %swap3A_722 = arith.index_cast %add3A_721 : i32 to index
        %swap3A_723 = tpu.vector_load %arg9[%swap3A_722] {strides = array<i32>} : memref<4096xf32, #tpu.memory_space<vmem>>, vector<16xf32>,
        tpu.vector_store %arg9[%swap3A_722], %gather3A_700 {strides = array<i32>} : memref<4096xf32, #tpu.memory_space<vmem>>, vector<16xf32>,
        %mul3A_724 = arith.constant 1024 : i32
        %mul3A_725 = arith.muli %rem3A_104, %mul3A_724 : i32
        %add3A_726 = arith.constant 944 : i32
        %add3A_727 = arith.addi %mul3A_725, %add3A_726 : i32
        %swap3A_728 = arith.index_cast %add3A_727 : i32 to index
        %swap3A_729 = tpu.vector_load %arg9[%swap3A_728] {strides = array<i32>} : memref<4096xf32, #tpu.memory_space<vmem>>, vector<16xf32>,
        tpu.vector_store %arg9[%swap3A_728], %gather3A_701 {strides = array<i32>} : memref<4096xf32, #tpu.memory_space<vmem>>, vector<16xf32>,
        %mul3A_730 = arith.constant 1024 : i32
        %mul3A_731 = arith.muli %rem3A_104, %mul3A_730 : i32
        %add3A_732 = arith.constant 960 : i32
        %add3A_733 = arith.addi %mul3A_731, %add3A_732 : i32
        %swap3A_734 = arith.index_cast %add3A_733 : i32 to index
        %swap3A_735 = tpu.vector_load %arg9[%swap3A_734] {strides = array<i32>} : memref<4096xf32, #tpu.memory_space<vmem>>, vector<16xf32>,
        tpu.vector_store %arg9[%swap3A_734], %gather3A_702 {strides = array<i32>} : memref<4096xf32, #tpu.memory_space<vmem>>, vector<16xf32>,
        %mul3A_736 = arith.constant 1024 : i32
        %mul3A_737 = arith.muli %rem3A_104, %mul3A_736 : i32
        %add3A_738 = arith.constant 976 : i32
        %add3A_739 = arith.addi %mul3A_737, %add3A_738 : i32
        %swap3A_740 = arith.index_cast %add3A_739 : i32 to index
        %swap3A_741 = tpu.vector_load %arg9[%swap3A_740] {strides = array<i32>} : memref<4096xf32, #tpu.memory_space<vmem>>, vector<16xf32>,
        tpu.vector_store %arg9[%swap3A_740], %gather3A_703 {strides = array<i32>} : memref<4096xf32, #tpu.memory_space<vmem>>, vector<16xf32>,
        %mul3A_742 = arith.constant 1024 : i32
        %mul3A_743 = arith.muli %rem3A_104, %mul3A_742 : i32
        %add3A_744 = arith.constant 992 : i32
        %add3A_745 = arith.addi %mul3A_743, %add3A_744 : i32
        %swap3A_746 = arith.index_cast %add3A_745 : i32 to index
        %swap3A_747 = tpu.vector_load %arg9[%swap3A_746] {strides = array<i32>} : memref<4096xf32, #tpu.memory_space<vmem>>, vector<16xf32>,
        tpu.vector_store %arg9[%swap3A_746], %gather3A_704 {strides = array<i32>} : memref<4096xf32, #tpu.memory_space<vmem>>, vector<16xf32>,
        %mul3A_748 = arith.constant 1024 : i32
        %mul3A_749 = arith.muli %rem3A_104, %mul3A_748 : i32
        %add3A_750 = arith.constant 1008 : i32
        %add3A_751 = arith.addi %mul3A_749, %add3A_750 : i32
        %swap3A_752 = arith.index_cast %add3A_751 : i32 to index
        %swap3A_753 = tpu.vector_load %arg9[%swap3A_752] {strides = array<i32>} : memref<4096xf32, #tpu.memory_space<vmem>>, vector<16xf32>,
        tpu.vector_store %arg9[%swap3A_752], %gather3A_705 {strides = array<i32>} : memref<4096xf32, #tpu.memory_space<vmem>>, vector<16xf32>,
        %mul3A_754 = arith.constant 20 : i32
        %mul3A_755 = arith.muli %scan3A_101, %mul3A_754 : i32
        %add3A_756 = arith.addi %mul3A_755, %sub3A_84 : i32
        %mul3A_757 = arith.constant 1024 : i32
        %mul3A_758 = arith.muli %rem3A_104, %mul3A_757 : i32
        %dma_start3A_759 = tpu.memref_slice %arg9[%mul3A_758] : memref<4096xf32, #tpu.memory_space<vmem>> -> memref<1024xf32, #tpu.memory_space<vmem>>
        %dma_start3A_760 = arith.constant 0 : i32
        %dma_start3A_761 = tpu.memref_slice %arg6[%add3A_756, %dma_start3A_760] : memref<400x1024xf32, #tpu.memory_space<hbm>> -> memref<1x1024xf32, #tpu.memory_space<hbm>>
        %dma_start3A_762 = tpu.memref_squeeze %dma_start3A_761 : memref<1x1024xf32, #tpu.memory_space<hbm>> -> memref<1024xf32, #tpu.memory_space<hbm>>
        %dma_start3A_763 = arith.constant 0 : i32
        %dma_start3A_764 = tpu.memref_slice %arg6[%add3A_756, %dma_start3A_763] : memref<400x1024xf32, #tpu.memory_space<hbm>> -> memref<1x1024xf32, #tpu.memory_space<hbm>>
        %dma_start3A_765 = tpu.memref_squeeze %dma_start3A_764 : memref<1x1024xf32, #tpu.memory_space<hbm>> -> memref<1024xf32, #tpu.memory_space<hbm>>
        %dma_start3A_766 = tpu.memref_slice %arg9[%mul3A_758] : memref<4096xf32, #tpu.memory_space<vmem>> -> memref<1024xf32, #tpu.memory_space<vmem>>
        tpu.enqueue_dma source(%dma_start3A_766 : memref<1024xf32, #tpu.memory_space<vmem>>) target(%dma_start3A_765 : memref<1024xf32, #tpu.memory_space<hbm>>) target_semaphore(%arg11 : memref<!tpu.dma_semaphore, #tpu.memory_space<semaphore_mem>>)
        %add3A_767 = arith.constant 1 : i32
        %add3A_768 = arith.addi %scan3A_102, %add3A_767 : i32
        scf.yield %add3A_768 : i32
      }
      %scan3A_100 = arith.constant 20 : i32
    } else {
    }
    %dma_wait3A = arith.constant 0 : i32
    %dma_wait3A_36 = arith.constant 0 : i32
    %dma_wait3A_37 = arith.constant 0 : i32
    %dma_wait3A_38 = tpu.memref_slice %arg9[%dma_wait3A_37] : memref<4096xf32, #tpu.memory_space<vmem>> -> memref<1024xf32, #tpu.memory_space<vmem>>
    %dma_wait3A_39 = arith.constant 0 : i32
    %dma_wait3A_40 = tpu.memref_slice %arg5[%dma_wait3A, %dma_wait3A_36, %dma_wait3A_39] : memref<10x400x1024xf32, #tpu.memory_space<hbm>> -> memref<1x1x1024xf32, #tpu.memory_space<hbm>>
    %dma_wait3A_41 = tpu.memref_squeeze %dma_wait3A_40 : memref<1x1x1024xf32, #tpu.memory_space<hbm>> -> memref<1024xf32, #tpu.memory_space<hbm>>
    %dma_wait3A_42 = arith.constant 0 : i32
    %dma_wait3A_43 = tpu.memref_slice %arg5[%dma_wait3A, %dma_wait3A_36, %dma_wait3A_42] : memref<10x400x1024xf32, #tpu.memory_space<hbm>> -> memref<1x1x1024xf32, #tpu.memory_space<hbm>>
    %dma_wait3A_44 = tpu.memref_squeeze %dma_wait3A_43 : memref<1x1x1024xf32, #tpu.memory_space<hbm>> -> memref<1024xf32, #tpu.memory_space<hbm>>
    %dma_wait3A_45 = arith.constant 0 : i32
    %dma_wait3A_46 = tpu.memref_slice %arg9[%dma_wait3A_45] : memref<4096xf32, #tpu.memory_space<vmem>> -> memref<1024xf32, #tpu.memory_space<vmem>>
    tpu.wait_dma2 semaphore(%arg11 : memref<!tpu.dma_semaphore, #tpu.memory_space<semaphore_mem>>) src(%dma_wait3A_46 : memref<1024xf32, #tpu.memory_space<vmem>>) dst(%dma_wait3A_44 : memref<1024xf32, #tpu.memory_space<hbm>>)
    %dma_wait3A_47 = arith.constant 0 : i32
    %dma_wait3A_48 = arith.constant 0 : i32
    %dma_wait3A_49 = arith.constant 0 : i32
    %dma_wait3A_50 = tpu.memref_slice %arg9[%dma_wait3A_49] : memref<4096xf32, #tpu.memory_space<vmem>> -> memref<1024xf32, #tpu.memory_space<vmem>>
    %dma_wait3A_51 = arith.constant 0 : i32
    %dma_wait3A_52 = tpu.memref_slice %arg5[%dma_wait3A_47, %dma_wait3A_48, %dma_wait3A_51] : memref<10x400x1024xf32, #tpu.memory_space<hbm>> -> memref<1x1x1024xf32, #tpu.memory_space<hbm>>
    %dma_wait3A_53 = tpu.memref_squeeze %dma_wait3A_52 : memref<1x1x1024xf32, #tpu.memory_space<hbm>> -> memref<1024xf32, #tpu.memory_space<hbm>>
    %dma_wait3A_54 = arith.constant 0 : i32
    %dma_wait3A_55 = tpu.memref_slice %arg5[%dma_wait3A_47, %dma_wait3A_48, %dma_wait3A_54] : memref<10x400x1024xf32, #tpu.memory_space<hbm>> -> memref<1x1x1024xf32, #tpu.memory_space<hbm>>
    %dma_wait3A_56 = tpu.memref_squeeze %dma_wait3A_55 : memref<1x1x1024xf32, #tpu.memory_space<hbm>> -> memref<1024xf32, #tpu.memory_space<hbm>>
    %dma_wait3A_57 = arith.constant 0 : i32
    %dma_wait3A_58 = tpu.memref_slice %arg9[%dma_wait3A_57] : memref<4096xf32, #tpu.memory_space<vmem>> -> memref<1024xf32, #tpu.memory_space<vmem>>
    tpu.wait_dma2 semaphore(%arg11 : memref<!tpu.dma_semaphore, #tpu.memory_space<semaphore_mem>>) src(%dma_wait3A_58 : memref<1024xf32, #tpu.memory_space<vmem>>) dst(%dma_wait3A_56 : memref<1024xf32, #tpu.memory_space<hbm>>)
    %dma_wait3A_59 = arith.constant 0 : i32
    %dma_wait3A_60 = arith.constant 0 : i32
    %dma_wait3A_61 = arith.constant 0 : i32
    %dma_wait3A_62 = tpu.memref_slice %arg9[%dma_wait3A_61] : memref<4096xf32, #tpu.memory_space<vmem>> -> memref<1024xf32, #tpu.memory_space<vmem>>
    %dma_wait3A_63 = arith.constant 0 : i32
    %dma_wait3A_64 = tpu.memref_slice %arg5[%dma_wait3A_59, %dma_wait3A_60, %dma_wait3A_63] : memref<10x400x1024xf32, #tpu.memory_space<hbm>> -> memref<1x1x1024xf32, #tpu.memory_space<hbm>>
    %dma_wait3A_65 = tpu.memref_squeeze %dma_wait3A_64 : memref<1x1x1024xf32, #tpu.memory_space<hbm>> -> memref<1024xf32, #tpu.memory_space<hbm>>
    %dma_wait3A_66 = arith.constant 0 : i32
    %dma_wait3A_67 = tpu.memref_slice %arg5[%dma_wait3A_59, %dma_wait3A_60, %dma_wait3A_66] : memref<10x400x1024xf32, #tpu.memory_space<hbm>> -> memref<1x1x1024xf32, #tpu.memory_space<hbm>>
    %dma_wait3A_68 = tpu.memref_squeeze %dma_wait3A_67 : memref<1x1x1024xf32, #tpu.memory_space<hbm>> -> memref<1024xf32, #tpu.memory_space<hbm>>
    %dma_wait3A_69 = arith.constant 0 : i32
    %dma_wait3A_70 = tpu.memref_slice %arg9[%dma_wait3A_69] : memref<4096xf32, #tpu.memory_space<vmem>> -> memref<1024xf32, #tpu.memory_space<vmem>>
    tpu.wait_dma2 semaphore(%arg11 : memref<!tpu.dma_semaphore, #tpu.memory_space<semaphore_mem>>) src(%dma_wait3A_70 : memref<1024xf32, #tpu.memory_space<vmem>>) dst(%dma_wait3A_68 : memref<1024xf32, #tpu.memory_space<hbm>>)
    %dma_wait3A_71 = arith.constant 0 : i32
    %dma_wait3A_72 = arith.constant 0 : i32
    %dma_wait3A_73 = arith.constant 0 : i32
    %dma_wait3A_74 = tpu.memref_slice %arg9[%dma_wait3A_73] : memref<4096xf32, #tpu.memory_space<vmem>> -> memref<1024xf32, #tpu.memory_space<vmem>>
    %dma_wait3A_75 = arith.constant 0 : i32
    %dma_wait3A_76 = tpu.memref_slice %arg5[%dma_wait3A_71, %dma_wait3A_72, %dma_wait3A_75] : memref<10x400x1024xf32, #tpu.memory_space<hbm>> -> memref<1x1x1024xf32, #tpu.memory_space<hbm>>
    %dma_wait3A_77 = tpu.memref_squeeze %dma_wait3A_76 : memref<1x1x1024xf32, #tpu.memory_space<hbm>> -> memref<1024xf32, #tpu.memory_space<hbm>>
    %dma_wait3A_78 = arith.constant 0 : i32
    %dma_wait3A_79 = tpu.memref_slice %arg5[%dma_wait3A_71, %dma_wait3A_72, %dma_wait3A_78] : memref<10x400x1024xf32, #tpu.memory_space<hbm>> -> memref<1x1x1024xf32, #tpu.memory_space<hbm>>
    %dma_wait3A_80 = tpu.memref_squeeze %dma_wait3A_79 : memref<1x1x1024xf32, #tpu.memory_space<hbm>> -> memref<1024xf32, #tpu.memory_space<hbm>>
    %dma_wait3A_81 = arith.constant 0 : i32
    %dma_wait3A_82 = tpu.memref_slice %arg9[%dma_wait3A_81] : memref<4096xf32, #tpu.memory_space<vmem>> -> memref<1024xf32, #tpu.memory_space<vmem>>
    tpu.wait_dma2 semaphore(%arg11 : memref<!tpu.dma_semaphore, #tpu.memory_space<semaphore_mem>>) src(%dma_wait3A_82 : memref<1024xf32, #tpu.memory_space<vmem>>) dst(%dma_wait3A_80 : memref<1024xf32, #tpu.memory_space<hbm>>)
    return
  }
}

</mosaic_0001>

<sc_bundles>
// kernel: kernel.3.cloned.1.call-start
scs
__scs_entry_jumppad:
0x0: {  	(pc) =	sbr.rel $0x88, $3  }
0x1: {  	(tag) =	ssettag $0x0;
	lr =	simm.s32 $0x1  }
0x2: {  	[smem:$0x3F9E] =	sst lr;
	_ =	strace $0xD0000000  }
0x3: {  	_ = 	snop  }
0x4: {  	_ = 	snop  }
0x5: {  	_ = 	snop  }
0x6: {  	_ = 	snop  }
0x7: {  	_ = 	snop  }
__scs_overlays_trampoline_lowered:
0x8: {  	[smem:$0x3FAD] =	sst s0  }
0x9: {  	[smem:$0x3FAE] =	sst s1  }
0xa: {  	[smem:$0x3FAF] =	sst s2  }
0xb: {  	[smem:$0x3FB0] =	sst s3  }
0xc: {  	[smem:$0x3FB1] =	sst s4  }
0xd: {  	[smem:$0x3FB2] =	sst s5  }
0xe: {  	[smem:$0x3FB3] =	sst s6  }
0xf: {  	[smem:$0x3FB4] =	sst s7  }
0x10: {  	[smem:$0x3FB5] =	sst s8  }
0x11: {  	[smem:$0x3FB6] =	sst s9;
	s0 =	simm.s32 @!p0 $0x0  }
0x12: {  	s1 =	sld [smem:$0x3F9C];
	s0 =	simm.s32 @p0 $0x1  }
0x13: {  	[smem:$0x3FB7] =	sst s0;
	s0 =	simm.s32 @!p1 $0x0  }
0x14: {  	s2 =	sld [smem:$0x3F9B];
	s0 =	simm.s32 @p1 $0x1  }
0x15: {  	[smem:$0x3FB8] =	sst s0;
	s0 =	simm.s32 @!p2 $0x0  }
0x16: {  	s3 =	sld [smem:$0x3FDB];
	s0 =	simm.s32 @p2 $0x1  }
0x17: {  	s4 =	simm.s32 $0x1BF5;
	[smem:$0x3FBA] =	sst s0  }
0x18: {  	s0 =	sld [smem:$0x3F9D];
	_ =	swait.ge [sflag:s4], $0x0  }
0x19: {  	s7 =	sld [smem:$0x3F9E]  }
0x1a: {  	s8 =	sadd.s32 $0xFFFFE003, lr  }
0x1b: {  	s9 =	sadd.s32 $0xFFFFFEF7, lr;
	s5 =	simm.s32 $0xFFFFFFFF;
	p2 =	slt.u32 s8, $0xFFFFF086  }
0x1c: {  	p1 =	slt.u32 s9, $0xF7A;
	s5 =	simm.s32 @!p2 $0x0  }
0x1d: {  	s5 =	simm.s32 @p1 $0x1;
	p0 =	seq.s32 s7, s2  }
0x1e: {  	s7 =	smul.u32 @!p0 $0xF7A, s2;
	p2 =	seq.s32 @!p0 s5, $0x0  }
0x1f: {  	s9 =	smul.u32 $0xF7A, s1;
	s8 =	simm.s32 @!p0 $0x1BF5;
	p2 =	por !p2, p0  }
0x20: {  	[sflag:s8] =	ssyncset.s32 @!p0 $0xFFFFF086;
	s6 =	sadd.s32 @!p0 s3, s7;
	s7 =	simm.s32 @!p0 $0x108  }
0x21: {  	s3 =	sadd.s32 s3, s9;
	s6 =	sadd.s32 @!p0 $0x88, s6;
	s7 =	simm.s32 @p2 $0x1082  }
0x22: {  	[simem:s7], [sflag:s8] =	dma.local @!p0 [hbm:s6], $0xF7A  }
0x23: {  	s9 =	sor.u32 $0xD0000000, s2;
	s6 =	simm.s32 $0x108;
	_ =	swait.ge @!p0 [sflag:s8], $0x0  }
0x24: {  	s3 =	sadd.s32 $0x88, s3;
	s6 =	simm.s32 @!p1 $0x1082;
	[sflag:s4] =	ssyncset.s32 $0xFFFFF086  }
0x25: {  	[simem:s6], [sflag:s4] =	dma.local [hbm:s3], $0xF7A  }
0x26: {  	[smem:$0x3F9E] =	sst s1;
	(tag) =	ssettag s2;
	_ =	strace s9  }
0x27: {  	s1 =	sld [smem:$0x3FAE]  }
0x28: {  	s2 =	sld [smem:$0x3FAF]  }
0x29: {  	s4 =	sld [smem:$0x3FB1]  }
0x2a: {  	p0 =	seq.s32 s5, $0x0;
	s5 =	sld [smem:$0x3FB2]  }
0x2b: {  	s6 =	sld [smem:$0x3FB3]  }
0x2c: {  	s7 =	sld [smem:$0x3FB4]  }
0x2d: {  	s3 =	simm.s32 $0x108;
	s8 =	sld [smem:$0x3FB5]  }
0x2e: {  	s3 =	simm.s32 @!p0 $0x1082;
	s9 =	sld [smem:$0x3FB6]  }
0x2f: {  	lr =	sadd.s32 s0, s3;
	s0 =	sld [smem:$0x3FAD]  }
0x30: {  	s3 =	sld [smem:$0x3FB0]  }
0x31: {  	[smem:$0x3FB9] =	sst s10  }
0x32: {  	s10 =	sld [smem:$0x3FB7];
	_ =	sdelay $0x3  }
0x33: {  	p0 =	seq.s32 s10, $0x1;
	s10 =	sld [smem:$0x3FB9];
	_ =	sdelay $0x3  }
0x34: {  	[smem:$0x3FB9] =	sst s10  }
0x35: {  	s10 =	sld [smem:$0x3FB8];
	_ =	sdelay $0x3  }
0x36: {  	p1 =	seq.s32 s10, $0x1;
	s10 =	sld [smem:$0x3FB9];
	_ =	sdelay $0x3  }
0x37: {  	[smem:$0x3FB9] =	sst s10  }
0x38: {  	s10 =	sld [smem:$0x3FBA]  }
0x39: {  	_ = 	snop;
	(pc) =	sbr.ind lr, $3  }
0x3a: {  	_ = 	snop  }
0x3b: {  	_ = 	snop  }
0x3c: {  	p2 =	seq.s32 s10, $0x1;
	s10 =	sld [smem:$0x3FB9]  }
0x3d: {  	_ =	shalt  }
0x3e: {  	_ =	shalt  }
0x3f: {  	_ =	shalt  }
0x40: {  	_ =	shalt  }
0x41: {  	_ =	shalt  }
0x42: {  	_ =	shalt  }
0x43: {  	_ =	shalt  }
0x44: {  	_ =	shalt  }
0x45: {  	_ =	shalt  }
0x46: {  	_ =	shalt  }
0x47: {  	_ =	shalt  }
0x48: {  	_ =	shalt  }
0x49: {  	_ =	shalt  }
0x4a: {  	_ =	shalt  }
0x4b: {  	_ =	shalt  }
0x4c: {  	_ =	shalt  }
0x4d: {  	_ =	shalt  }
0x4e: {  	_ =	shalt  }
0x4f: {  	_ =	shalt  }
0x50: {  	_ =	shalt  }
0x51: {  	_ =	shalt  }
0x52: {  	_ =	shalt  }
0x53: {  	_ =	shalt  }
0x54: {  	_ =	shalt  }
0x55: {  	_ =	shalt  }
0x56: {  	_ =	shalt  }
0x57: {  	_ =	shalt  }
0x58: {  	_ =	shalt  }
0x59: {  	_ =	shalt  }
0x5a: {  	_ =	shalt  }
0x5b: {  	_ =	shalt  }
0x5c: {  	_ =	shalt  }
0x5d: {  	_ =	shalt  }
0x5e: {  	_ =	shalt  }
0x5f: {  	_ =	shalt  }
0x60: {  	_ =	shalt  }
0x61: {  	_ =	shalt  }
0x62: {  	_ =	shalt  }
0x63: {  	_ =	shalt  }
0x64: {  	_ =	shalt  }
0x65: {  	_ =	shalt  }
0x66: {  	_ =	shalt  }
0x67: {  	_ =	shalt  }
0x68: {  	_ =	shalt  }
0x69: {  	_ =	shalt  }
0x6a: {  	_ =	shalt  }
0x6b: {  	_ =	shalt  }
0x6c: {  	_ =	shalt  }
0x6d: {  	_ =	shalt  }
0x6e: {  	_ =	shalt  }
0x6f: {  	_ =	shalt  }
0x70: {  	_ =	shalt  }
0x71: {  	_ =	shalt  }
0x72: {  	_ =	shalt  }
0x73: {  	_ =	shalt  }
0x74: {  	_ =	shalt  }
0x75: {  	_ =	shalt  }
0x76: {  	_ =	shalt  }
0x77: {  	_ =	shalt  }
0x78: {  	_ =	shalt  }
0x79: {  	_ =	shalt  }
0x7a: {  	_ =	shalt  }
0x7b: {  	_ =	shalt  }
0x7c: {  	_ =	shalt  }
0x7d: {  	_ =	shalt  }
0x7e: {  	_ =	shalt  }
0x7f: {  	_ =	shalt  }
0x80: {  	_ =	shalt  }
0x81: {  	_ =	shalt  }
0x82: {  	_ =	shalt  }
0x83: {  	_ =	shalt  }
0x84: {  	_ =	shalt  }
0x85: {  	_ =	shalt  }
0x86: {  	_ =	shalt  }
0x87: {  	_ =	shalt  }
.Lfunc_end0:
.L_simem_size_0:
called_computation_lowered:
.L_overlay_start_0:
0x88: {  	s2 =	sld [smem:$0x3FD9]  }
0x89: {  	s3 =	sld [smem:$0x3FFE];
	_ =	sdelay $0x1  }
0x8a: {  	s1 =	srdreg.scid  }
0x8b: {  	s0 =	sand.u32 $0x1, s1  }
0x8c: {  	s14 =	sshll.u32 s0, $0xA;
	s2 =	sadd.s32 s3, s2  }
0x8d: {  	s2 =	sadd.s32 s2, s14  }
0x8e: {  	[smem:$0x3FC5] =	sst s2  }
0x8f: {  	_ = 	snop  }
0x90: {  	s2 =	sld [smem:$0x3FD0];
	_ =	sdelay $0x1  }
0x91: {  	s15 =	sld [smem:$0x3FC9]  }
0x92: {  	s5 =	simm.s32 $0xA;
	s6 =	simm.s32 $0x10;
	s4 =	sld [smem:$0x3FC8]  }
0x93: {  	[smem:s6], [sflag:s5] =	dma.local [hbm:s2], $0x1  }
0x94: {  	_ =	swait.eq [sflag:s5], $0x1  }
0x95: {  	[sflag:s5] =	ssyncset.done $0x0  }
0x96: {  	s16 =	sld [smem:$0x10];
	[sflag:s5] =	ssyncadd.s32 $0xFFFFFFFF  }
0x97: {  	s17 =	sld [smem:$0x11];
	(tm) =	ssettm $0x1  }
0x98: {  	s18 =	sld [smem:$0x3FFB];
	_ =	sdelay $0x3  }
0x99: {  	_ =	strace s18  }
0x9a: {  	s6 =	sld [smem:$0x3FFC];
	_ =	sdelay $0x3  }
0x9b: {  	_ =	strace s6  }
0x9c: {  	s6 =	sld [smem:$0x3FFD];
	_ =	sdelay $0x3  }
0x9d: {  	_ =	strace s6  }
0x9e: {  	_ =	strace $0x8FFFFFFF  }
0x9f: {  	s19 =	sld [smem:$0x3FDB];
	_ =	sdelay $0x1  }
0xa0: {  	s7 =	simm.s32 $_scs_section_size  }
0xa1: {  	s8 =	simm.s32 $_size__tile_overlayer_lowered;
	s9 =	simm.s32 $_tile_overlayer_lowered  }
0xa2: {  	s22 =	simm.s32 $0x1BFF;
	s21 =	sshll.u32 s9, $0x1;
	s6 =	sadd.s32 s7, s19  }
0xa3: {  	s10 =	simm.s32 $0x0;
	s20 =	sshll.u32 s8, $0x1;
	s8 =	sadd.s32 s21, s6  }
0xa4: {  	[timem:s10], [sflag:s22] =	dma.local [hbm:s8], s20  }
0xa5: {  	_ =	swait.ge [sflag:s22], s20  }
0xa6: {  	s7 =	ssub.s32 $0x0, s20;
	[sflag:s22] =	ssyncset.done $0x0  }
0xa7: {  	[sflag:s22] =	ssyncadd.s32 s7;
	_ =	sdelay $0x1  }
0xa8: {  	s23 =	simm.s32 $0x1B8B  }
0xa9: {  	_ =	swait.ge [sflag:s23], $0x1  }
0xaa: {  	[sflag:s23] =	ssyncset.done $0x0  }
0xab: {  	s25 =	simm.s32 $0x1B8E;
	s24 =	sld [smem:$0x3FFE];
	[sflag:s23] =	ssyncadd.s32 $0xFFFFFFFF  }
0xac: {  	s26 =	simm.s32 $execute0_lowered;
	[smem:$0x3FD2] =	sst s25  }
0xad: {  	s8 =	sshll.u32 s26, $0x1;
	_ =	strace $0x80000046;
	[dreg:$0x1] =	wrdreg $0xFFFFFFFF  }
0xae: {  	s28 =	simm.s32 $_size_execute0_lowered;
	s6 =	sadd.s32 s6, s8;
	[dreg:$0x0] =	wrdreg $0x0  }
0xaf: {  	s8 =	sshll.u32 s28, $0x1;
	[dreg:$0x2] =	wrdreg s6  }
0xb0: {  	[dreg:$0x3] =	wrdreg s8  }
0xb1: {  	[dreg:$0x4] =	wrdreg $0xC0  }
0xb2: {  	_ =	task [dreg:s10], $0x5FFFF  }
0xb3: {  	[dreg:$0x1] =	wrdreg $0xFFFFFFFF  }
0xb4: {  	[dreg:$0x0] =	wrdreg $0x60  }
0xb5: {  	[dreg:$0x2] =	wrdreg s15  }
0xb6: {  	[dreg:$0x3] =	wrdreg s4  }
0xb7: {  	[dreg:$0x4] =	wrdreg s24  }
0xb8: {  	[dreg:$0x5] =	wrdreg s16  }
0xb9: {  	[dreg:$0x6] =	wrdreg s17  }
0xba: {  	[dreg:$0x7] =	wrdreg $0x9  }
0xbb: {  	_ =	task.clear_ibuf [dreg:s10], $0x8FFFF;
	_ =	strace $0x90000046  }
0xbc: {  	s29 =	simm.s32 $0x9;
	_ =	strace $0x80000048  }
0xbd: {  	_ =	swait.ge [sflag:s29], $0x1  }
0xbe: {  	[sflag:s29] =	ssyncadd.s32 $0xFFFFFFFF  }
0xbf: {  	_ =	strace $0x90000048  }
0xc0: {  	_ =	sfence  }
0xc1: {  	s30 =	sld [smem:$0x0];
	_ =	sdelay $0x2  }
0xc2: {  	s31 =	sshll.u32 s1, $0xD;
	s1 =	sshrl.u32 s1, $0x2  }
0xc3: {  	s3 =	sand.u32 $0x4000, s31;
	s1 =	sadd.s32 s1, s30  }
0xc4: {  	s0 =	sor.u32 s3, s0;
	s1 =	sshll.u32 s1, $0x11  }
0xc5: {  	s0 =	sor.u32 s1, s0  }
0xc6: {  	s0 =	sadd.s32 $0x8F2B, s0  }
0xc7: {  	[sflag:s0] =	ssyncadd.remote.s32 $0x1  }
0xc8: {  	_ =	sfence.sel $0xFFFF  }
0xc9: {  	[dreg:$0x0] =	wrdreg $0xFFFFFFFF;
	(pc) =	sbr.abs _section_cstart, $3  }
0xca: {  	[dreg:$0x1] =	wrdreg $0xFFFFFFFF  }
0xcb: {  	_ =	task.clear_ibuf [dreg:s10], $0x2FFFF;
	_ =	strace $0x9FFFFFFF  }
0xcc: {  	(tm) =	ssettm $0x7FFFFFFF  }
0xcd: {  	_ =	shalt  }
tec
execute0_lowered:
.L_overlay_start_1:
0x0: {  	(tag) =	ssettag $0x1  }
0x1: {  	s1 =	rddreg [dreg:$0x0]  }
0x2: {  	s2 =	rddreg [dreg:$0x1]  }
0x3: {  	s3 =	srdreg.scid;
	s7 =	rddreg [dreg:$0x2]  }
0x4: {  	s0 =	stileid.u32;
	s4 =	rddreg [dreg:$0x3]  }
0x5: {  	s5 =	rddreg [dreg:$0x4];
	s11 =	simm.s32 $0x18700;
	s12 =	simm.s32 $0x3  }
0x6: {  	s13 =	simm.s32 $0x1;
	s14 =	simm.s32 $0x80;
	s15 =	simm.s32 $0x400  }
0x7: {  	s6 =	sand.u32 $0x1, s3;
	s26 =	sshll.u32 s0, $0x1;
	[dreg:$0x7] =	wrdreg s4  }
0x8: {  	s17 =	simm.s32 $0x0;
	[dreg:$0x8] =	wrdreg s5;
	s3 =	sor.u32 s6, s26  }
0x9: {  	s4 =	rddreg [dreg:$0x5];
	s5 =	simm.s32 $0x0;
	s16 =	sadd.s32 $0xFFFFFFF8, s3  }
0xa: {  	[smem:$0x7FF] =	sst s5;
	s6 =	ssub.s32 $0x2, s6;
	s28 =	sshrl.u32 s16, $0x3  }
0xb: {  	s29 =	sshll.u32 s3, $0x7;
	_ =	strace $0x80000047;
	s8 =	smul.u32 $0xC3800, s28  }
.Ltmp0:
0xc: {  	s30 =	sshrl.u32 s6, $0x1;
	s9 =	sand.u32 $0x380, s29;
	(pc) =	sbr.rel .LBB2_1-.Ltmp0, $4  }
0xd: {  	s31 =	ssub.s32 $0xC7, s3;
	s10 =	sshll.u32 s16, $0x7;
	s8 =	sor.u32 s9, s8  }
0xe: {  	p0 =	sgt.u32 s16, $0x13;
	s9 =	sshll.u32 s16, $0x4;
	s8 =	sshrl.u32 s8, $0x3  }
0xf: {  	s16 =	simm.s32 $0x2;
	s7 =	sadd.s32 s8, s7;
	s8 =	ssub.s32 s6, s30  }
0x10: {  	s6 =	sadd.s32 $0x800, s7;
	s7 =	sshrl.u32 s31, $0x5;
	s8 =	smax.u32 s8, $0x1  }
.LBB2_8:
0x11: {  	_ =	swait.ge [sflag:s16], $0x400  }
0x12: {  	[sflag:s16] =	ssyncset.done $0x0  }
0x13: {  	[sflag:s16] =	ssyncadd.s32 $0xFFFFFC00  }
0x14: {  	_ =	swait.ge [sflag:s16], $0x400  }
0x15: {  	[sflag:s16] =	ssyncset.done $0x0  }
0x16: {  	s17 =	sadd.s32 $0x1, s17;
	[sflag:s16] =	ssyncadd.s32 $0xFFFFFC00  }
0x17: {  	p1 =	sne.s32 s17, s8;
	_ =	swait.ge [sflag:s16], $0x400  }
.Ltmp1:
0x18: {  	[sflag:s16] =	ssyncset.done $0x0;
	(pc) =	sbr.rel @!p1 .LBB2_9-.Ltmp1, $4  }
0x19: {  	[sflag:s16] =	ssyncadd.s32 $0xFFFFFC00  }
0x1a: {  	_ =	swait.ge [sflag:s16], $0x400  }
0x1b: {  	[sflag:s16] =	ssyncset.done $0x0  }
0x1c: {  	[sflag:s16] =	ssyncadd.s32 $0xFFFFFC00  }
.LBB2_1:
0x1d: {  	[tilespmem:s11], [sflag:$0x3] =	stream.linear.gather [hbm4b:s1+s5], $0x6000, $0x38;
	[tilespmem:$0x1F700] =	vst v63  }
0x1e: {  	_ =	swait.ge [sflag:s12], $0x6000  }
0x1f: {  	[sflag:s12] =	ssyncset.done $0x0  }
0x20: {  	s18 =	simm.s32 $0x0;
	s19 =	simm.s32 $0x0;
	[sflag:s12] =	ssyncadd.s32 $0xFFFFA000  }
.LBB2_2:
0x21: {  	s20 =	sshll.u32 s19, $0x5  }
0x22: {  	s22 =	sor.u32 s3, s20  }
0x23: {  	s20 =	smulhi.u32 $0x66666667, s22;
	s21 =	sshra.s32 s22, $0x1F  }
0x24: {  	s21 =	smul.u32 $0x66666667, s21;
	_ =	sdelay $0x1  }
0x25: {  	s20 =	sadd.s32 s21, s20  }
0x26: {  	s21 =	sshrl.u32 s20, $0x1F;
	s20 =	sshra.s32 s20, $0x3  }
0x27: {  	s20 =	sadd.s32 s21, s20  }
0x28: {  	s21 =	smul.u32 $0xFFFFFFEC, s20  }
0x29: {  	s23 =	ssub.s32 $0x0, s22  }
0x2a: {  	p1 =	slt.s32 s22, $0x1;
	p2 =	sne.s32 s21, s23  }
0x2b: {  	p1 =	por !p1, !p2  }
0x2c: {  	s21 =	simm.s32 $0x1;
	p1 =	por !p1, !p1  }
0x2d: {  	s21 =	simm.s32 @!p1 $0x0  }
0x2e: {  	s21 =	ssub.s32 s20, s21  }
0x2f: {  	s20 =	smul.u32 $0xFFFFFFEC, s21;
	_ =	sdelay $0x1  }
0x30: {  	s20 =	sadd.s32 s22, s20  }
0x31: {  	s26 =	smul.u32 $0x24A800, s21;
	s24 =	sshrl.u32 s20, $0x3  }
0x32: {  	s24 =	smul.u32 $0xC3800, s24  }
0x33: {  	s20 =	sshll.u32 s20, $0x7  }
0x34: {  	s20 =	sand.u32 $0x380, s20;
	s23 =	sadd.s32 s26, s24  }
0x35: {  	s29 =	smul.u32 $0x64000, s21;
	s20 =	sor.u32 s20, s23  }
0x36: {  	s31 =	sshll.u32 s22, $0x7;
	s30 =	smul.u32 $0xA00, s21;
	s20 =	sshrl.u32 s20, $0x3  }
0x37: {  	s25 =	smul.u32 $0x5000, s21;
	s28 =	sadd.s32 s2, s20;
	s20 =	simm.s32 $0x0  }
0x38: {  	[tilespmem:s20], [sflag:$0x1] =	stream.strided.gather [hbm4b:s28+s14], $0x18700, s15, s14, $0x38;
	[tilespmem:$0x1F700] =	vst v63  }
0x39: {  	s21 =	ssub.s32 s31, s30;
	s22 =	sshll.u32 s22, $0xA;
	_ =	swait.ge [sflag:s13], $0x18700  }
0x3a: {  	s22 =	ssub.s32 s22, s25;
	s24 =	simm.s32 $0x0;
	[sflag:s13] =	ssyncset.done $0x0  }
0x3b: {  	s23 =	simm.s32 $0x0;
	[dreg:$0x6] =	wrdreg s29;
	[sflag:s13] =	ssyncadd.s32 $0xFFFE7900  }
.LBB2_3:
0x3c: {  	p1 =	slt.s32 s18, $0x4  }
0x3d: {  	s25 =	simm.s32 @!p1 $0x2  }
0x3e: {  	_ =	swait.ge @!p1 [sflag:s25], $0x400  }
0x3f: {  	s26 =	sand.u32 $0x6000, s23;
	s28 =	sand.u32 $0x380, s24;
	[sflag:s25] =	ssyncset.done @!p1 $0x0  }
0x40: {  	s28 =	sor.u32 s28, s26;
	[sflag:s25] =	ssyncadd.s32 @!p1 $0xFFFFFC00  }
0x41: {  	s26 =	sadd.s32 $0x18700, s28;
	v0 =	vld [tilespmem:s28+$0x18700]  }
0x42: {  	v1 =	vld [tilespmem:s26+$0x10]  }
0x43: {  	v2 =	vld [tilespmem:s26+$0x20]  }
0x44: {  	v3 =	vld [tilespmem:s26+$0x30]  }
0x45: {  	v4 =	vld [tilespmem:s26+$0x40]  }
0x46: {  	v5 =	vld [tilespmem:s26+$0x50]  }
0x47: {  	v6 =	vld [tilespmem:s26+$0x60]  }
0x48: {  	v7 =	vld [tilespmem:s26+$0x70]  }
0x49: {  	s29 =	sshra.s32 s18, $0x1F;
	v0 =	vld.idx.msk [tilespmem:v0+s5+$0x0], $0xffff  }
0x4a: {  	s25 =	sshrl.u32 s29, $0x1E;
	v1 =	vld.idx.msk [tilespmem:v1+s5+$0x0], $0xffff  }
0x4b: {  	s25 =	sadd.s32 s25, s18;
	v2 =	vld.idx.msk [tilespmem:v2+s5+$0x0], $0xffff  }
0x4c: {  	s25 =	sand.u32 $0xFFFFFFFC, s25;
	v3 =	vld.idx.msk [tilespmem:v3+s5+$0x0], $0xffff  }
0x4d: {  	s25 =	ssub.s32 s18, s25;
	v4 =	vld.idx.msk [tilespmem:v4+s5+$0x0], $0xffff  }
0x4e: {  	s25 =	sshll.u32 s25, $0xC;
	v5 =	vld.idx.msk [tilespmem:v5+s5+$0x0], $0xffff  }
0x4f: {  	s25 =	sshra.s32 s25, $0x2;
	v6 =	vld.idx.msk [tilespmem:v6+s5+$0x0], $0xffff  }
0x50: {  	v7 =	vld.idx.msk [tilespmem:v7+s5+$0x0], $0xffff;
	[tilespmem:s25+$0x1E700] =	vst v0  }
0x51: {  	[tilespmem:s25+$0x1E710] =	vst v1  }
0x52: {  	[tilespmem:s25+$0x1E720] =	vst v2  }
0x53: {  	[tilespmem:s25+$0x1E730] =	vst v3  }
0x54: {  	[tilespmem:s25+$0x1E740] =	vst v4  }
0x55: {  	[tilespmem:s25+$0x1E750] =	vst v5  }
0x56: {  	[tilespmem:s25+$0x1E760] =	vst v6  }
0x57: {  	[tilespmem:s25+$0x1E770] =	vst v7  }
0x58: {  	v0 =	vld [tilespmem:s26+$0x400]  }
0x59: {  	v1 =	vld [tilespmem:s26+$0x410]  }
0x5a: {  	v2 =	vld [tilespmem:s26+$0x420]  }
0x5b: {  	v3 =	vld [tilespmem:s26+$0x430]  }
0x5c: {  	v4 =	vld [tilespmem:s26+$0x440]  }
0x5d: {  	v5 =	vld [tilespmem:s26+$0x450]  }
0x5e: {  	v6 =	vld [tilespmem:s26+$0x460]  }
0x5f: {  	v7 =	vld [tilespmem:s26+$0x470]  }
0x60: {  	v0 =	vld.idx.msk [tilespmem:v0+s5+$0x0], $0xffff  }
0x61: {  	v1 =	vld.idx.msk [tilespmem:v1+s5+$0x0], $0xffff  }
0x62: {  	v2 =	vld.idx.msk [tilespmem:v2+s5+$0x0], $0xffff  }
0x63: {  	v3 =	vld.idx.msk [tilespmem:v3+s5+$0x0], $0xffff  }
0x64: {  	v4 =	vld.idx.msk [tilespmem:v4+s5+$0x0], $0xffff  }
0x65: {  	v5 =	vld.idx.msk [tilespmem:v5+s5+$0x0], $0xffff  }
0x66: {  	v6 =	vld.idx.msk [tilespmem:v6+s5+$0x0], $0xffff  }
0x67: {  	v7 =	vld.idx.msk [tilespmem:v7+s5+$0x0], $0xffff;
	[tilespmem:s25+$0x1E780] =	vst v0  }
0x68: {  	[tilespmem:s25+$0x1E790] =	vst v1  }
0x69: {  	[tilespmem:s25+$0x1E7A0] =	vst v2  }
0x6a: {  	[tilespmem:s25+$0x1E7B0] =	vst v3  }
0x6b: {  	[tilespmem:s25+$0x1E7C0] =	vst v4  }
0x6c: {  	[tilespmem:s25+$0x1E7D0] =	vst v5  }
0x6d: {  	[tilespmem:s25+$0x1E7E0] =	vst v6  }
0x6e: {  	[tilespmem:s25+$0x1E7F0] =	vst v7  }
0x6f: {  	v0 =	vld [tilespmem:s26+$0x800]  }
0x70: {  	v1 =	vld [tilespmem:s26+$0x810]  }
0x71: {  	v2 =	vld [tilespmem:s26+$0x820]  }
0x72: {  	v3 =	vld [tilespmem:s26+$0x830]  }
0x73: {  	v4 =	vld [tilespmem:s26+$0x840]  }
0x74: {  	v5 =	vld [tilespmem:s26+$0x850]  }
0x75: {  	v6 =	vld [tilespmem:s26+$0x860]  }
0x76: {  	v7 =	vld [tilespmem:s26+$0x870]  }
0x77: {  	v0 =	vld.idx.msk [tilespmem:v0+s5+$0x0], $0xffff  }
0x78: {  	v1 =	vld.idx.msk [tilespmem:v1+s5+$0x0], $0xffff  }
0x79: {  	v2 =	vld.idx.msk [tilespmem:v2+s5+$0x0], $0xffff  }
0x7a: {  	v3 =	vld.idx.msk [tilespmem:v3+s5+$0x0], $0xffff  }
0x7b: {  	v4 =	vld.idx.msk [tilespmem:v4+s5+$0x0], $0xffff  }
0x7c: {  	v5 =	vld.idx.msk [tilespmem:v5+s5+$0x0], $0xffff  }
0x7d: {  	v6 =	vld.idx.msk [tilespmem:v6+s5+$0x0], $0xffff  }
0x7e: {  	v7 =	vld.idx.msk [tilespmem:v7+s5+$0x0], $0xffff;
	[tilespmem:s25+$0x1E800] =	vst v0  }
0x7f: {  	[tilespmem:s25+$0x1E810] =	vst v1  }
0x80: {  	[tilespmem:s25+$0x1E820] =	vst v2  }
0x81: {  	[tilespmem:s25+$0x1E830] =	vst v3  }
0x82: {  	[tilespmem:s25+$0x1E840] =	vst v4  }
0x83: {  	[tilespmem:s25+$0x1E850] =	vst v5  }
0x84: {  	[tilespmem:s25+$0x1E860] =	vst v6  }
0x85: {  	[tilespmem:s25+$0x1E870] =	vst v7  }
0x86: {  	v0 =	vld [tilespmem:s26+$0xC00]  }
0x87: {  	v1 =	vld [tilespmem:s26+$0xC10]  }
0x88: {  	v2 =	vld [tilespmem:s26+$0xC20]  }
0x89: {  	v3 =	vld [tilespmem:s26+$0xC30]  }
0x8a: {  	v4 =	vld [tilespmem:s26+$0xC40]  }
0x8b: {  	v5 =	vld [tilespmem:s26+$0xC50]  }
0x8c: {  	v6 =	vld [tilespmem:s26+$0xC60]  }
0x8d: {  	v7 =	vld [tilespmem:s26+$0xC70]  }
0x8e: {  	v0 =	vld.idx.msk [tilespmem:v0+s5+$0x0], $0xffff  }
0x8f: {  	v1 =	vld.idx.msk [tilespmem:v1+s5+$0x0], $0xffff  }
0x90: {  	v2 =	vld.idx.msk [tilespmem:v2+s5+$0x0], $0xffff  }
0x91: {  	v3 =	vld.idx.msk [tilespmem:v3+s5+$0x0], $0xffff  }
0x92: {  	v4 =	vld.idx.msk [tilespmem:v4+s5+$0x0], $0xffff  }
0x93: {  	v5 =	vld.idx.msk [tilespmem:v5+s5+$0x0], $0xffff  }
0x94: {  	v6 =	vld.idx.msk [tilespmem:v6+s5+$0x0], $0xffff  }
0x95: {  	v7 =	vld.idx.msk [tilespmem:v7+s5+$0x0], $0xffff;
	[tilespmem:s25+$0x1E880] =	vst v0  }
0x96: {  	[tilespmem:s25+$0x1E890] =	vst v1  }
0x97: {  	[tilespmem:s25+$0x1E8A0] =	vst v2  }
0x98: {  	[tilespmem:s25+$0x1E8B0] =	vst v3  }
0x99: {  	[tilespmem:s25+$0x1E8C0] =	vst v4  }
0x9a: {  	[tilespmem:s25+$0x1E8D0] =	vst v5  }
0x9b: {  	[tilespmem:s25+$0x1E8E0] =	vst v6  }
0x9c: {  	[tilespmem:s25+$0x1E8F0] =	vst v7  }
0x9d: {  	v0 =	vld [tilespmem:s26+$0x1000]  }
0x9e: {  	v1 =	vld [tilespmem:s26+$0x1010]  }
0x9f: {  	v2 =	vld [tilespmem:s26+$0x1020]  }
0xa0: {  	v3 =	vld [tilespmem:s26+$0x1030]  }
0xa1: {  	v4 =	vld [tilespmem:s26+$0x1040]  }
0xa2: {  	v5 =	vld [tilespmem:s26+$0x1050]  }
0xa3: {  	v6 =	vld [tilespmem:s26+$0x1060]  }
0xa4: {  	v7 =	vld [tilespmem:s26+$0x1070]  }
0xa5: {  	v0 =	vld.idx.msk [tilespmem:v0+s5+$0x0], $0xffff  }
0xa6: {  	v1 =	vld.idx.msk [tilespmem:v1+s5+$0x0], $0xffff  }
0xa7: {  	v2 =	vld.idx.msk [tilespmem:v2+s5+$0x0], $0xffff  }
0xa8: {  	v3 =	vld.idx.msk [tilespmem:v3+s5+$0x0], $0xffff  }
0xa9: {  	v4 =	vld.idx.msk [tilespmem:v4+s5+$0x0], $0xffff  }
0xaa: {  	v5 =	vld.idx.msk [tilespmem:v5+s5+$0x0], $0xffff  }
0xab: {  	v6 =	vld.idx.msk [tilespmem:v6+s5+$0x0], $0xffff  }
0xac: {  	v7 =	vld.idx.msk [tilespmem:v7+s5+$0x0], $0xffff;
	[tilespmem:s25+$0x1E900] =	vst v0  }
0xad: {  	[tilespmem:s25+$0x1E910] =	vst v1  }
0xae: {  	[tilespmem:s25+$0x1E920] =	vst v2  }
0xaf: {  	[tilespmem:s25+$0x1E930] =	vst v3  }
0xb0: {  	[tilespmem:s25+$0x1E940] =	vst v4  }
0xb1: {  	[tilespmem:s25+$0x1E950] =	vst v5  }
0xb2: {  	[tilespmem:s25+$0x1E960] =	vst v6  }
0xb3: {  	[tilespmem:s25+$0x1E970] =	vst v7  }
0xb4: {  	v0 =	vld [tilespmem:s26+$0x1400]  }
0xb5: {  	v1 =	vld [tilespmem:s26+$0x1410]  }
0xb6: {  	v2 =	vld [tilespmem:s26+$0x1420]  }
0xb7: {  	v3 =	vld [tilespmem:s26+$0x1430]  }
0xb8: {  	v4 =	vld [tilespmem:s26+$0x1440]  }
0xb9: {  	v5 =	vld [tilespmem:s26+$0x1450]  }
0xba: {  	v6 =	vld [tilespmem:s26+$0x1460]  }
0xbb: {  	v7 =	vld [tilespmem:s26+$0x1470]  }
0xbc: {  	v0 =	vld.idx.msk [tilespmem:v0+s5+$0x0], $0xffff  }
0xbd: {  	v1 =	vld.idx.msk [tilespmem:v1+s5+$0x0], $0xffff  }
0xbe: {  	v2 =	vld.idx.msk [tilespmem:v2+s5+$0x0], $0xffff  }
0xbf: {  	v3 =	vld.idx.msk [tilespmem:v3+s5+$0x0], $0xffff  }
0xc0: {  	v4 =	vld.idx.msk [tilespmem:v4+s5+$0x0], $0xffff  }
0xc1: {  	v5 =	vld.idx.msk [tilespmem:v5+s5+$0x0], $0xffff  }
0xc2: {  	v6 =	vld.idx.msk [tilespmem:v6+s5+$0x0], $0xffff  }
0xc3: {  	v7 =	vld.idx.msk [tilespmem:v7+s5+$0x0], $0xffff;
	[tilespmem:s25+$0x1E980] =	vst v0  }
0xc4: {  	[tilespmem:s25+$0x1E990] =	vst v1  }
0xc5: {  	[tilespmem:s25+$0x1E9A0] =	vst v2  }
0xc6: {  	[tilespmem:s25+$0x1E9B0] =	vst v3  }
0xc7: {  	[tilespmem:s25+$0x1E9C0] =	vst v4  }
0xc8: {  	[tilespmem:s25+$0x1E9D0] =	vst v5  }
0xc9: {  	[tilespmem:s25+$0x1E9E0] =	vst v6  }
0xca: {  	[tilespmem:s25+$0x1E9F0] =	vst v7  }
0xcb: {  	v0 =	vld [tilespmem:s26+$0x1800]  }
0xcc: {  	v1 =	vld [tilespmem:s26+$0x1810]  }
0xcd: {  	v2 =	vld [tilespmem:s26+$0x1820]  }
0xce: {  	v3 =	vld [tilespmem:s26+$0x1830]  }
0xcf: {  	v4 =	vld [tilespmem:s26+$0x1840]  }
0xd0: {  	v5 =	vld [tilespmem:s26+$0x1850]  }
0xd1: {  	v6 =	vld [tilespmem:s26+$0x1860]  }
0xd2: {  	v7 =	vld [tilespmem:s26+$0x1870]  }
0xd3: {  	v0 =	vld.idx.msk [tilespmem:v0+s5+$0x0], $0xffff  }
0xd4: {  	v1 =	vld.idx.msk [tilespmem:v1+s5+$0x0], $0xffff  }
0xd5: {  	v2 =	vld.idx.msk [tilespmem:v2+s5+$0x0], $0xffff  }
0xd6: {  	v3 =	vld.idx.msk [tilespmem:v3+s5+$0x0], $0xffff  }
0xd7: {  	v4 =	vld.idx.msk [tilespmem:v4+s5+$0x0], $0xffff  }
0xd8: {  	v5 =	vld.idx.msk [tilespmem:v5+s5+$0x0], $0xffff  }
0xd9: {  	v6 =	vld.idx.msk [tilespmem:v6+s5+$0x0], $0xffff  }
0xda: {  	v7 =	vld.idx.msk [tilespmem:v7+s5+$0x0], $0xffff;
	[tilespmem:s25+$0x1EA00] =	vst v0  }
0xdb: {  	[tilespmem:s25+$0x1EA10] =	vst v1  }
0xdc: {  	[tilespmem:s25+$0x1EA20] =	vst v2  }
0xdd: {  	[tilespmem:s25+$0x1EA30] =	vst v3  }
0xde: {  	s30 =	sand.u32 $0x7, s20;
	[tilespmem:s25+$0x1EA40] =	vst v4  }
0xdf: {  	s26 =	sshll.u32 s30, $0x7;
	[tilespmem:s25+$0x1EA50] =	vst v5  }
0xe0: {  	s26 =	sadd.s32 s26, s23;
	[tilespmem:s25+$0x1EA60] =	vst v6  }
0xe1: {  	s31 =	sor.u32 $0x1C00, s26;
	[tilespmem:s25+$0x1EA70] =	vst v7  }
0xe2: {  	s29 =	sor.u32 $0x1C10, s26;
	v0 =	vld [tilespmem:s31+$0x18700]  }
0xe3: {  	s30 =	sor.u32 $0x1C20, s26;
	v1 =	vld [tilespmem:s29+$0x18700]  }
0xe4: {  	v2 =	vld [tilespmem:s30+$0x18700];
	s31 =	sor.u32 $0x1C30, s26  }
0xe5: {  	s29 =	sor.u32 $0x1C40, s26;
	v3 =	vld [tilespmem:s31+$0x18700]  }
0xe6: {  	s30 =	sor.u32 $0x1C50, s26;
	v4 =	vld [tilespmem:s29+$0x18700]  }
0xe7: {  	v5 =	vld [tilespmem:s30+$0x18700];
	s31 =	sor.u32 $0x1C60, s26  }
0xe8: {  	s26 =	sor.u32 $0x1C70, s26;
	v6 =	vld [tilespmem:s31+$0x18700]  }
0xe9: {  	v7 =	vld [tilespmem:s26+$0x18700]  }
0xea: {  	v0 =	vld.idx.msk [tilespmem:v0+s5+$0x0], $0xffff  }
0xeb: {  	v1 =	vld.idx.msk [tilespmem:v1+s5+$0x0], $0xffff  }
0xec: {  	v2 =	vld.idx.msk [tilespmem:v2+s5+$0x0], $0xffff  }
0xed: {  	v3 =	vld.idx.msk [tilespmem:v3+s5+$0x0], $0xffff  }
0xee: {  	v4 =	vld.idx.msk [tilespmem:v4+s5+$0x0], $0xffff  }
0xef: {  	v5 =	vld.idx.msk [tilespmem:v5+s5+$0x0], $0xffff  }
0xf0: {  	v6 =	vld.idx.msk [tilespmem:v6+s5+$0x0], $0xffff  }
0xf1: {  	v7 =	vld.idx.msk [tilespmem:v7+s5+$0x0], $0xffff;
	[tilespmem:s25+$0x1EA80] =	vst v0  }
0xf2: {  	[tilespmem:s25+$0x1EA90] =	vst v1  }
0xf3: {  	s24 =	sadd.s32 $0x80, s24;
	s20 =	sadd.s32 $0x1, s20;
	[tilespmem:s25+$0x1EAA0] =	vst v2  }
0xf4: {  	p1 =	sne.s32 s24, $0xA00;
	s29 =	rddreg [dreg:$0x6];
	s30 =	sand.u32 $0xFFFFE000, s22;
	[tilespmem:s25+$0x1EAB0] =	vst v3  }
.Ltmp2:
0xf5: {  	s26 =	sadd.s32 s29, s30;
	s31 =	sand.u32 $0x380, s21;
	[tilespmem:s25+$0x1EAC0] =	vst v4;
	(pc) =	sbr.rel @p1 .LBB2_3-.Ltmp2, $4  }
0xf6: {  	s18 =	sadd.s32 $0x1, s18;
	s23 =	sadd.s32 $0x400, s23;
	s26 =	sor.u32 s31, s26;
	[tilespmem:s25+$0x1EAD0] =	vst v5  }
0xf7: {  	s22 =	sadd.s32 $0x5000, s22;
	s29 =	rddreg [dreg:$0x7];
	s26 =	sshrl.u32 s26, $0x3;
	[tilespmem:s25+$0x1EAE0] =	vst v6  }
0xf8: {  	s30 =	sadd.s32 $0x1E700, s25;
	s21 =	sadd.s32 $0xA00, s21;
	s31 =	sadd.s32 s29, s26;
	[tilespmem:s25+$0x1EAF0] =	vst v7  }
0xf9: {  	[hbm4b:s31+s14] =	stream.strided.scatter [tilespmem:s30], [sflag:$0x2], $0x400, s15, s14, $0x38;
	[tilespmem:$0x1F700] =	vst v63  }
0xfa: {  	p1 =	sne.s32 s19, s7  }
.Ltmp3:
0xfb: {  	_ = 	snop;
	(pc) =	sbr.rel @p1 .LBB2_2-.Ltmp3, $3  }
0xfc: {  	_ =	sdelay $0x1  }
0xfd: {  	s20 =	sadd.s32 $0x1, s19  }
0xfe: {  	s19 =	smov.u32 s20  }
.Ltmp4:
0xff: {  	(pc) =	sbr.rel @p0 .LBB2_8-.Ltmp4, $1  }
0x100: {  	_ =	sdelay $0x3  }
0x101: {  	s19 =	simm.s32 $0x0  }
0x102: {  	[tilespmem:s19], [sflag:$0x1] =	stream.strided.gather [hbm4b:s6+s14], $0x18700, s15, s14, $0x38;
	[tilespmem:$0x1F700] =	vst v63  }
0x103: {  	_ =	swait.ge [sflag:s13], $0x18700  }
0x104: {  	s20 =	simm.s32 $0x0;
	s21 =	smov.u32 s10;
	[sflag:s13] =	ssyncset.done $0x0  }
0x105: {  	s22 =	smov.u32 s9;
	s23 =	simm.s32 $0x0;
	[sflag:s13] =	ssyncadd.s32 $0xFFFE7900  }
.LBB2_7:
0x106: {  	_ =	swait.ge [sflag:s16], $0x400  }
0x107: {  	s24 =	sand.u32 $0x6000, s20;
	s25 =	sand.u32 $0x380, s23;
	[sflag:s16] =	ssyncset.done $0x0  }
0x108: {  	s24 =	sor.u32 s25, s24;
	[sflag:s16] =	ssyncadd.s32 $0xFFFFFC00  }
0x109: {  	s25 =	sadd.s32 $0x18700, s24;
	v0 =	vld [tilespmem:s24+$0x18700]  }
0x10a: {  	v1 =	vld [tilespmem:s25+$0x10]  }
0x10b: {  	v2 =	vld [tilespmem:s25+$0x20]  }
0x10c: {  	v3 =	vld [tilespmem:s25+$0x30]  }
0x10d: {  	v4 =	vld [tilespmem:s25+$0x40]  }
0x10e: {  	v5 =	vld [tilespmem:s25+$0x50]  }
0x10f: {  	v6 =	vld [tilespmem:s25+$0x60]  }
0x110: {  	v7 =	vld [tilespmem:s25+$0x70]  }
0x111: {  	s28 =	sshra.s32 s18, $0x1F;
	v0 =	vld.idx.msk [tilespmem:v0+s5+$0x0], $0xffff  }
0x112: {  	s24 =	sshrl.u32 s28, $0x1E;
	v1 =	vld.idx.msk [tilespmem:v1+s5+$0x0], $0xffff  }
0x113: {  	s24 =	sadd.s32 s24, s18;
	v2 =	vld.idx.msk [tilespmem:v2+s5+$0x0], $0xffff  }
0x114: {  	s24 =	sand.u32 $0xFFFFC, s24;
	v3 =	vld.idx.msk [tilespmem:v3+s5+$0x0], $0xffff  }
0x115: {  	s24 =	ssub.s32 s18, s24;
	v4 =	vld.idx.msk [tilespmem:v4+s5+$0x0], $0xffff  }
0x116: {  	s24 =	sshll.u32 s24, $0xC;
	v5 =	vld.idx.msk [tilespmem:v5+s5+$0x0], $0xffff  }
0x117: {  	s24 =	sshra.s32 s24, $0x2;
	v6 =	vld.idx.msk [tilespmem:v6+s5+$0x0], $0xffff  }
0x118: {  	v7 =	vld.idx.msk [tilespmem:v7+s5+$0x0], $0xffff;
	[tilespmem:s24+$0x1E700] =	vst v0  }
0x119: {  	[tilespmem:s24+$0x1E710] =	vst v1  }
0x11a: {  	[tilespmem:s24+$0x1E720] =	vst v2  }
0x11b: {  	[tilespmem:s24+$0x1E730] =	vst v3  }
0x11c: {  	[tilespmem:s24+$0x1E740] =	vst v4  }
0x11d: {  	[tilespmem:s24+$0x1E750] =	vst v5  }
0x11e: {  	[tilespmem:s24+$0x1E760] =	vst v6  }
0x11f: {  	[tilespmem:s24+$0x1E770] =	vst v7  }
0x120: {  	v0 =	vld [tilespmem:s25+$0x400]  }
0x121: {  	v1 =	vld [tilespmem:s25+$0x410]  }
0x122: {  	v2 =	vld [tilespmem:s25+$0x420]  }
0x123: {  	v3 =	vld [tilespmem:s25+$0x430]  }
0x124: {  	v4 =	vld [tilespmem:s25+$0x440]  }
0x125: {  	v5 =	vld [tilespmem:s25+$0x450]  }
0x126: {  	v6 =	vld [tilespmem:s25+$0x460]  }
0x127: {  	v7 =	vld [tilespmem:s25+$0x470]  }
0x128: {  	v0 =	vld.idx.msk [tilespmem:v0+s5+$0x0], $0xffff  }
0x129: {  	v1 =	vld.idx.msk [tilespmem:v1+s5+$0x0], $0xffff  }
0x12a: {  	v2 =	vld.idx.msk [tilespmem:v2+s5+$0x0], $0xffff  }
0x12b: {  	v3 =	vld.idx.msk [tilespmem:v3+s5+$0x0], $0xffff  }
0x12c: {  	v4 =	vld.idx.msk [tilespmem:v4+s5+$0x0], $0xffff  }
0x12d: {  	v5 =	vld.idx.msk [tilespmem:v5+s5+$0x0], $0xffff  }
0x12e: {  	v6 =	vld.idx.msk [tilespmem:v6+s5+$0x0], $0xffff  }
0x12f: {  	v7 =	vld.idx.msk [tilespmem:v7+s5+$0x0], $0xffff;
	[tilespmem:s24+$0x1E780] =	vst v0  }
0x130: {  	[tilespmem:s24+$0x1E790] =	vst v1  }
0x131: {  	[tilespmem:s24+$0x1E7A0] =	vst v2  }
0x132: {  	[tilespmem:s24+$0x1E7B0] =	vst v3  }
0x133: {  	[tilespmem:s24+$0x1E7C0] =	vst v4  }
0x134: {  	[tilespmem:s24+$0x1E7D0] =	vst v5  }
0x135: {  	[tilespmem:s24+$0x1E7E0] =	vst v6  }
0x136: {  	[tilespmem:s24+$0x1E7F0] =	vst v7  }
0x137: {  	v0 =	vld [tilespmem:s25+$0x800]  }
0x138: {  	v1 =	vld [tilespmem:s25+$0x810]  }
0x139: {  	v2 =	vld [tilespmem:s25+$0x820]  }
0x13a: {  	v3 =	vld [tilespmem:s25+$0x830]  }
0x13b: {  	v4 =	vld [tilespmem:s25+$0x840]  }
0x13c: {  	v5 =	vld [tilespmem:s25+$0x850]  }
0x13d: {  	v6 =	vld [tilespmem:s25+$0x860]  }
0x13e: {  	v7 =	vld [tilespmem:s25+$0x870]  }
0x13f: {  	v0 =	vld.idx.msk [tilespmem:v0+s5+$0x0], $0xffff  }
0x140: {  	v1 =	vld.idx.msk [tilespmem:v1+s5+$0x0], $0xffff  }
0x141: {  	v2 =	vld.idx.msk [tilespmem:v2+s5+$0x0], $0xffff  }
0x142: {  	v3 =	vld.idx.msk [tilespmem:v3+s5+$0x0], $0xffff  }
0x143: {  	v4 =	vld.idx.msk [tilespmem:v4+s5+$0x0], $0xffff  }
0x144: {  	v5 =	vld.idx.msk [tilespmem:v5+s5+$0x0], $0xffff  }
0x145: {  	v6 =	vld.idx.msk [tilespmem:v6+s5+$0x0], $0xffff  }
0x146: {  	v7 =	vld.idx.msk [tilespmem:v7+s5+$0x0], $0xffff;
	[tilespmem:s24+$0x1E800] =	vst v0  }
0x147: {  	[tilespmem:s24+$0x1E810] =	vst v1  }
0x148: {  	[tilespmem:s24+$0x1E820] =	vst v2  }
0x149: {  	[tilespmem:s24+$0x1E830] =	vst v3  }
0x14a: {  	[tilespmem:s24+$0x1E840] =	vst v4  }
0x14b: {  	[tilespmem:s24+$0x1E850] =	vst v5  }
0x14c: {  	[tilespmem:s24+$0x1E860] =	vst v6  }
0x14d: {  	[tilespmem:s24+$0x1E870] =	vst v7  }
0x14e: {  	v0 =	vld [tilespmem:s25+$0xC00]  }
0x14f: {  	v1 =	vld [tilespmem:s25+$0xC10]  }
0x150: {  	v2 =	vld [tilespmem:s25+$0xC20]  }
0x151: {  	v3 =	vld [tilespmem:s25+$0xC30]  }
0x152: {  	v4 =	vld [tilespmem:s25+$0xC40]  }
0x153: {  	v5 =	vld [tilespmem:s25+$0xC50]  }
0x154: {  	v6 =	vld [tilespmem:s25+$0xC60]  }
0x155: {  	v7 =	vld [tilespmem:s25+$0xC70]  }
0x156: {  	v0 =	vld.idx.msk [tilespmem:v0+s5+$0x0], $0xffff  }
0x157: {  	v1 =	vld.idx.msk [tilespmem:v1+s5+$0x0], $0xffff  }
0x158: {  	v2 =	vld.idx.msk [tilespmem:v2+s5+$0x0], $0xffff  }
0x159: {  	v3 =	vld.idx.msk [tilespmem:v3+s5+$0x0], $0xffff  }
0x15a: {  	v4 =	vld.idx.msk [tilespmem:v4+s5+$0x0], $0xffff  }
0x15b: {  	v5 =	vld.idx.msk [tilespmem:v5+s5+$0x0], $0xffff  }
0x15c: {  	v6 =	vld.idx.msk [tilespmem:v6+s5+$0x0], $0xffff  }
0x15d: {  	v7 =	vld.idx.msk [tilespmem:v7+s5+$0x0], $0xffff;
	[tilespmem:s24+$0x1E880] =	vst v0  }
0x15e: {  	[tilespmem:s24+$0x1E890] =	vst v1  }
0x15f: {  	[tilespmem:s24+$0x1E8A0] =	vst v2  }
0x160: {  	[tilespmem:s24+$0x1E8B0] =	vst v3  }
0x161: {  	[tilespmem:s24+$0x1E8C0] =	vst v4  }
0x162: {  	[tilespmem:s24+$0x1E8D0] =	vst v5  }
0x163: {  	[tilespmem:s24+$0x1E8E0] =	vst v6  }
0x164: {  	[tilespmem:s24+$0x1E8F0] =	vst v7  }
0x165: {  	v0 =	vld [tilespmem:s25+$0x1000]  }
0x166: {  	v1 =	vld [tilespmem:s25+$0x1010]  }
0x167: {  	v2 =	vld [tilespmem:s25+$0x1020]  }
0x168: {  	v3 =	vld [tilespmem:s25+$0x1030]  }
0x169: {  	v4 =	vld [tilespmem:s25+$0x1040]  }
0x16a: {  	v5 =	vld [tilespmem:s25+$0x1050]  }
0x16b: {  	v6 =	vld [tilespmem:s25+$0x1060]  }
0x16c: {  	v7 =	vld [tilespmem:s25+$0x1070]  }
0x16d: {  	v0 =	vld.idx.msk [tilespmem:v0+s5+$0x0], $0xffff  }
0x16e: {  	v1 =	vld.idx.msk [tilespmem:v1+s5+$0x0], $0xffff  }
0x16f: {  	v2 =	vld.idx.msk [tilespmem:v2+s5+$0x0], $0xffff  }
0x170: {  	v3 =	vld.idx.msk [tilespmem:v3+s5+$0x0], $0xffff  }
0x171: {  	v4 =	vld.idx.msk [tilespmem:v4+s5+$0x0], $0xffff  }
0x172: {  	v5 =	vld.idx.msk [tilespmem:v5+s5+$0x0], $0xffff  }
0x173: {  	v6 =	vld.idx.msk [tilespmem:v6+s5+$0x0], $0xffff  }
0x174: {  	v7 =	vld.idx.msk [tilespmem:v7+s5+$0x0], $0xffff;
	[tilespmem:s24+$0x1E900] =	vst v0  }
0x175: {  	[tilespmem:s24+$0x1E910] =	vst v1  }
0x176: {  	[tilespmem:s24+$0x1E920] =	vst v2  }
0x177: {  	[tilespmem:s24+$0x1E930] =	vst v3  }
0x178: {  	[tilespmem:s24+$0x1E940] =	vst v4  }
0x179: {  	[tilespmem:s24+$0x1E950] =	vst v5  }
0x17a: {  	[tilespmem:s24+$0x1E960] =	vst v6  }
0x17b: {  	[tilespmem:s24+$0x1E970] =	vst v7  }
0x17c: {  	v0 =	vld [tilespmem:s25+$0x1400]  }
0x17d: {  	v1 =	vld [tilespmem:s25+$0x1410]  }
0x17e: {  	v2 =	vld [tilespmem:s25+$0x1420]  }
0x17f: {  	v3 =	vld [tilespmem:s25+$0x1430]  }
0x180: {  	v4 =	vld [tilespmem:s25+$0x1440]  }
0x181: {  	v5 =	vld [tilespmem:s25+$0x1450]  }
0x182: {  	v6 =	vld [tilespmem:s25+$0x1460]  }
0x183: {  	v7 =	vld [tilespmem:s25+$0x1470]  }
0x184: {  	v0 =	vld.idx.msk [tilespmem:v0+s5+$0x0], $0xffff  }
0x185: {  	v1 =	vld.idx.msk [tilespmem:v1+s5+$0x0], $0xffff  }
0x186: {  	v2 =	vld.idx.msk [tilespmem:v2+s5+$0x0], $0xffff  }
0x187: {  	v3 =	vld.idx.msk [tilespmem:v3+s5+$0x0], $0xffff  }
0x188: {  	v4 =	vld.idx.msk [tilespmem:v4+s5+$0x0], $0xffff  }
0x189: {  	v5 =	vld.idx.msk [tilespmem:v5+s5+$0x0], $0xffff  }
0x18a: {  	v6 =	vld.idx.msk [tilespmem:v6+s5+$0x0], $0xffff  }
0x18b: {  	v7 =	vld.idx.msk [tilespmem:v7+s5+$0x0], $0xffff;
	[tilespmem:s24+$0x1E980] =	vst v0  }
0x18c: {  	[tilespmem:s24+$0x1E990] =	vst v1  }
0x18d: {  	[tilespmem:s24+$0x1E9A0] =	vst v2  }
0x18e: {  	[tilespmem:s24+$0x1E9B0] =	vst v3  }
0x18f: {  	[tilespmem:s24+$0x1E9C0] =	vst v4  }
0x190: {  	[tilespmem:s24+$0x1E9D0] =	vst v5  }
0x191: {  	[tilespmem:s24+$0x1E9E0] =	vst v6  }
0x192: {  	[tilespmem:s24+$0x1E9F0] =	vst v7  }
0x193: {  	v0 =	vld [tilespmem:s25+$0x1800]  }
0x194: {  	v1 =	vld [tilespmem:s25+$0x1810]  }
0x195: {  	v2 =	vld [tilespmem:s25+$0x1820]  }
0x196: {  	v3 =	vld [tilespmem:s25+$0x1830]  }
0x197: {  	v4 =	vld [tilespmem:s25+$0x1840]  }
0x198: {  	v5 =	vld [tilespmem:s25+$0x1850]  }
0x199: {  	v6 =	vld [tilespmem:s25+$0x1860]  }
0x19a: {  	v7 =	vld [tilespmem:s25+$0x1870]  }
0x19b: {  	v0 =	vld.idx.msk [tilespmem:v0+s5+$0x0], $0xffff  }
0x19c: {  	v1 =	vld.idx.msk [tilespmem:v1+s5+$0x0], $0xffff  }
0x19d: {  	v2 =	vld.idx.msk [tilespmem:v2+s5+$0x0], $0xffff  }
0x19e: {  	v3 =	vld.idx.msk [tilespmem:v3+s5+$0x0], $0xffff  }
0x19f: {  	v4 =	vld.idx.msk [tilespmem:v4+s5+$0x0], $0xffff  }
0x1a0: {  	v5 =	vld.idx.msk [tilespmem:v5+s5+$0x0], $0xffff  }
0x1a1: {  	v6 =	vld.idx.msk [tilespmem:v6+s5+$0x0], $0xffff  }
0x1a2: {  	v7 =	vld.idx.msk [tilespmem:v7+s5+$0x0], $0xffff;
	[tilespmem:s24+$0x1EA00] =	vst v0  }
0x1a3: {  	[tilespmem:s24+$0x1EA10] =	vst v1  }
0x1a4: {  	[tilespmem:s24+$0x1EA20] =	vst v2  }
0x1a5: {  	[tilespmem:s24+$0x1EA30] =	vst v3  }
0x1a6: {  	s29 =	sand.u32 $0x7, s19;
	[tilespmem:s24+$0x1EA40] =	vst v4  }
0x1a7: {  	s25 =	sshll.u32 s29, $0x7;
	[tilespmem:s24+$0x1EA50] =	vst v5  }
0x1a8: {  	s25 =	sadd.s32 s25, s20;
	[tilespmem:s24+$0x1EA60] =	vst v6  }
0x1a9: {  	s26 =	sor.u32 $0x1C00, s25;
	[tilespmem:s24+$0x1EA70] =	vst v7  }
0x1aa: {  	s30 =	sor.u32 $0x1C10, s25;
	v0 =	vld [tilespmem:s26+$0x18700]  }
0x1ab: {  	s31 =	sor.u32 $0x1C20, s25;
	v1 =	vld [tilespmem:s30+$0x18700]  }
0x1ac: {  	s28 =	sor.u32 $0x1C30, s25;
	v2 =	vld [tilespmem:s31+$0x18700]  }
0x1ad: {  	s29 =	sor.u32 $0x1C40, s25;
	v3 =	vld [tilespmem:s28+$0x18700]  }
0x1ae: {  	v4 =	vld [tilespmem:s29+$0x18700];
	s30 =	sor.u32 $0x1C50, s25  }
0x1af: {  	s31 =	sor.u32 $0x1C60, s25;
	v5 =	vld [tilespmem:s30+$0x18700]  }
0x1b0: {  	s25 =	sor.u32 $0x1C70, s25;
	v6 =	vld [tilespmem:s31+$0x18700]  }
0x1b1: {  	v7 =	vld [tilespmem:s25+$0x18700]  }
0x1b2: {  	v0 =	vld.idx.msk [tilespmem:v0+s5+$0x0], $0xffff  }
0x1b3: {  	v1 =	vld.idx.msk [tilespmem:v1+s5+$0x0], $0xffff  }
0x1b4: {  	v2 =	vld.idx.msk [tilespmem:v2+s5+$0x0], $0xffff  }
0x1b5: {  	v3 =	vld.idx.msk [tilespmem:v3+s5+$0x0], $0xffff  }
0x1b6: {  	v4 =	vld.idx.msk [tilespmem:v4+s5+$0x0], $0xffff  }
0x1b7: {  	v5 =	vld.idx.msk [tilespmem:v5+s5+$0x0], $0xffff  }
0x1b8: {  	v6 =	vld.idx.msk [tilespmem:v6+s5+$0x0], $0xffff  }
0x1b9: {  	v7 =	vld.idx.msk [tilespmem:v7+s5+$0x0], $0xffff;
	[tilespmem:s24+$0x1EA80] =	vst v0  }
0x1ba: {  	[tilespmem:s24+$0x1EA90] =	vst v1  }
0x1bb: {  	[tilespmem:s24+$0x1EAA0] =	vst v2  }
0x1bc: {  	p1 =	sne.s32 s23, $0x980;
	s19 =	sadd.s32 $0x1, s19;
	[tilespmem:s24+$0x1EAB0] =	vst v3  }
.Ltmp5:
0x1bd: {  	s23 =	sadd.s32 $0x80, s23;
	s18 =	sadd.s32 $0x1, s18;
	[tilespmem:s24+$0x1EAC0] =	vst v4;
	(pc) =	sbr.rel @p1 .LBB2_7-.Ltmp5, $4  }
0x1be: {  	s20 =	sadd.s32 $0x400, s20;
	s26 =	rddreg [dreg:$0x8];
	s29 =	sand.u32 $0x70, s22;
	[tilespmem:s24+$0x1EAD0] =	vst v5  }
0x1bf: {  	s28 =	sand.u32 $0x3FC00, s21;
	s22 =	sadd.s32 $0x140, s22;
	s25 =	sadd.s32 s26, s29;
	[tilespmem:s24+$0x1EAE0] =	vst v6  }
0x1c0: {  	s21 =	sadd.s32 $0xA00, s21;
	s30 =	sadd.s32 $0x1E700, s24;
	s31 =	sadd.s32 s28, s25;
	[tilespmem:s24+$0x1EAF0] =	vst v7  }
0x1c1: {  	[hbm4b:s31+s14] =	stream.strided.scatter [tilespmem:s30], [sflag:$0x2], $0x400, s15, s14, $0x38;
	[tilespmem:$0x1F700] =	vst v63  }
.Ltmp6:
0x1c2: {  	_ = 	snop;
	(pc) =	sbr.rel .LBB2_8-.Ltmp6, $1  }
0x1c3: {  	_ =	sdelay $0x3  }
.LBB2_9:
0x1c4: {  	_ =	sfence.sel $0x180000  }
0x1c5: {  	[bflag:$0x0] =	sbarrier.arrive $0xFFFF  }
0x1c6: {  	p0 =	sne.s32 s0, $0x0;
	_ =	strace $0x90000047  }
0x1c7: {  	s0 =	sadd.s32 @!p0 $0x100000, s4;
	[bflag:$0x2] =	sbarrier.arrive $0xFFFF  }
0x1c8: {  	[sflag:s0] =	ssyncadd.tile.s32 @!p0 $0x1;
	_ =	shalt  }
.Lfunc_end2:
_tile_overlayer_lowered:
.L_overlay_start_2:
0x1c9: {  	(tag) =	ssettag $0x2  }
0x1ca: {  	s0 =	rddreg [dreg:$0x0];
	s2 =	stileid.u32  }
0x1cb: {  	s1 =	rddreg [dreg:$0x1];
	p0 =	sne.s32 s2, $0x0  }
0x1cc: {  	s3 =	rddreg [dreg:$0x2];
	[bflag:$0x3] =	sbarrier.arrive $0xFFFF;
	s2 =	simm.s32 @!p0 $0x1C03  }
0x1cd: {  	[timem:s3], [sflag:s2] =	dma.local @!p0 [hbm:s0], s1  }
0x1ce: {  	s0 =	simm.s32 @!p0 $0x3  }
0x1cf: {  	_ =	swait.ge @!p0 [sflag:s0], s1  }
0x1d0: {  	s1 =	ssub.s32 @!p0 $0x0, s1;
	[sflag:s0] =	ssyncset.done @!p0 $0x0  }
0x1d1: {  	[sflag:s0] =	ssyncadd.s32 @!p0 s1  }
0x1d2: {  	[bflag:$0x3] =	sbarrier.arrive $0xFFFF  }
0x1d3: {  	_ =	shalt  }

</sc_bundles>
